<compile_context>
chip_gen: v7x
topology: tpu7x:2x2x1
jax: 0.10.2.dev20260603
libtpu: 0.0.44.dev20260713+nightly
codegen_flags: <defaults>
</compile_context>

<pallas_src>
import functools

import jax
import jax.numpy as jnp
from jax import lax
from jax.experimental import pallas as pl
from jax.experimental.pallas import tpu as pltpu
from jax.experimental.pallas import tpu_sc as plsc

_NUM_ET = 4
_L = 16
_NC = 2
_NS = 16
_NW = _NC * _NS
_Q = 2048
_W = 8000


def _gth(x, idx):
    return lax.gather(
        x, idx[:, None],
        dimension_numbers=lax.GatherDimensionNumbers(
            offset_dims=(), collapsed_slice_dims=(0,), start_index_map=(0,)),
        slice_sizes=(1,), mode=lax.GatherScatterMode.PROMISE_IN_BOUNDS)


def _coalesce_sc(sr, sc, sq, filt8):
    ET = sr.shape[0]
    C = ET // _NW
    assert ET == C * _NW and C % _W == 0 and _W % _L == 0
    NWIN = C // _W
    NV = _W // _L
    CPAD = ((C + 2 * _Q) + _Q - 1) // _Q * _Q

    mesh = plsc.VectorSubcoreMesh(core_axis_name="c", subcore_axis_name="s")

    def body(r_hbm, c_hbm, q_hbm, filt_hbm,
             scr_r, scr_c, scr_s0, scr_s1, cnt_hbm,
             rv, cv, qv, filt_v, st_r, st_c, st_0, st_1, cntv,
             fill_s, qout_s, emit_s):
        wid = lax.axis_index("s") * _NC + lax.axis_index("c")
        base = wid * C
        obase = wid * CPAD
        iota = lax.broadcasted_iota(jnp.int32, (_L,), 0)
        rotidx = (iota + 15) & 15
        l0 = iota == 0
        fif = jnp.broadcast_to(jnp.int32(15), (_L,))
        fill_s[0] = 0
        qout_s[0] = 0
        emit_s[0] = 0
        pltpu.sync_copy(filt_hbm, filt_v)

        def rot1(x):
            return _gth(x, rotidx)

        def splat_last(x):
            return _gth(x, fif)

        def flush(q):
            dst = pl.multiple_of(obase + q, _Q)
            pltpu.sync_copy(st_r.at[pl.ds(0, _Q)], scr_r.at[pl.ds(dst, _Q)])
            pltpu.sync_copy(st_c.at[pl.ds(0, _Q)], scr_c.at[pl.ds(dst, _Q)])
            pltpu.sync_copy(st_0.at[pl.ds(0, _Q)], scr_s0.at[pl.ds(dst, _Q)])
            pltpu.sync_copy(st_1.at[pl.ds(0, _Q)], scr_s1.at[pl.ds(dst, _Q)])

        def flush_if_full():
            @pl.when(fill_s[0] >= _Q)
            def _():
                flush(qout_s[0])
                st_r[pl.ds(0, _L)] = st_r[pl.ds(_Q, _L)]
                st_c[pl.ds(0, _L)] = st_c[pl.ds(_Q, _L)]
                st_0[pl.ds(0, _L)] = st_0[pl.ds(_Q, _L)]
                st_1[pl.ds(0, _L)] = st_1[pl.ds(_Q, _L)]
                fill_s[0] = fill_s[0] - _Q
                qout_s[0] = qout_s[0] + _Q

        def emit(pr, pc, t0, t1, mask):
            f = fill_s[0]
            plsc.store_compressed(st_r.at[pl.ds(f, _L)], pr, mask=mask)
            plsc.store_compressed(st_c.at[pl.ds(f, _L)], pc, mask=mask)
            plsc.store_compressed(st_0.at[pl.ds(f, _L)], t0, mask=mask)
            plsc.store_compressed(st_1.at[pl.ds(f, _L)], t1, mask=mask)
            k = jnp.sum(mask.astype(jnp.int32), dtype=jnp.int32)
            fill_s[0] = f + k
            emit_s[0] = emit_s[0] + k
            flush_if_full()

        def win_body(win, carry):
            wbase = base + win * _W
            pltpu.sync_copy(r_hbm.at[pl.ds(wbase, _W)], rv)
            pltpu.sync_copy(c_hbm.at[pl.ds(wbase, _W)], cv)
            pltpu.sync_copy(q_hbm.at[pl.ds(wbase, _W)], qv)

            def vreg_body(i, car):
                cr, cc, o0, o1 = car
                off = i * _L
                r = rv[pl.ds(off, _L)]
                c = cv[pl.ds(off, _L)]
                qi = qv[pl.ds(off, _L)]
                t = qi & 3
                val = lax.bitcast_convert_type(qi & ~3, jnp.float32)
                f0t = plsc.load_gather(filt_v, [t])
                f1t = plsc.load_gather(filt_v, [t | 4])
                a0x = val * f0t
                a1x = val * f1t
                pr = jnp.where(l0, cr, rot1(r))
                pc = jnp.where(l0, cc, rot1(c))
                newf = (r != pr) | (c != pc)
                S0 = plsc.cumsum(a0x) + o0
                S1 = plsc.cumsum(a1x) + o1
                E0 = jnp.where(l0, o0, rot1(S0))
                E1 = jnp.where(l0, o1, rot1(S1))
                B0 = jnp.where(newf, E0, 0.0)
                B1 = jnp.where(newf, E1, 0.0)
                CM0 = plsc.cummax(B0)
                CM1 = plsc.cummax(B1)
                last0 = jnp.where(l0, 0.0, rot1(CM0))
                last1 = jnp.where(l0, 0.0, rot1(CM1))
                emit(pr, pc, E0 - last0, E1 - last1, newf)
                no0 = splat_last(S0) - splat_last(CM0)
                no1 = splat_last(S1) - splat_last(CM1)
                return splat_last(r), splat_last(c), no0, no1

            return lax.fori_loop(jnp.int32(0), jnp.int32(NV), vreg_body, carry)

        init = (jnp.broadcast_to(jnp.int32(-1), (_L,)),
                jnp.broadcast_to(jnp.int32(-1), (_L,)),
                jnp.zeros((_L,), jnp.float32), jnp.zeros((_L,), jnp.float32))
        cr, cc, o0, o1 = lax.fori_loop(jnp.int32(0), jnp.int32(NWIN), win_body, init)

        emit(cr, cc, o0, o1, l0)
        flush(qout_s[0])
        cntv[...] = jnp.broadcast_to(emit_s[0], (_L,)).astype(jnp.int32)
        pltpu.sync_copy(cntv, cnt_hbm.at[pl.ds(wid * _L, _L)])

    f = pl.kernel(
        body,
        out_type=(
            jax.ShapeDtypeStruct((_NW * CPAD,), jnp.int32),
            jax.ShapeDtypeStruct((_NW * CPAD,), jnp.int32),
            jax.ShapeDtypeStruct((_NW * CPAD,), jnp.float32),
            jax.ShapeDtypeStruct((_NW * CPAD,), jnp.float32),
            jax.ShapeDtypeStruct((_NW * _L,), jnp.int32),
        ),
        mesh=mesh,
        scratch_types=[
            pltpu.VMEM((_W,), jnp.int32),
            pltpu.VMEM((_W,), jnp.int32),
            pltpu.VMEM((_W,), jnp.int32),
            pltpu.VMEM((_L,), jnp.float32),
            pltpu.VMEM((_Q + _L,), jnp.int32),
            pltpu.VMEM((_Q + _L,), jnp.int32),
            pltpu.VMEM((_Q + _L,), jnp.float32),
            pltpu.VMEM((_Q + _L,), jnp.float32),
            pltpu.VMEM((_L,), jnp.int32),
            pltpu.SMEM((1,), jnp.int32),
            pltpu.SMEM((1,), jnp.int32),
            pltpu.SMEM((1,), jnp.int32),
        ],
        compiler_params=pltpu.CompilerParams(needs_layout_passes=False),
    )
    return f(sr, sc, sq, filt8)


def kernel(edge_index_0, edge_value_0, edge_index_1, edge_value_1,
           edge_index_2, edge_value_2, edge_index_3, edge_value_3,
           weight, num_nodes):
    filt = jax.nn.softmax(weight, axis=1)
    eidx = [edge_index_0, edge_index_1, edge_index_2, edge_index_3]
    evals = [edge_value_0, edge_value_1, edge_value_2, edge_value_3]
    okd = (eidx[0][0, :1].astype(jnp.int64) * 1).dtype
    rows = jnp.concatenate([e[0] for e in eidx]).astype(jnp.int32)
    cols = jnp.concatenate([e[1] for e in eidx]).astype(jnp.int32)
    E = evals[0].shape[0]
    vals = jnp.concatenate(evals)
    tvec = jnp.repeat(jnp.arange(_NUM_ET, dtype=jnp.int32), E)
    q = (lax.bitcast_convert_type(vals, jnp.int32) & ~3) | tvec
    sr, sc, sq = lax.sort((rows, cols, q), num_keys=2, is_stable=False)
    filt8 = jnp.zeros((_L,), jnp.float32)
    filt8 = filt8.at[0:4].set(filt[0]).at[4:8].set(filt[1])

    ET = sr.shape[0]
    C = ET // _NW
    CPAD = ((C + 2 * _Q) + _Q - 1) // _Q * _Q
    fr, fc, f0, f1, cntf = _coalesce_sc(sr, sc, sq, filt8)
    scr_r = fr.reshape(_NW, CPAD)
    scr_c = fc.reshape(_NW, CPAD)
    scr_s0 = f0.reshape(_NW, CPAD)
    scr_s1 = f1.reshape(_NW, CPAD)
    cnt = cntf.reshape(_NW, _L)[:, 0]

    w = jnp.arange(_NW)
    first_r = scr_r[:, 1]
    first_c = scr_c[:, 1]
    first_s0 = scr_s0[:, 1]
    first_s1 = scr_s1[:, 1]
    last_i = cnt - 1
    last_r = jnp.take_along_axis(scr_r, last_i[:, None], axis=1)[:, 0]
    last_c = jnp.take_along_axis(scr_c, last_i[:, None], axis=1)[:, 0]
    cond = (first_r == jnp.roll(last_r, 1)) & (first_c == jnp.roll(last_c, 1))
    cond = cond.at[0].set(False)
    head = lax.associative_scan(jnp.maximum, jnp.where(~cond, w, -1))
    dele = cond.astype(jnp.int32)
    tgt_col = jnp.take(cnt, head) - 1
    scr_s0 = scr_s0.at[head, tgt_col].add(jnp.where(cond, first_s0, 0.0))
    scr_s1 = scr_s1.at[head, tgt_col].add(jnp.where(cond, first_s1, 0.0))
    cnt_eff = cnt - 1 - dele
    g = jnp.cumsum(cnt_eff) - cnt_eff
    nuniq = jnp.sum(cnt_eff)

    out_r = jnp.zeros((ET,), jnp.int32)
    out_c = jnp.zeros((ET,), jnp.int32)
    out_0 = jnp.zeros((ET,), jnp.float32)
    out_1 = jnp.zeros((ET,), jnp.float32)
    for i in range(_NW):
        s = 1 + dele[i]
        ii = jnp.asarray(i, s.dtype)
        gi = g[i].astype(s.dtype)
        out_r = lax.dynamic_update_slice(
            out_r, lax.dynamic_slice(scr_r, (ii, s), (1, C))[0], (gi,))
        out_c = lax.dynamic_update_slice(
            out_c, lax.dynamic_slice(scr_c, (ii, s), (1, C))[0], (gi,))
        out_0 = lax.dynamic_update_slice(
            out_0, lax.dynamic_slice(scr_s0, (ii, s), (1, C))[0], (gi,))
        out_1 = lax.dynamic_update_slice(
            out_1, lax.dynamic_slice(scr_s1, (ii, s), (1, C))[0], (gi,))

    pos = jnp.arange(ET)
    valid = pos < nuniq
    row = jnp.where(valid, out_r.astype(okd), jnp.asarray(-1, okd))
    col = jnp.where(valid, out_c.astype(okd),
                    (jnp.asarray(-1, okd) % jnp.asarray(num_nodes, okd)))
    s0o = jnp.where(valid, out_0, 0.0)
    s1o = jnp.where(valid, out_1, 0.0)
    idx = jnp.stack([row, col])
    return idx, s0o, idx, s1o, filt

# --- scband reference (transcript-rebuilt; emitter-appended) ---
"""Pipeline reference for scband-gtns-61692910240527 (READ-ONLY COPY).

The authoritative reference and input builder live on the scoring server;
editing this copy changes nothing except your own understanding.
"""

import jax, jax.numpy as jnp
import numpy as np
jax.config.update("jax_enable_x64", True)

N = 100000
E = 1600000
NUM_ET = 4
NUM_CH = 2


def setup_inputs(seed: int = 0):
    key = jax.random.key(seed)
    inp = {}
    for j in range(NUM_ET):
        inp["edge_index_%d" % j] = jax.random.randint(jax.random.fold_in(key, 2 * j), (2, E), 0, N, dtype=jnp.int64)
        inp["edge_value_%d" % j] = jax.random.uniform(jax.random.fold_in(key, 2 * j + 1), (E,), dtype=jnp.float32)
    # learned parameter: GTConv.weight, shape (out_channels, in_channels), init constant 1/num_edge_types
    inp["weight"] = jnp.full((NUM_CH, NUM_ET), 1.0 / NUM_ET, dtype=jnp.float32)
    inp["num_nodes"] = N
    return inp


def _coalesce(index, value, num_nodes):
    # torch_sparse.coalesce(op='add'): sort edges by (row,col) key and sum duplicates
    keys = index[0].astype(jnp.int64) * num_nodes + index[1].astype(jnp.int64)
    uniq, inv = jnp.unique(keys, return_inverse=True, size=keys.shape[0], fill_value=-1)
    inv = inv.reshape(-1)
    summed = jax.ops.segment_sum(value, inv, num_segments=keys.shape[0])
    row = uniq // num_nodes
    col = uniq % num_nodes
    return jnp.stack([row, col]), summed


def reference(edge_index_0, edge_value_0, edge_index_1, edge_value_1, edge_index_2, edge_value_2, edge_index_3, edge_value_3, weight, num_nodes):
    # GTConv.forward: softmax over edge-type weights, per-channel weighted union of
    # all edge types, then coalesce (scatter-add duplicates) into one sparse adjacency per channel.
    filt = jax.nn.softmax(weight, axis=1)
    eidx = [edge_index_0, edge_index_1, edge_index_2, edge_index_3]
    evals = [edge_value_0, edge_value_1, edge_value_2, edge_value_3]
    total_index = jnp.concatenate(eidx, axis=1)
    out = []
    for i in range(NUM_CH):
        total_value = jnp.concatenate([evals[j] * filt[i, j] for j in range(NUM_ET)])
        idx, val = _coalesce(total_index, total_value, num_nodes)
        out.append(idx)
        out.append(val)
    return (*out, filt)

if __name__ == "__main__":
    import jax
    _d = setup_inputs()
    print(jax.jit(kernel)(*tuple(_d.values())))

</pallas_src>

<mosaic_0001>
#map = affine_map<(d0, d1) -> (0)>
module attributes {stable_mosaic.version = 14 : i64} {
  func.func @body(%arg0: i32, %arg1: i32, %arg2: memref<6400000xi32, #tpu.memory_space<hbm>>, %arg3: memref<6400000xi32, #tpu.memory_space<hbm>>, %arg4: memref<6400000xi32, #tpu.memory_space<hbm>>, %arg5: memref<16xf32, #tpu.memory_space<hbm>>, %arg6: memref<6553600xi32, #tpu.memory_space<hbm>>, %arg7: memref<6553600xi32, #tpu.memory_space<hbm>>, %arg8: memref<6553600xf32, #tpu.memory_space<hbm>>, %arg9: memref<6553600xf32, #tpu.memory_space<hbm>>, %arg10: memref<512xi32, #tpu.memory_space<hbm>>, %arg11: memref<8000xi32, #tpu.memory_space<vmem>>, %arg12: memref<8000xi32, #tpu.memory_space<vmem>>, %arg13: memref<8000xi32, #tpu.memory_space<vmem>>, %arg14: memref<16xf32, #tpu.memory_space<vmem>>, %arg15: memref<2064xi32, #tpu.memory_space<vmem>>, %arg16: memref<2064xi32, #tpu.memory_space<vmem>>, %arg17: memref<2064xf32, #tpu.memory_space<vmem>>, %arg18: memref<2064xf32, #tpu.memory_space<vmem>>, %arg19: memref<16xi32, #tpu.memory_space<vmem>>, %arg20: memref<1xi32, #tpu.memory_space<smem>>, %arg21: memref<1xi32, #tpu.memory_space<smem>>, %arg22: memref<1xi32, #tpu.memory_space<smem>>) attributes {dimension_semantics = [#tpu.dimension_semantics<core_parallel>, #tpu.dimension_semantics<subcore_parallel>], iteration_bounds = array<i64: 2, 16>, scalar_prefetch = 0 : i64, scratch_operands = 12 : i64, tpu.core_type = #tpu.core_type<sc_vector_subcore>, window_params = [{transform_indices = #map}, {transform_indices = #map}, {transform_indices = #map}, {transform_indices = #map}, {transform_indices = #map}, {transform_indices = #map}, {transform_indices = #map}, {transform_indices = #map}, {transform_indices = #map}]} {
    %mul3A = arith.constant 2 : i32
    %mul3A_0 = arith.muli %arg1, %mul3A : i32
    %add3A = arith.addi %mul3A_0, %arg0 : i32
    %mul3A_1 = arith.constant 200000 : i32
    %mul3A_2 = arith.muli %add3A, %mul3A_1 : i32
    %mul3A_3 = arith.constant 204800 : i32
    %mul3A_4 = arith.muli %add3A, %mul3A_3 : i32
    %iota3A = tpu.iota {dimensions = array<i32: 0>} : vector<16xi32>
    %add3A_5 = arith.constant 15 : i32
    %add3A_6 = vector.broadcast %add3A_5 : i32 to vector<16xi32>
    %add3A_7 = arith.addi %iota3A, %add3A_6 : vector<16xi32>
    %and3A = arith.constant 15 : i32
    %and3A_8 = vector.broadcast %and3A : i32 to vector<16xi32>
    %and3A_9 = arith.andi %add3A_7, %and3A_8 : vector<16xi32>
    %eq3A = arith.constant 0 : i32
    %eq3A_10 = vector.broadcast %eq3A : i32 to vector<16xi32>
    %eq3A_11 = arith.cmpi eq, %iota3A, %eq3A_10 : vector<16xi32>
    %broadcast_in_dim3A = arith.constant 15 : i32
    %broadcast_in_dim3A_12 = vector.broadcast %broadcast_in_dim3A : i32 to vector<16xi32>
    %swap3A = arith.constant 0 : i32
    %swap3A_13 = arith.constant 0 : i64
    %swap3A_14 = arith.index_cast %swap3A_13 : i64 to index
    %swap3A_15 = memref.load %arg20[%swap3A_14] : memref<1xi32, #tpu.memory_space<smem>>
    memref.store %swap3A, %arg20[%swap3A_14] : memref<1xi32, #tpu.memory_space<smem>>
    %swap3A_16 = arith.constant 0 : i32
    %swap3A_17 = arith.constant 0 : i64
    %swap3A_18 = arith.index_cast %swap3A_17 : i64 to index
    %swap3A_19 = memref.load %arg21[%swap3A_18] : memref<1xi32, #tpu.memory_space<smem>>
    memref.store %swap3A_16, %arg21[%swap3A_18] : memref<1xi32, #tpu.memory_space<smem>>
    %swap3A_20 = arith.constant 0 : i32
    %swap3A_21 = arith.constant 0 : i64
    %swap3A_22 = arith.index_cast %swap3A_21 : i64 to index
    %swap3A_23 = memref.load %arg22[%swap3A_22] : memref<1xi32, #tpu.memory_space<smem>>
    memref.store %swap3A_20, %arg22[%swap3A_22] : memref<1xi32, #tpu.memory_space<smem>>
    "tpu.region"() ({
      %run_scoped3A = tpu.sem_alloc : memref<!tpu.dma_semaphore, #tpu.memory_space<semaphore_mem>>
      tpu.enqueue_dma source(%arg5 : memref<16xf32, #tpu.memory_space<hbm>>) target(%arg14 : memref<16xf32, #tpu.memory_space<vmem>>) target_semaphore(%run_scoped3A : memref<!tpu.dma_semaphore, #tpu.memory_space<semaphore_mem>>)
      tpu.wait_dma2 semaphore(%run_scoped3A : memref<!tpu.dma_semaphore, #tpu.memory_space<semaphore_mem>>) src(%arg5 : memref<16xf32, #tpu.memory_space<hbm>>) dst(%arg14 : memref<16xf32, #tpu.memory_space<vmem>>)
      tpu.yield
    }) : () -> ()
    %broadcast_in_dim3A_24 = arith.constant -1 : i32
    %broadcast_in_dim3A_25 = vector.broadcast %broadcast_in_dim3A_24 : i32 to vector<16xi32>
    %broadcast_in_dim3A_26 = arith.constant -1 : i32
    %broadcast_in_dim3A_27 = vector.broadcast %broadcast_in_dim3A_26 : i32 to vector<16xi32>
    %broadcast_in_dim3A_28 = arith.constant 0.000000e+00 : f32
    %broadcast_in_dim3A_29 = vector.broadcast %broadcast_in_dim3A_28 : f32 to vector<16xf32>
    %broadcast_in_dim3A_30 = arith.constant 0.000000e+00 : f32
    %broadcast_in_dim3A_31 = vector.broadcast %broadcast_in_dim3A_30 : f32 to vector<16xf32>
    %while3A = arith.constant 0 : i32
    %while3A_32 = arith.constant 25 : i32
    %while3A_33 = arith.subi %while3A_32, %while3A : i32
    %while3A_34 = arith.addi %while3A, %while3A_33 : i32
    %while3A_35 = arith.constant 1 : i32
    %while3A_36 = arith.divsi %while3A_33, %while3A_35 : i32
    %while3A_37 = arith.muli %while3A_36, %while3A_35 : i32
    %while3A_38 = arith.addi %while3A, %while3A_37 : i32
    %while3A_39 = arith.constant 1 : i32
    %while3A_40:4 = scf.for %while3A_85 = %while3A to %while3A_38 step %while3A_39 iter_args(%while3A_86 = %broadcast_in_dim3A_25, %while3A_87 = %broadcast_in_dim3A_27, %while3A_88 = %broadcast_in_dim3A_29, %while3A_89 = %broadcast_in_dim3A_31) -> (vector<16xi32>, vector<16xi32>, vector<16xf32>, vector<16xf32>)  : i32 {
      %mul3A_90 = arith.constant 8000 : i32
      %mul3A_91 = arith.muli %while3A_85, %mul3A_90 : i32
      %add3A_92 = arith.addi %mul3A_2, %mul3A_91 : i32
      "tpu.region"() ({
        %run_scoped3A = tpu.sem_alloc : memref<!tpu.dma_semaphore, #tpu.memory_space<semaphore_mem>>
        %dma_start3A = tpu.memref_slice %arg2[%add3A_92] : memref<6400000xi32, #tpu.memory_space<hbm>> -> memref<8000xi32, #tpu.memory_space<hbm>>
        %dma_start3A_105 = tpu.memref_slice %arg2[%add3A_92] : memref<6400000xi32, #tpu.memory_space<hbm>> -> memref<8000xi32, #tpu.memory_space<hbm>>
        tpu.enqueue_dma source(%dma_start3A_105 : memref<8000xi32, #tpu.memory_space<hbm>>) target(%arg11 : memref<8000xi32, #tpu.memory_space<vmem>>) target_semaphore(%run_scoped3A : memref<!tpu.dma_semaphore, #tpu.memory_space<semaphore_mem>>)
        %dma_wait3A = tpu.memref_slice %arg2[%add3A_92] : memref<6400000xi32, #tpu.memory_space<hbm>> -> memref<8000xi32, #tpu.memory_space<hbm>>
        %dma_wait3A_106 = tpu.memref_slice %arg2[%add3A_92] : memref<6400000xi32, #tpu.memory_space<hbm>> -> memref<8000xi32, #tpu.memory_space<hbm>>
        tpu.wait_dma2 semaphore(%run_scoped3A : memref<!tpu.dma_semaphore, #tpu.memory_space<semaphore_mem>>) src(%dma_wait3A_106 : memref<8000xi32, #tpu.memory_space<hbm>>) dst(%arg11 : memref<8000xi32, #tpu.memory_space<vmem>>)
        tpu.yield
      }) : () -> ()
      "tpu.region"() ({
        %run_scoped3A = tpu.sem_alloc : memref<!tpu.dma_semaphore, #tpu.memory_space<semaphore_mem>>
        %dma_start3A = tpu.memref_slice %arg3[%add3A_92] : memref<6400000xi32, #tpu.memory_space<hbm>> -> memref<8000xi32, #tpu.memory_space<hbm>>
        %dma_start3A_105 = tpu.memref_slice %arg3[%add3A_92] : memref<6400000xi32, #tpu.memory_space<hbm>> -> memref<8000xi32, #tpu.memory_space<hbm>>
        tpu.enqueue_dma source(%dma_start3A_105 : memref<8000xi32, #tpu.memory_space<hbm>>) target(%arg12 : memref<8000xi32, #tpu.memory_space<vmem>>) target_semaphore(%run_scoped3A : memref<!tpu.dma_semaphore, #tpu.memory_space<semaphore_mem>>)
        %dma_wait3A = tpu.memref_slice %arg3[%add3A_92] : memref<6400000xi32, #tpu.memory_space<hbm>> -> memref<8000xi32, #tpu.memory_space<hbm>>
        %dma_wait3A_106 = tpu.memref_slice %arg3[%add3A_92] : memref<6400000xi32, #tpu.memory_space<hbm>> -> memref<8000xi32, #tpu.memory_space<hbm>>
        tpu.wait_dma2 semaphore(%run_scoped3A : memref<!tpu.dma_semaphore, #tpu.memory_space<semaphore_mem>>) src(%dma_wait3A_106 : memref<8000xi32, #tpu.memory_space<hbm>>) dst(%arg12 : memref<8000xi32, #tpu.memory_space<vmem>>)
        tpu.yield
      }) : () -> ()
      "tpu.region"() ({
        %run_scoped3A = tpu.sem_alloc : memref<!tpu.dma_semaphore, #tpu.memory_space<semaphore_mem>>
        %dma_start3A = tpu.memref_slice %arg4[%add3A_92] : memref<6400000xi32, #tpu.memory_space<hbm>> -> memref<8000xi32, #tpu.memory_space<hbm>>
        %dma_start3A_105 = tpu.memref_slice %arg4[%add3A_92] : memref<6400000xi32, #tpu.memory_space<hbm>> -> memref<8000xi32, #tpu.memory_space<hbm>>
        tpu.enqueue_dma source(%dma_start3A_105 : memref<8000xi32, #tpu.memory_space<hbm>>) target(%arg13 : memref<8000xi32, #tpu.memory_space<vmem>>) target_semaphore(%run_scoped3A : memref<!tpu.dma_semaphore, #tpu.memory_space<semaphore_mem>>)
        %dma_wait3A = tpu.memref_slice %arg4[%add3A_92] : memref<6400000xi32, #tpu.memory_space<hbm>> -> memref<8000xi32, #tpu.memory_space<hbm>>
        %dma_wait3A_106 = tpu.memref_slice %arg4[%add3A_92] : memref<6400000xi32, #tpu.memory_space<hbm>> -> memref<8000xi32, #tpu.memory_space<hbm>>
        tpu.wait_dma2 semaphore(%run_scoped3A : memref<!tpu.dma_semaphore, #tpu.memory_space<semaphore_mem>>) src(%dma_wait3A_106 : memref<8000xi32, #tpu.memory_space<hbm>>) dst(%arg13 : memref<8000xi32, #tpu.memory_space<vmem>>)
        tpu.yield
      }) : () -> ()
      %while3A_93 = arith.constant 0 : i32
      %while3A_94 = arith.constant 500 : i32
      %while3A_95 = arith.subi %while3A_94, %while3A_93 : i32
      %while3A_96 = arith.addi %while3A_93, %while3A_95 : i32
      %while3A_97 = arith.constant 1 : i32
      %while3A_98 = arith.divsi %while3A_95, %while3A_97 : i32
      %while3A_99 = arith.muli %while3A_98, %while3A_97 : i32
      %while3A_100 = arith.addi %while3A_93, %while3A_99 : i32
      %while3A_101 = arith.constant 1 : i32
      %while3A_102:4 = scf.for %while3A_105 = %while3A_93 to %while3A_100 step %while3A_101 iter_args(%while3A_106 = %while3A_86, %while3A_107 = %while3A_87, %while3A_108 = %while3A_88, %while3A_109 = %while3A_89) -> (vector<16xi32>, vector<16xi32>, vector<16xf32>, vector<16xf32>)  : i32 {
        %mul3A_110 = arith.constant 16 : i32
        %mul3A_111 = arith.muli %while3A_105, %mul3A_110 : i32
        %get3A_112 = arith.index_cast %mul3A_111 : i32 to index
        %get3A_113 = tpu.vector_load %arg11[%get3A_112] {strides = array<i32>} : memref<8000xi32, #tpu.memory_space<vmem>>, vector<16xi32>,
        %get3A_114 = arith.index_cast %mul3A_111 : i32 to index
        %get3A_115 = tpu.vector_load %arg12[%get3A_114] {strides = array<i32>} : memref<8000xi32, #tpu.memory_space<vmem>>, vector<16xi32>,
        %get3A_116 = arith.index_cast %mul3A_111 : i32 to index
        %get3A_117 = tpu.vector_load %arg13[%get3A_116] {strides = array<i32>} : memref<8000xi32, #tpu.memory_space<vmem>>, vector<16xi32>,
        %and3A_118 = arith.constant 3 : i32
        %and3A_119 = vector.broadcast %and3A_118 : i32 to vector<16xi32>
        %and3A_120 = arith.andi %get3A_117, %and3A_119 : vector<16xi32>
        %and3A_121 = arith.constant -4 : i32
        %and3A_122 = vector.broadcast %and3A_121 : i32 to vector<16xi32>
        %and3A_123 = arith.andi %get3A_117, %and3A_122 : vector<16xi32>
        %bitcast_convert_type3A = tpu.bitcast %and3A_123 : vector<16xi32> -> vector<16xf32>
        %gather3A = tpu.vector_load_idx %arg14[%and3A_120] : memref<16xf32, #tpu.memory_space<vmem>>[vector<16xi32>], vector<16xf32>,
        %or3A = arith.constant 4 : i32
        %or3A_124 = vector.broadcast %or3A : i32 to vector<16xi32>
        %or3A_125 = arith.ori %and3A_120, %or3A_124 : vector<16xi32>
        %gather3A_126 = tpu.vector_load_idx %arg14[%or3A_125] : memref<16xf32, #tpu.memory_space<vmem>>[vector<16xi32>], vector<16xf32>,
        %mul3A_127 = arith.mulf %bitcast_convert_type3A, %gather3A : vector<16xf32>
        %mul3A_128 = arith.mulf %bitcast_convert_type3A, %gather3A_126 : vector<16xf32>
        %broadcast_in_dim3A_129 = vector.shape_cast %and3A_9 : vector<16xi32> to vector<16x1xi32>
        %gather3A_130 = vector.shape_cast %broadcast_in_dim3A_129 : vector<16x1xi32> to vector<16xi32>
        %gather3A_131 = tpu.dynamic_gather %get3A_113[%gather3A_130] in [0] : vector<16xi32>, vector<16xi32> -> vector<16xi32>
        %select_n3A = arith.select %eq3A_11, %while3A_106, %gather3A_131 : vector<16xi1>, vector<16xi32>
        %broadcast_in_dim3A_132 = vector.shape_cast %and3A_9 : vector<16xi32> to vector<16x1xi32>
        %gather3A_133 = vector.shape_cast %broadcast_in_dim3A_132 : vector<16x1xi32> to vector<16xi32>
        %gather3A_134 = tpu.dynamic_gather %get3A_115[%gather3A_133] in [0] : vector<16xi32>, vector<16xi32> -> vector<16xi32>
        %select_n3A_135 = arith.select %eq3A_11, %while3A_107, %gather3A_134 : vector<16xi1>, vector<16xi32>
        %ne3A = arith.cmpi ne, %get3A_113, %select_n3A : vector<16xi32>
        %ne3A_136 = arith.cmpi ne, %get3A_115, %select_n3A_135 : vector<16xi32>
        %or3A_137 = arith.ori %ne3A, %ne3A_136 : vector<16xi1>
        %broadcast_in_dim3A_138 = arith.constant true
        %broadcast_in_dim3A_139 = vector.broadcast %broadcast_in_dim3A_138 : i1 to vector<16xi1>
        %masked_cumsum3A = tpu.scan <sum>, %mul3A_127 masked %broadcast_in_dim3A_139 : vector<16xf32>, vector<16xi1> -> vector<16xf32>
        %add3A_140 = arith.addf %masked_cumsum3A, %while3A_108 : vector<16xf32>
        %broadcast_in_dim3A_141 = arith.constant true
        %broadcast_in_dim3A_142 = vector.broadcast %broadcast_in_dim3A_141 : i1 to vector<16xi1>
        %masked_cumsum3A_143 = tpu.scan <sum>, %mul3A_128 masked %broadcast_in_dim3A_142 : vector<16xf32>, vector<16xi1> -> vector<16xf32>
        %add3A_144 = arith.addf %masked_cumsum3A_143, %while3A_109 : vector<16xf32>
        %broadcast_in_dim3A_145 = vector.shape_cast %and3A_9 : vector<16xi32> to vector<16x1xi32>
        %gather3A_146 = vector.shape_cast %broadcast_in_dim3A_145 : vector<16x1xi32> to vector<16xi32>
        %gather3A_147 = tpu.dynamic_gather %add3A_140[%gather3A_146] in [0] : vector<16xf32>, vector<16xi32> -> vector<16xf32>
        %select_n3A_148 = arith.select %eq3A_11, %while3A_108, %gather3A_147 : vector<16xi1>, vector<16xf32>
        %broadcast_in_dim3A_149 = vector.shape_cast %and3A_9 : vector<16xi32> to vector<16x1xi32>
        %gather3A_150 = vector.shape_cast %broadcast_in_dim3A_149 : vector<16x1xi32> to vector<16xi32>
        %gather3A_151 = tpu.dynamic_gather %add3A_144[%gather3A_150] in [0] : vector<16xf32>, vector<16xi32> -> vector<16xf32>
        %select_n3A_152 = arith.select %eq3A_11, %while3A_109, %gather3A_151 : vector<16xi1>, vector<16xf32>
        %jit3A = arith.constant 0.000000e+00 : f64
        %convert_element_type3A_153 = arith.truncf %jit3A : f64 to f32
        %broadcast_in_dim3A_154 = vector.broadcast %convert_element_type3A_153 : f32 to vector<16xf32>
        %select_n3A_155 = arith.select %or3A_137, %select_n3A_148, %broadcast_in_dim3A_154 : vector<16xi1>, vector<16xf32>
        %jit3A_156 = arith.constant 0.000000e+00 : f64
        %convert_element_type3A_157 = arith.truncf %jit3A_156 : f64 to f32
        %broadcast_in_dim3A_158 = vector.broadcast %convert_element_type3A_157 : f32 to vector<16xf32>
        %select_n3A_159 = arith.select %or3A_137, %select_n3A_152, %broadcast_in_dim3A_158 : vector<16xi1>, vector<16xf32>
        %broadcast_in_dim3A_160 = arith.constant true
        %broadcast_in_dim3A_161 = vector.broadcast %broadcast_in_dim3A_160 : i1 to vector<16xi1>
        %masked_cummax3A = tpu.scan <max>, %select_n3A_155 masked %broadcast_in_dim3A_161 : vector<16xf32>, vector<16xi1> -> vector<16xf32>
        %broadcast_in_dim3A_162 = arith.constant true
        %broadcast_in_dim3A_163 = vector.broadcast %broadcast_in_dim3A_162 : i1 to vector<16xi1>
        %masked_cummax3A_164 = tpu.scan <max>, %select_n3A_159 masked %broadcast_in_dim3A_163 : vector<16xf32>, vector<16xi1> -> vector<16xf32>
        %broadcast_in_dim3A_165 = vector.shape_cast %and3A_9 : vector<16xi32> to vector<16x1xi32>
        %gather3A_166 = vector.shape_cast %broadcast_in_dim3A_165 : vector<16x1xi32> to vector<16xi32>
        %gather3A_167 = tpu.dynamic_gather %masked_cummax3A[%gather3A_166] in [0] : vector<16xf32>, vector<16xi32> -> vector<16xf32>
        %jit3A_168 = arith.constant 0.000000e+00 : f64
        %convert_element_type3A_169 = arith.truncf %jit3A_168 : f64 to f32
        %broadcast_in_dim3A_170 = vector.broadcast %convert_element_type3A_169 : f32 to vector<16xf32>
        %select_n3A_171 = arith.select %eq3A_11, %broadcast_in_dim3A_170, %gather3A_167 : vector<16xi1>, vector<16xf32>
        %broadcast_in_dim3A_172 = vector.shape_cast %and3A_9 : vector<16xi32> to vector<16x1xi32>
        %gather3A_173 = vector.shape_cast %broadcast_in_dim3A_172 : vector<16x1xi32> to vector<16xi32>
        %gather3A_174 = tpu.dynamic_gather %masked_cummax3A_164[%gather3A_173] in [0] : vector<16xf32>, vector<16xi32> -> vector<16xf32>
        %jit3A_175 = arith.constant 0.000000e+00 : f64
        %convert_element_type3A_176 = arith.truncf %jit3A_175 : f64 to f32
        %broadcast_in_dim3A_177 = vector.broadcast %convert_element_type3A_176 : f32 to vector<16xf32>
        %select_n3A_178 = arith.select %eq3A_11, %broadcast_in_dim3A_177, %gather3A_174 : vector<16xi1>, vector<16xf32>
        %sub3A = arith.subf %select_n3A_148, %select_n3A_171 : vector<16xf32>
        %sub3A_179 = arith.subf %select_n3A_152, %select_n3A_178 : vector<16xf32>
        %get3A_180 = arith.constant 0 : i64
        %get3A_181 = arith.index_cast %get3A_180 : i64 to index
        %get3A_182 = memref.load %arg20[%get3A_181] : memref<1xi32, #tpu.memory_space<smem>>
        %swap3A_183 = arith.index_cast %get3A_182 : i32 to index
        %swap3A_184 = tpu.vector_load %arg15[%swap3A_183] masked %or3A_137 {strides = array<i32>} : memref<2064xi32, #tpu.memory_space<vmem>>, vector<16xi32>, vector<16xi1>
        tpu.vector_store %arg15[%swap3A_183], %select_n3A masked %or3A_137 {strides = array<i32>} : memref<2064xi32, #tpu.memory_space<vmem>>, vector<16xi32>, vector<16xi1>
        %swap3A_185 = arith.index_cast %get3A_182 : i32 to index
        %swap3A_186 = tpu.vector_load %arg16[%swap3A_185] masked %or3A_137 {strides = array<i32>} : memref<2064xi32, #tpu.memory_space<vmem>>, vector<16xi32>, vector<16xi1>
        tpu.vector_store %arg16[%swap3A_185], %select_n3A_135 masked %or3A_137 {strides = array<i32>} : memref<2064xi32, #tpu.memory_space<vmem>>, vector<16xi32>, vector<16xi1>
        %swap3A_187 = arith.index_cast %get3A_182 : i32 to index
        %swap3A_188 = tpu.vector_load %arg17[%swap3A_187] masked %or3A_137 {strides = array<i32>} : memref<2064xf32, #tpu.memory_space<vmem>>, vector<16xf32>, vector<16xi1>
        tpu.vector_store %arg17[%swap3A_187], %sub3A masked %or3A_137 {strides = array<i32>} : memref<2064xf32, #tpu.memory_space<vmem>>, vector<16xf32>, vector<16xi1>
        %swap3A_189 = arith.index_cast %get3A_182 : i32 to index
        %swap3A_190 = tpu.vector_load %arg18[%swap3A_189] masked %or3A_137 {strides = array<i32>} : memref<2064xf32, #tpu.memory_space<vmem>>, vector<16xf32>, vector<16xi1>
        tpu.vector_store %arg18[%swap3A_189], %sub3A_179 masked %or3A_137 {strides = array<i32>} : memref<2064xf32, #tpu.memory_space<vmem>>, vector<16xf32>, vector<16xi1>
        %convert_element_type3A_191 = arith.extui %or3A_137 : vector<16xi1> to vector<16xi32>
        %reduce_sum3A_192 = arith.constant true
        %reduce_sum3A_193 = vector.broadcast %reduce_sum3A_192 : i1 to vector<16xi1>
        %reduce_sum3A_194 = tpu.scan <sum>, %convert_element_type3A_191 masked %reduce_sum3A_193 : vector<16xi32>, vector<16xi1> -> vector<16xi32>
        %reduce_sum3A_195 = vector.extract %reduce_sum3A_194[15] : i32 from vector<16xi32>
        %add3A_196 = arith.addi %get3A_182, %reduce_sum3A_195 : i32
        %swap3A_197 = arith.constant 0 : i64
        %swap3A_198 = arith.index_cast %swap3A_197 : i64 to index
        %swap3A_199 = memref.load %arg20[%swap3A_198] : memref<1xi32, #tpu.memory_space<smem>>
        memref.store %add3A_196, %arg20[%swap3A_198] : memref<1xi32, #tpu.memory_space<smem>>
        %get3A_200 = arith.constant 0 : i64
        %get3A_201 = arith.index_cast %get3A_200 : i64 to index
        %get3A_202 = memref.load %arg22[%get3A_201] : memref<1xi32, #tpu.memory_space<smem>>
        %add3A_203 = arith.addi %get3A_202, %reduce_sum3A_195 : i32
        %swap3A_204 = arith.constant 0 : i64
        %swap3A_205 = arith.index_cast %swap3A_204 : i64 to index
        %swap3A_206 = memref.load %arg22[%swap3A_205] : memref<1xi32, #tpu.memory_space<smem>>
        memref.store %add3A_203, %arg22[%swap3A_205] : memref<1xi32, #tpu.memory_space<smem>>
        %get3A_207 = arith.constant 0 : i64
        %get3A_208 = arith.index_cast %get3A_207 : i64 to index
        %get3A_209 = memref.load %arg20[%get3A_208] : memref<1xi32, #tpu.memory_space<smem>>
        %ge3A_210 = arith.constant 2048 : i32
        %ge3A_211 = arith.cmpi sge, %get3A_209, %ge3A_210 : i32
        %convert_element_type3A_212 = arith.extui %ge3A_211 : i1 to i32
        %cond3A_213 = arith.constant 0 : i32
        %cond3A_214 = arith.cmpi ne, %convert_element_type3A_212, %cond3A_213 : i32
        scf.if %cond3A_214 {
          %get3A_235 = arith.constant 0 : i64
          %get3A_236 = arith.index_cast %get3A_235 : i64 to index
          %get3A_237 = memref.load %arg21[%get3A_236] : memref<1xi32, #tpu.memory_space<smem>>
          %add3A_238 = arith.addi %mul3A_4, %get3A_237 : i32
          %multiple_of3A_239 = tpu.assume_multiple %add3A_238, 2048 : i32
          "tpu.region"() ({
            %run_scoped3A = tpu.sem_alloc : memref<!tpu.dma_semaphore, #tpu.memory_space<semaphore_mem>>
            %dma_start3A = arith.constant 0 : i32
            %dma_start3A_272 = tpu.memref_slice %arg15[%dma_start3A] : memref<2064xi32, #tpu.memory_space<vmem>> -> memref<2048xi32, #tpu.memory_space<vmem>>
            %dma_start3A_273 = tpu.memref_slice %arg6[%multiple_of3A_239] : memref<6553600xi32, #tpu.memory_space<hbm>> -> memref<2048xi32, #tpu.memory_space<hbm>>
            %dma_start3A_274 = tpu.memref_slice %arg6[%multiple_of3A_239] : memref<6553600xi32, #tpu.memory_space<hbm>> -> memref<2048xi32, #tpu.memory_space<hbm>>
            %dma_start3A_275 = arith.constant 0 : i32
            %dma_start3A_276 = tpu.memref_slice %arg15[%dma_start3A_275] : memref<2064xi32, #tpu.memory_space<vmem>> -> memref<2048xi32, #tpu.memory_space<vmem>>
            tpu.enqueue_dma source(%dma_start3A_276 : memref<2048xi32, #tpu.memory_space<vmem>>) target(%dma_start3A_274 : memref<2048xi32, #tpu.memory_space<hbm>>) target_semaphore(%run_scoped3A : memref<!tpu.dma_semaphore, #tpu.memory_space<semaphore_mem>>)
            %dma_wait3A = arith.constant 0 : i32
            %dma_wait3A_277 = tpu.memref_slice %arg15[%dma_wait3A] : memref<2064xi32, #tpu.memory_space<vmem>> -> memref<2048xi32, #tpu.memory_space<vmem>>
            %dma_wait3A_278 = tpu.memref_slice %arg6[%multiple_of3A_239] : memref<6553600xi32, #tpu.memory_space<hbm>> -> memref<2048xi32, #tpu.memory_space<hbm>>
            %dma_wait3A_279 = tpu.memref_slice %arg6[%multiple_of3A_239] : memref<6553600xi32, #tpu.memory_space<hbm>> -> memref<2048xi32, #tpu.memory_space<hbm>>
            %dma_wait3A_280 = arith.constant 0 : i32
            %dma_wait3A_281 = tpu.memref_slice %arg15[%dma_wait3A_280] : memref<2064xi32, #tpu.memory_space<vmem>> -> memref<2048xi32, #tpu.memory_space<vmem>>
            tpu.wait_dma2 semaphore(%run_scoped3A : memref<!tpu.dma_semaphore, #tpu.memory_space<semaphore_mem>>) src(%dma_wait3A_281 : memref<2048xi32, #tpu.memory_space<vmem>>) dst(%dma_wait3A_279 : memref<2048xi32, #tpu.memory_space<hbm>>)
            tpu.yield
          }) : () -> ()
          "tpu.region"() ({
            %run_scoped3A = tpu.sem_alloc : memref<!tpu.dma_semaphore, #tpu.memory_space<semaphore_mem>>
            %dma_start3A = arith.constant 0 : i32
            %dma_start3A_272 = tpu.memref_slice %arg16[%dma_start3A] : memref<2064xi32, #tpu.memory_space<vmem>> -> memref<2048xi32, #tpu.memory_space<vmem>>
            %dma_start3A_273 = tpu.memref_slice %arg7[%multiple_of3A_239] : memref<6553600xi32, #tpu.memory_space<hbm>> -> memref<2048xi32, #tpu.memory_space<hbm>>
            %dma_start3A_274 = tpu.memref_slice %arg7[%multiple_of3A_239] : memref<6553600xi32, #tpu.memory_space<hbm>> -> memref<2048xi32, #tpu.memory_space<hbm>>
            %dma_start3A_275 = arith.constant 0 : i32
            %dma_start3A_276 = tpu.memref_slice %arg16[%dma_start3A_275] : memref<2064xi32, #tpu.memory_space<vmem>> -> memref<2048xi32, #tpu.memory_space<vmem>>
            tpu.enqueue_dma source(%dma_start3A_276 : memref<2048xi32, #tpu.memory_space<vmem>>) target(%dma_start3A_274 : memref<2048xi32, #tpu.memory_space<hbm>>) target_semaphore(%run_scoped3A : memref<!tpu.dma_semaphore, #tpu.memory_space<semaphore_mem>>)
            %dma_wait3A = arith.constant 0 : i32
            %dma_wait3A_277 = tpu.memref_slice %arg16[%dma_wait3A] : memref<2064xi32, #tpu.memory_space<vmem>> -> memref<2048xi32, #tpu.memory_space<vmem>>
            %dma_wait3A_278 = tpu.memref_slice %arg7[%multiple_of3A_239] : memref<6553600xi32, #tpu.memory_space<hbm>> -> memref<2048xi32, #tpu.memory_space<hbm>>
            %dma_wait3A_279 = tpu.memref_slice %arg7[%multiple_of3A_239] : memref<6553600xi32, #tpu.memory_space<hbm>> -> memref<2048xi32, #tpu.memory_space<hbm>>
            %dma_wait3A_280 = arith.constant 0 : i32
            %dma_wait3A_281 = tpu.memref_slice %arg16[%dma_wait3A_280] : memref<2064xi32, #tpu.memory_space<vmem>> -> memref<2048xi32, #tpu.memory_space<vmem>>
            tpu.wait_dma2 semaphore(%run_scoped3A : memref<!tpu.dma_semaphore, #tpu.memory_space<semaphore_mem>>) src(%dma_wait3A_281 : memref<2048xi32, #tpu.memory_space<vmem>>) dst(%dma_wait3A_279 : memref<2048xi32, #tpu.memory_space<hbm>>)
            tpu.yield
          }) : () -> ()
          "tpu.region"() ({
            %run_scoped3A = tpu.sem_alloc : memref<!tpu.dma_semaphore, #tpu.memory_space<semaphore_mem>>
            %dma_start3A = arith.constant 0 : i32
            %dma_start3A_272 = tpu.memref_slice %arg17[%dma_start3A] : memref<2064xf32, #tpu.memory_space<vmem>> -> memref<2048xf32, #tpu.memory_space<vmem>>
            %dma_start3A_273 = tpu.memref_slice %arg8[%multiple_of3A_239] : memref<6553600xf32, #tpu.memory_space<hbm>> -> memref<2048xf32, #tpu.memory_space<hbm>>
            %dma_start3A_274 = tpu.memref_slice %arg8[%multiple_of3A_239] : memref<6553600xf32, #tpu.memory_space<hbm>> -> memref<2048xf32, #tpu.memory_space<hbm>>
            %dma_start3A_275 = arith.constant 0 : i32
            %dma_start3A_276 = tpu.memref_slice %arg17[%dma_start3A_275] : memref<2064xf32, #tpu.memory_space<vmem>> -> memref<2048xf32, #tpu.memory_space<vmem>>
            tpu.enqueue_dma source(%dma_start3A_276 : memref<2048xf32, #tpu.memory_space<vmem>>) target(%dma_start3A_274 : memref<2048xf32, #tpu.memory_space<hbm>>) target_semaphore(%run_scoped3A : memref<!tpu.dma_semaphore, #tpu.memory_space<semaphore_mem>>)
            %dma_wait3A = arith.constant 0 : i32
            %dma_wait3A_277 = tpu.memref_slice %arg17[%dma_wait3A] : memref<2064xf32, #tpu.memory_space<vmem>> -> memref<2048xf32, #tpu.memory_space<vmem>>
            %dma_wait3A_278 = tpu.memref_slice %arg8[%multiple_of3A_239] : memref<6553600xf32, #tpu.memory_space<hbm>> -> memref<2048xf32, #tpu.memory_space<hbm>>
            %dma_wait3A_279 = tpu.memref_slice %arg8[%multiple_of3A_239] : memref<6553600xf32, #tpu.memory_space<hbm>> -> memref<2048xf32, #tpu.memory_space<hbm>>
            %dma_wait3A_280 = arith.constant 0 : i32
            %dma_wait3A_281 = tpu.memref_slice %arg17[%dma_wait3A_280] : memref<2064xf32, #tpu.memory_space<vmem>> -> memref<2048xf32, #tpu.memory_space<vmem>>
            tpu.wait_dma2 semaphore(%run_scoped3A : memref<!tpu.dma_semaphore, #tpu.memory_space<semaphore_mem>>) src(%dma_wait3A_281 : memref<2048xf32, #tpu.memory_space<vmem>>) dst(%dma_wait3A_279 : memref<2048xf32, #tpu.memory_space<hbm>>)
            tpu.yield
          }) : () -> ()
          "tpu.region"() ({
            %run_scoped3A = tpu.sem_alloc : memref<!tpu.dma_semaphore, #tpu.memory_space<semaphore_mem>>
            %dma_start3A = arith.constant 0 : i32
            %dma_start3A_272 = tpu.memref_slice %arg18[%dma_start3A] : memref<2064xf32, #tpu.memory_space<vmem>> -> memref<2048xf32, #tpu.memory_space<vmem>>
            %dma_start3A_273 = tpu.memref_slice %arg9[%multiple_of3A_239] : memref<6553600xf32, #tpu.memory_space<hbm>> -> memref<2048xf32, #tpu.memory_space<hbm>>
            %dma_start3A_274 = tpu.memref_slice %arg9[%multiple_of3A_239] : memref<6553600xf32, #tpu.memory_space<hbm>> -> memref<2048xf32, #tpu.memory_space<hbm>>
            %dma_start3A_275 = arith.constant 0 : i32
            %dma_start3A_276 = tpu.memref_slice %arg18[%dma_start3A_275] : memref<2064xf32, #tpu.memory_space<vmem>> -> memref<2048xf32, #tpu.memory_space<vmem>>
            tpu.enqueue_dma source(%dma_start3A_276 : memref<2048xf32, #tpu.memory_space<vmem>>) target(%dma_start3A_274 : memref<2048xf32, #tpu.memory_space<hbm>>) target_semaphore(%run_scoped3A : memref<!tpu.dma_semaphore, #tpu.memory_space<semaphore_mem>>)
            %dma_wait3A = arith.constant 0 : i32
            %dma_wait3A_277 = tpu.memref_slice %arg18[%dma_wait3A] : memref<2064xf32, #tpu.memory_space<vmem>> -> memref<2048xf32, #tpu.memory_space<vmem>>
            %dma_wait3A_278 = tpu.memref_slice %arg9[%multiple_of3A_239] : memref<6553600xf32, #tpu.memory_space<hbm>> -> memref<2048xf32, #tpu.memory_space<hbm>>
            %dma_wait3A_279 = tpu.memref_slice %arg9[%multiple_of3A_239] : memref<6553600xf32, #tpu.memory_space<hbm>> -> memref<2048xf32, #tpu.memory_space<hbm>>
            %dma_wait3A_280 = arith.constant 0 : i32
            %dma_wait3A_281 = tpu.memref_slice %arg18[%dma_wait3A_280] : memref<2064xf32, #tpu.memory_space<vmem>> -> memref<2048xf32, #tpu.memory_space<vmem>>
            tpu.wait_dma2 semaphore(%run_scoped3A : memref<!tpu.dma_semaphore, #tpu.memory_space<semaphore_mem>>) src(%dma_wait3A_281 : memref<2048xf32, #tpu.memory_space<vmem>>) dst(%dma_wait3A_279 : memref<2048xf32, #tpu.memory_space<hbm>>)
            tpu.yield
          }) : () -> ()
          %get3A_240 = arith.constant 2048 : index
          %get3A_241 = tpu.vector_load %arg15[%get3A_240] {strides = array<i32>} : memref<2064xi32, #tpu.memory_space<vmem>>, vector<16xi32>,
          %swap3A_242 = arith.constant 0 : index
          %swap3A_243 = tpu.vector_load %arg15[%swap3A_242] {strides = array<i32>} : memref<2064xi32, #tpu.memory_space<vmem>>, vector<16xi32>,
          tpu.vector_store %arg15[%swap3A_242], %get3A_241 {strides = array<i32>} : memref<2064xi32, #tpu.memory_space<vmem>>, vector<16xi32>,
          %get3A_244 = arith.constant 2048 : index
          %get3A_245 = tpu.vector_load %arg16[%get3A_244] {strides = array<i32>} : memref<2064xi32, #tpu.memory_space<vmem>>, vector<16xi32>,
          %swap3A_246 = arith.constant 0 : index
          %swap3A_247 = tpu.vector_load %arg16[%swap3A_246] {strides = array<i32>} : memref<2064xi32, #tpu.memory_space<vmem>>, vector<16xi32>,
          tpu.vector_store %arg16[%swap3A_246], %get3A_245 {strides = array<i32>} : memref<2064xi32, #tpu.memory_space<vmem>>, vector<16xi32>,
          %get3A_248 = arith.constant 2048 : index
          %get3A_249 = tpu.vector_load %arg17[%get3A_248] {strides = array<i32>} : memref<2064xf32, #tpu.memory_space<vmem>>, vector<16xf32>,
          %swap3A_250 = arith.constant 0 : index
          %swap3A_251 = tpu.vector_load %arg17[%swap3A_250] {strides = array<i32>} : memref<2064xf32, #tpu.memory_space<vmem>>, vector<16xf32>,
          tpu.vector_store %arg17[%swap3A_250], %get3A_249 {strides = array<i32>} : memref<2064xf32, #tpu.memory_space<vmem>>, vector<16xf32>,
          %get3A_252 = arith.constant 2048 : index
          %get3A_253 = tpu.vector_load %arg18[%get3A_252] {strides = array<i32>} : memref<2064xf32, #tpu.memory_space<vmem>>, vector<16xf32>,
          %swap3A_254 = arith.constant 0 : index
          %swap3A_255 = tpu.vector_load %arg18[%swap3A_254] {strides = array<i32>} : memref<2064xf32, #tpu.memory_space<vmem>>, vector<16xf32>,
          tpu.vector_store %arg18[%swap3A_254], %get3A_253 {strides = array<i32>} : memref<2064xf32, #tpu.memory_space<vmem>>, vector<16xf32>,
          %get3A_256 = arith.constant 0 : i64
          %get3A_257 = arith.index_cast %get3A_256 : i64 to index
          %get3A_258 = memref.load %arg20[%get3A_257] : memref<1xi32, #tpu.memory_space<smem>>
          %sub3A_259 = arith.constant 2048 : i32
          %sub3A_260 = arith.subi %get3A_258, %sub3A_259 : i32
          %swap3A_261 = arith.constant 0 : i64
          %swap3A_262 = arith.index_cast %swap3A_261 : i64 to index
          %swap3A_263 = memref.load %arg20[%swap3A_262] : memref<1xi32, #tpu.memory_space<smem>>
          memref.store %sub3A_260, %arg20[%swap3A_262] : memref<1xi32, #tpu.memory_space<smem>>
          %get3A_264 = arith.constant 0 : i64
          %get3A_265 = arith.index_cast %get3A_264 : i64 to index
          %get3A_266 = memref.load %arg21[%get3A_265] : memref<1xi32, #tpu.memory_space<smem>>
          %add3A_267 = arith.constant 2048 : i32
          %add3A_268 = arith.addi %get3A_266, %add3A_267 : i32
          %swap3A_269 = arith.constant 0 : i64
          %swap3A_270 = arith.index_cast %swap3A_269 : i64 to index
          %swap3A_271 = memref.load %arg21[%swap3A_270] : memref<1xi32, #tpu.memory_space<smem>>
          memref.store %add3A_268, %arg21[%swap3A_270] : memref<1xi32, #tpu.memory_space<smem>>
        } else {
        }
        %broadcast_in_dim3A_215 = vector.shape_cast %broadcast_in_dim3A_12 : vector<16xi32> to vector<16x1xi32>
        %gather3A_216 = vector.shape_cast %broadcast_in_dim3A_215 : vector<16x1xi32> to vector<16xi32>
        %gather3A_217 = tpu.dynamic_gather %add3A_140[%gather3A_216] in [0] : vector<16xf32>, vector<16xi32> -> vector<16xf32>
        %broadcast_in_dim3A_218 = vector.shape_cast %broadcast_in_dim3A_12 : vector<16xi32> to vector<16x1xi32>
        %gather3A_219 = vector.shape_cast %broadcast_in_dim3A_218 : vector<16x1xi32> to vector<16xi32>
        %gather3A_220 = tpu.dynamic_gather %masked_cummax3A[%gather3A_219] in [0] : vector<16xf32>, vector<16xi32> -> vector<16xf32>
        %sub3A_221 = arith.subf %gather3A_217, %gather3A_220 : vector<16xf32>
        %broadcast_in_dim3A_222 = vector.shape_cast %broadcast_in_dim3A_12 : vector<16xi32> to vector<16x1xi32>
        %gather3A_223 = vector.shape_cast %broadcast_in_dim3A_222 : vector<16x1xi32> to vector<16xi32>
        %gather3A_224 = tpu.dynamic_gather %add3A_144[%gather3A_223] in [0] : vector<16xf32>, vector<16xi32> -> vector<16xf32>
        %broadcast_in_dim3A_225 = vector.shape_cast %broadcast_in_dim3A_12 : vector<16xi32> to vector<16x1xi32>
        %gather3A_226 = vector.shape_cast %broadcast_in_dim3A_225 : vector<16x1xi32> to vector<16xi32>
        %gather3A_227 = tpu.dynamic_gather %masked_cummax3A_164[%gather3A_226] in [0] : vector<16xf32>, vector<16xi32> -> vector<16xf32>
        %sub3A_228 = arith.subf %gather3A_224, %gather3A_227 : vector<16xf32>
        %broadcast_in_dim3A_229 = vector.shape_cast %broadcast_in_dim3A_12 : vector<16xi32> to vector<16x1xi32>
        %gather3A_230 = vector.shape_cast %broadcast_in_dim3A_229 : vector<16x1xi32> to vector<16xi32>
        %gather3A_231 = tpu.dynamic_gather %get3A_113[%gather3A_230] in [0] : vector<16xi32>, vector<16xi32> -> vector<16xi32>
        %broadcast_in_dim3A_232 = vector.shape_cast %broadcast_in_dim3A_12 : vector<16xi32> to vector<16x1xi32>
        %gather3A_233 = vector.shape_cast %broadcast_in_dim3A_232 : vector<16x1xi32> to vector<16xi32>
        %gather3A_234 = tpu.dynamic_gather %get3A_115[%gather3A_233] in [0] : vector<16xi32>, vector<16xi32> -> vector<16xi32>
        scf.yield %gather3A_231, %gather3A_234, %sub3A_221, %sub3A_228 : vector<16xi32>, vector<16xi32>, vector<16xf32>, vector<16xf32>
      }
      %while3A_103 = arith.constant 1 : i32
      %while3A_104:4 = scf.for %while3A_105 = %while3A_100 to %while3A_96 step %while3A_103 iter_args(%while3A_106 = %while3A_102#0, %while3A_107 = %while3A_102#1, %while3A_108 = %while3A_102#2, %while3A_109 = %while3A_102#3) -> (vector<16xi32>, vector<16xi32>, vector<16xf32>, vector<16xf32>)  : i32 {
        %mul3A_110 = arith.constant 16 : i32
        %mul3A_111 = arith.muli %while3A_105, %mul3A_110 : i32
        %get3A_112 = arith.index_cast %mul3A_111 : i32 to index
        %get3A_113 = tpu.vector_load %arg11[%get3A_112] {strides = array<i32>} : memref<8000xi32, #tpu.memory_space<vmem>>, vector<16xi32>,
        %get3A_114 = arith.index_cast %mul3A_111 : i32 to index
        %get3A_115 = tpu.vector_load %arg12[%get3A_114] {strides = array<i32>} : memref<8000xi32, #tpu.memory_space<vmem>>, vector<16xi32>,
        %get3A_116 = arith.index_cast %mul3A_111 : i32 to index
        %get3A_117 = tpu.vector_load %arg13[%get3A_116] {strides = array<i32>} : memref<8000xi32, #tpu.memory_space<vmem>>, vector<16xi32>,
        %and3A_118 = arith.constant 3 : i32
        %and3A_119 = vector.broadcast %and3A_118 : i32 to vector<16xi32>
        %and3A_120 = arith.andi %get3A_117, %and3A_119 : vector<16xi32>
        %and3A_121 = arith.constant -4 : i32
        %and3A_122 = vector.broadcast %and3A_121 : i32 to vector<16xi32>
        %and3A_123 = arith.andi %get3A_117, %and3A_122 : vector<16xi32>
        %bitcast_convert_type3A = tpu.bitcast %and3A_123 : vector<16xi32> -> vector<16xf32>
        %gather3A = tpu.vector_load_idx %arg14[%and3A_120] : memref<16xf32, #tpu.memory_space<vmem>>[vector<16xi32>], vector<16xf32>,
        %or3A = arith.constant 4 : i32
        %or3A_124 = vector.broadcast %or3A : i32 to vector<16xi32>
        %or3A_125 = arith.ori %and3A_120, %or3A_124 : vector<16xi32>
        %gather3A_126 = tpu.vector_load_idx %arg14[%or3A_125] : memref<16xf32, #tpu.memory_space<vmem>>[vector<16xi32>], vector<16xf32>,
        %mul3A_127 = arith.mulf %bitcast_convert_type3A, %gather3A : vector<16xf32>
        %mul3A_128 = arith.mulf %bitcast_convert_type3A, %gather3A_126 : vector<16xf32>
        %broadcast_in_dim3A_129 = vector.shape_cast %and3A_9 : vector<16xi32> to vector<16x1xi32>
        %gather3A_130 = vector.shape_cast %broadcast_in_dim3A_129 : vector<16x1xi32> to vector<16xi32>
        %gather3A_131 = tpu.dynamic_gather %get3A_113[%gather3A_130] in [0] : vector<16xi32>, vector<16xi32> -> vector<16xi32>
        %select_n3A = arith.select %eq3A_11, %while3A_106, %gather3A_131 : vector<16xi1>, vector<16xi32>
        %broadcast_in_dim3A_132 = vector.shape_cast %and3A_9 : vector<16xi32> to vector<16x1xi32>
        %gather3A_133 = vector.shape_cast %broadcast_in_dim3A_132 : vector<16x1xi32> to vector<16xi32>
        %gather3A_134 = tpu.dynamic_gather %get3A_115[%gather3A_133] in [0] : vector<16xi32>, vector<16xi32> -> vector<16xi32>
        %select_n3A_135 = arith.select %eq3A_11, %while3A_107, %gather3A_134 : vector<16xi1>, vector<16xi32>
        %ne3A = arith.cmpi ne, %get3A_113, %select_n3A : vector<16xi32>
        %ne3A_136 = arith.cmpi ne, %get3A_115, %select_n3A_135 : vector<16xi32>
        %or3A_137 = arith.ori %ne3A, %ne3A_136 : vector<16xi1>
        %broadcast_in_dim3A_138 = arith.constant true
        %broadcast_in_dim3A_139 = vector.broadcast %broadcast_in_dim3A_138 : i1 to vector<16xi1>
        %masked_cumsum3A = tpu.scan <sum>, %mul3A_127 masked %broadcast_in_dim3A_139 : vector<16xf32>, vector<16xi1> -> vector<16xf32>
        %add3A_140 = arith.addf %masked_cumsum3A, %while3A_108 : vector<16xf32>
        %broadcast_in_dim3A_141 = arith.constant true
        %broadcast_in_dim3A_142 = vector.broadcast %broadcast_in_dim3A_141 : i1 to vector<16xi1>
        %masked_cumsum3A_143 = tpu.scan <sum>, %mul3A_128 masked %broadcast_in_dim3A_142 : vector<16xf32>, vector<16xi1> -> vector<16xf32>
        %add3A_144 = arith.addf %masked_cumsum3A_143, %while3A_109 : vector<16xf32>
        %broadcast_in_dim3A_145 = vector.shape_cast %and3A_9 : vector<16xi32> to vector<16x1xi32>
        %gather3A_146 = vector.shape_cast %broadcast_in_dim3A_145 : vector<16x1xi32> to vector<16xi32>
        %gather3A_147 = tpu.dynamic_gather %add3A_140[%gather3A_146] in [0] : vector<16xf32>, vector<16xi32> -> vector<16xf32>
        %select_n3A_148 = arith.select %eq3A_11, %while3A_108, %gather3A_147 : vector<16xi1>, vector<16xf32>
        %broadcast_in_dim3A_149 = vector.shape_cast %and3A_9 : vector<16xi32> to vector<16x1xi32>
        %gather3A_150 = vector.shape_cast %broadcast_in_dim3A_149 : vector<16x1xi32> to vector<16xi32>
        %gather3A_151 = tpu.dynamic_gather %add3A_144[%gather3A_150] in [0] : vector<16xf32>, vector<16xi32> -> vector<16xf32>
        %select_n3A_152 = arith.select %eq3A_11, %while3A_109, %gather3A_151 : vector<16xi1>, vector<16xf32>
        %jit3A = arith.constant 0.000000e+00 : f64
        %convert_element_type3A_153 = arith.truncf %jit3A : f64 to f32
        %broadcast_in_dim3A_154 = vector.broadcast %convert_element_type3A_153 : f32 to vector<16xf32>
        %select_n3A_155 = arith.select %or3A_137, %select_n3A_148, %broadcast_in_dim3A_154 : vector<16xi1>, vector<16xf32>
        %jit3A_156 = arith.constant 0.000000e+00 : f64
        %convert_element_type3A_157 = arith.truncf %jit3A_156 : f64 to f32
        %broadcast_in_dim3A_158 = vector.broadcast %convert_element_type3A_157 : f32 to vector<16xf32>
        %select_n3A_159 = arith.select %or3A_137, %select_n3A_152, %broadcast_in_dim3A_158 : vector<16xi1>, vector<16xf32>
        %broadcast_in_dim3A_160 = arith.constant true
        %broadcast_in_dim3A_161 = vector.broadcast %broadcast_in_dim3A_160 : i1 to vector<16xi1>
        %masked_cummax3A = tpu.scan <max>, %select_n3A_155 masked %broadcast_in_dim3A_161 : vector<16xf32>, vector<16xi1> -> vector<16xf32>
        %broadcast_in_dim3A_162 = arith.constant true
        %broadcast_in_dim3A_163 = vector.broadcast %broadcast_in_dim3A_162 : i1 to vector<16xi1>
        %masked_cummax3A_164 = tpu.scan <max>, %select_n3A_159 masked %broadcast_in_dim3A_163 : vector<16xf32>, vector<16xi1> -> vector<16xf32>
        %broadcast_in_dim3A_165 = vector.shape_cast %and3A_9 : vector<16xi32> to vector<16x1xi32>
        %gather3A_166 = vector.shape_cast %broadcast_in_dim3A_165 : vector<16x1xi32> to vector<16xi32>
        %gather3A_167 = tpu.dynamic_gather %masked_cummax3A[%gather3A_166] in [0] : vector<16xf32>, vector<16xi32> -> vector<16xf32>
        %jit3A_168 = arith.constant 0.000000e+00 : f64
        %convert_element_type3A_169 = arith.truncf %jit3A_168 : f64 to f32
        %broadcast_in_dim3A_170 = vector.broadcast %convert_element_type3A_169 : f32 to vector<16xf32>
        %select_n3A_171 = arith.select %eq3A_11, %broadcast_in_dim3A_170, %gather3A_167 : vector<16xi1>, vector<16xf32>
        %broadcast_in_dim3A_172 = vector.shape_cast %and3A_9 : vector<16xi32> to vector<16x1xi32>
        %gather3A_173 = vector.shape_cast %broadcast_in_dim3A_172 : vector<16x1xi32> to vector<16xi32>
        %gather3A_174 = tpu.dynamic_gather %masked_cummax3A_164[%gather3A_173] in [0] : vector<16xf32>, vector<16xi32> -> vector<16xf32>
        %jit3A_175 = arith.constant 0.000000e+00 : f64
        %convert_element_type3A_176 = arith.truncf %jit3A_175 : f64 to f32
        %broadcast_in_dim3A_177 = vector.broadcast %convert_element_type3A_176 : f32 to vector<16xf32>
        %select_n3A_178 = arith.select %eq3A_11, %broadcast_in_dim3A_177, %gather3A_174 : vector<16xi1>, vector<16xf32>
        %sub3A = arith.subf %select_n3A_148, %select_n3A_171 : vector<16xf32>
        %sub3A_179 = arith.subf %select_n3A_152, %select_n3A_178 : vector<16xf32>
        %get3A_180 = arith.constant 0 : i64
        %get3A_181 = arith.index_cast %get3A_180 : i64 to index
        %get3A_182 = memref.load %arg20[%get3A_181] : memref<1xi32, #tpu.memory_space<smem>>
        %swap3A_183 = arith.index_cast %get3A_182 : i32 to index
        %swap3A_184 = tpu.vector_load %arg15[%swap3A_183] masked %or3A_137 {strides = array<i32>} : memref<2064xi32, #tpu.memory_space<vmem>>, vector<16xi32>, vector<16xi1>
        tpu.vector_store %arg15[%swap3A_183], %select_n3A masked %or3A_137 {strides = array<i32>} : memref<2064xi32, #tpu.memory_space<vmem>>, vector<16xi32>, vector<16xi1>
        %swap3A_185 = arith.index_cast %get3A_182 : i32 to index
        %swap3A_186 = tpu.vector_load %arg16[%swap3A_185] masked %or3A_137 {strides = array<i32>} : memref<2064xi32, #tpu.memory_space<vmem>>, vector<16xi32>, vector<16xi1>
        tpu.vector_store %arg16[%swap3A_185], %select_n3A_135 masked %or3A_137 {strides = array<i32>} : memref<2064xi32, #tpu.memory_space<vmem>>, vector<16xi32>, vector<16xi1>
        %swap3A_187 = arith.index_cast %get3A_182 : i32 to index
        %swap3A_188 = tpu.vector_load %arg17[%swap3A_187] masked %or3A_137 {strides = array<i32>} : memref<2064xf32, #tpu.memory_space<vmem>>, vector<16xf32>, vector<16xi1>
        tpu.vector_store %arg17[%swap3A_187], %sub3A masked %or3A_137 {strides = array<i32>} : memref<2064xf32, #tpu.memory_space<vmem>>, vector<16xf32>, vector<16xi1>
        %swap3A_189 = arith.index_cast %get3A_182 : i32 to index
        %swap3A_190 = tpu.vector_load %arg18[%swap3A_189] masked %or3A_137 {strides = array<i32>} : memref<2064xf32, #tpu.memory_space<vmem>>, vector<16xf32>, vector<16xi1>
        tpu.vector_store %arg18[%swap3A_189], %sub3A_179 masked %or3A_137 {strides = array<i32>} : memref<2064xf32, #tpu.memory_space<vmem>>, vector<16xf32>, vector<16xi1>
        %convert_element_type3A_191 = arith.extui %or3A_137 : vector<16xi1> to vector<16xi32>
        %reduce_sum3A_192 = arith.constant true
        %reduce_sum3A_193 = vector.broadcast %reduce_sum3A_192 : i1 to vector<16xi1>
        %reduce_sum3A_194 = tpu.scan <sum>, %convert_element_type3A_191 masked %reduce_sum3A_193 : vector<16xi32>, vector<16xi1> -> vector<16xi32>
        %reduce_sum3A_195 = vector.extract %reduce_sum3A_194[15] : i32 from vector<16xi32>
        %add3A_196 = arith.addi %get3A_182, %reduce_sum3A_195 : i32
        %swap3A_197 = arith.constant 0 : i64
        %swap3A_198 = arith.index_cast %swap3A_197 : i64 to index
        %swap3A_199 = memref.load %arg20[%swap3A_198] : memref<1xi32, #tpu.memory_space<smem>>
        memref.store %add3A_196, %arg20[%swap3A_198] : memref<1xi32, #tpu.memory_space<smem>>
        %get3A_200 = arith.constant 0 : i64
        %get3A_201 = arith.index_cast %get3A_200 : i64 to index
        %get3A_202 = memref.load %arg22[%get3A_201] : memref<1xi32, #tpu.memory_space<smem>>
        %add3A_203 = arith.addi %get3A_202, %reduce_sum3A_195 : i32
        %swap3A_204 = arith.constant 0 : i64
        %swap3A_205 = arith.index_cast %swap3A_204 : i64 to index
        %swap3A_206 = memref.load %arg22[%swap3A_205] : memref<1xi32, #tpu.memory_space<smem>>
        memref.store %add3A_203, %arg22[%swap3A_205] : memref<1xi32, #tpu.memory_space<smem>>
        %get3A_207 = arith.constant 0 : i64
        %get3A_208 = arith.index_cast %get3A_207 : i64 to index
        %get3A_209 = memref.load %arg20[%get3A_208] : memref<1xi32, #tpu.memory_space<smem>>
        %ge3A_210 = arith.constant 2048 : i32
        %ge3A_211 = arith.cmpi sge, %get3A_209, %ge3A_210 : i32
        %convert_element_type3A_212 = arith.extui %ge3A_211 : i1 to i32
        %cond3A_213 = arith.constant 0 : i32
        %cond3A_214 = arith.cmpi ne, %convert_element_type3A_212, %cond3A_213 : i32
        scf.if %cond3A_214 {
          %get3A_235 = arith.constant 0 : i64
          %get3A_236 = arith.index_cast %get3A_235 : i64 to index
          %get3A_237 = memref.load %arg21[%get3A_236] : memref<1xi32, #tpu.memory_space<smem>>
          %add3A_238 = arith.addi %mul3A_4, %get3A_237 : i32
          %multiple_of3A_239 = tpu.assume_multiple %add3A_238, 2048 : i32
          "tpu.region"() ({
            %run_scoped3A = tpu.sem_alloc : memref<!tpu.dma_semaphore, #tpu.memory_space<semaphore_mem>>
            %dma_start3A = arith.constant 0 : i32
            %dma_start3A_272 = tpu.memref_slice %arg15[%dma_start3A] : memref<2064xi32, #tpu.memory_space<vmem>> -> memref<2048xi32, #tpu.memory_space<vmem>>
            %dma_start3A_273 = tpu.memref_slice %arg6[%multiple_of3A_239] : memref<6553600xi32, #tpu.memory_space<hbm>> -> memref<2048xi32, #tpu.memory_space<hbm>>
            %dma_start3A_274 = tpu.memref_slice %arg6[%multiple_of3A_239] : memref<6553600xi32, #tpu.memory_space<hbm>> -> memref<2048xi32, #tpu.memory_space<hbm>>
            %dma_start3A_275 = arith.constant 0 : i32
            %dma_start3A_276 = tpu.memref_slice %arg15[%dma_start3A_275] : memref<2064xi32, #tpu.memory_space<vmem>> -> memref<2048xi32, #tpu.memory_space<vmem>>
            tpu.enqueue_dma source(%dma_start3A_276 : memref<2048xi32, #tpu.memory_space<vmem>>) target(%dma_start3A_274 : memref<2048xi32, #tpu.memory_space<hbm>>) target_semaphore(%run_scoped3A : memref<!tpu.dma_semaphore, #tpu.memory_space<semaphore_mem>>)
            %dma_wait3A = arith.constant 0 : i32
            %dma_wait3A_277 = tpu.memref_slice %arg15[%dma_wait3A] : memref<2064xi32, #tpu.memory_space<vmem>> -> memref<2048xi32, #tpu.memory_space<vmem>>
            %dma_wait3A_278 = tpu.memref_slice %arg6[%multiple_of3A_239] : memref<6553600xi32, #tpu.memory_space<hbm>> -> memref<2048xi32, #tpu.memory_space<hbm>>
            %dma_wait3A_279 = tpu.memref_slice %arg6[%multiple_of3A_239] : memref<6553600xi32, #tpu.memory_space<hbm>> -> memref<2048xi32, #tpu.memory_space<hbm>>
            %dma_wait3A_280 = arith.constant 0 : i32
            %dma_wait3A_281 = tpu.memref_slice %arg15[%dma_wait3A_280] : memref<2064xi32, #tpu.memory_space<vmem>> -> memref<2048xi32, #tpu.memory_space<vmem>>
            tpu.wait_dma2 semaphore(%run_scoped3A : memref<!tpu.dma_semaphore, #tpu.memory_space<semaphore_mem>>) src(%dma_wait3A_281 : memref<2048xi32, #tpu.memory_space<vmem>>) dst(%dma_wait3A_279 : memref<2048xi32, #tpu.memory_space<hbm>>)
            tpu.yield
          }) : () -> ()
          "tpu.region"() ({
            %run_scoped3A = tpu.sem_alloc : memref<!tpu.dma_semaphore, #tpu.memory_space<semaphore_mem>>
            %dma_start3A = arith.constant 0 : i32
            %dma_start3A_272 = tpu.memref_slice %arg16[%dma_start3A] : memref<2064xi32, #tpu.memory_space<vmem>> -> memref<2048xi32, #tpu.memory_space<vmem>>
            %dma_start3A_273 = tpu.memref_slice %arg7[%multiple_of3A_239] : memref<6553600xi32, #tpu.memory_space<hbm>> -> memref<2048xi32, #tpu.memory_space<hbm>>
            %dma_start3A_274 = tpu.memref_slice %arg7[%multiple_of3A_239] : memref<6553600xi32, #tpu.memory_space<hbm>> -> memref<2048xi32, #tpu.memory_space<hbm>>
            %dma_start3A_275 = arith.constant 0 : i32
            %dma_start3A_276 = tpu.memref_slice %arg16[%dma_start3A_275] : memref<2064xi32, #tpu.memory_space<vmem>> -> memref<2048xi32, #tpu.memory_space<vmem>>
            tpu.enqueue_dma source(%dma_start3A_276 : memref<2048xi32, #tpu.memory_space<vmem>>) target(%dma_start3A_274 : memref<2048xi32, #tpu.memory_space<hbm>>) target_semaphore(%run_scoped3A : memref<!tpu.dma_semaphore, #tpu.memory_space<semaphore_mem>>)
            %dma_wait3A = arith.constant 0 : i32
            %dma_wait3A_277 = tpu.memref_slice %arg16[%dma_wait3A] : memref<2064xi32, #tpu.memory_space<vmem>> -> memref<2048xi32, #tpu.memory_space<vmem>>
            %dma_wait3A_278 = tpu.memref_slice %arg7[%multiple_of3A_239] : memref<6553600xi32, #tpu.memory_space<hbm>> -> memref<2048xi32, #tpu.memory_space<hbm>>
            %dma_wait3A_279 = tpu.memref_slice %arg7[%multiple_of3A_239] : memref<6553600xi32, #tpu.memory_space<hbm>> -> memref<2048xi32, #tpu.memory_space<hbm>>
            %dma_wait3A_280 = arith.constant 0 : i32
            %dma_wait3A_281 = tpu.memref_slice %arg16[%dma_wait3A_280] : memref<2064xi32, #tpu.memory_space<vmem>> -> memref<2048xi32, #tpu.memory_space<vmem>>
            tpu.wait_dma2 semaphore(%run_scoped3A : memref<!tpu.dma_semaphore, #tpu.memory_space<semaphore_mem>>) src(%dma_wait3A_281 : memref<2048xi32, #tpu.memory_space<vmem>>) dst(%dma_wait3A_279 : memref<2048xi32, #tpu.memory_space<hbm>>)
            tpu.yield
          }) : () -> ()
          "tpu.region"() ({
            %run_scoped3A = tpu.sem_alloc : memref<!tpu.dma_semaphore, #tpu.memory_space<semaphore_mem>>
            %dma_start3A = arith.constant 0 : i32
            %dma_start3A_272 = tpu.memref_slice %arg17[%dma_start3A] : memref<2064xf32, #tpu.memory_space<vmem>> -> memref<2048xf32, #tpu.memory_space<vmem>>
            %dma_start3A_273 = tpu.memref_slice %arg8[%multiple_of3A_239] : memref<6553600xf32, #tpu.memory_space<hbm>> -> memref<2048xf32, #tpu.memory_space<hbm>>
            %dma_start3A_274 = tpu.memref_slice %arg8[%multiple_of3A_239] : memref<6553600xf32, #tpu.memory_space<hbm>> -> memref<2048xf32, #tpu.memory_space<hbm>>
            %dma_start3A_275 = arith.constant 0 : i32
            %dma_start3A_276 = tpu.memref_slice %arg17[%dma_start3A_275] : memref<2064xf32, #tpu.memory_space<vmem>> -> memref<2048xf32, #tpu.memory_space<vmem>>
            tpu.enqueue_dma source(%dma_start3A_276 : memref<2048xf32, #tpu.memory_space<vmem>>) target(%dma_start3A_274 : memref<2048xf32, #tpu.memory_space<hbm>>) target_semaphore(%run_scoped3A : memref<!tpu.dma_semaphore, #tpu.memory_space<semaphore_mem>>)
            %dma_wait3A = arith.constant 0 : i32
            %dma_wait3A_277 = tpu.memref_slice %arg17[%dma_wait3A] : memref<2064xf32, #tpu.memory_space<vmem>> -> memref<2048xf32, #tpu.memory_space<vmem>>
            %dma_wait3A_278 = tpu.memref_slice %arg8[%multiple_of3A_239] : memref<6553600xf32, #tpu.memory_space<hbm>> -> memref<2048xf32, #tpu.memory_space<hbm>>
            %dma_wait3A_279 = tpu.memref_slice %arg8[%multiple_of3A_239] : memref<6553600xf32, #tpu.memory_space<hbm>> -> memref<2048xf32, #tpu.memory_space<hbm>>
            %dma_wait3A_280 = arith.constant 0 : i32
            %dma_wait3A_281 = tpu.memref_slice %arg17[%dma_wait3A_280] : memref<2064xf32, #tpu.memory_space<vmem>> -> memref<2048xf32, #tpu.memory_space<vmem>>
            tpu.wait_dma2 semaphore(%run_scoped3A : memref<!tpu.dma_semaphore, #tpu.memory_space<semaphore_mem>>) src(%dma_wait3A_281 : memref<2048xf32, #tpu.memory_space<vmem>>) dst(%dma_wait3A_279 : memref<2048xf32, #tpu.memory_space<hbm>>)
            tpu.yield
          }) : () -> ()
          "tpu.region"() ({
            %run_scoped3A = tpu.sem_alloc : memref<!tpu.dma_semaphore, #tpu.memory_space<semaphore_mem>>
            %dma_start3A = arith.constant 0 : i32
            %dma_start3A_272 = tpu.memref_slice %arg18[%dma_start3A] : memref<2064xf32, #tpu.memory_space<vmem>> -> memref<2048xf32, #tpu.memory_space<vmem>>
            %dma_start3A_273 = tpu.memref_slice %arg9[%multiple_of3A_239] : memref<6553600xf32, #tpu.memory_space<hbm>> -> memref<2048xf32, #tpu.memory_space<hbm>>
            %dma_start3A_274 = tpu.memref_slice %arg9[%multiple_of3A_239] : memref<6553600xf32, #tpu.memory_space<hbm>> -> memref<2048xf32, #tpu.memory_space<hbm>>
            %dma_start3A_275 = arith.constant 0 : i32
            %dma_start3A_276 = tpu.memref_slice %arg18[%dma_start3A_275] : memref<2064xf32, #tpu.memory_space<vmem>> -> memref<2048xf32, #tpu.memory_space<vmem>>
            tpu.enqueue_dma source(%dma_start3A_276 : memref<2048xf32, #tpu.memory_space<vmem>>) target(%dma_start3A_274 : memref<2048xf32, #tpu.memory_space<hbm>>) target_semaphore(%run_scoped3A : memref<!tpu.dma_semaphore, #tpu.memory_space<semaphore_mem>>)
            %dma_wait3A = arith.constant 0 : i32
            %dma_wait3A_277 = tpu.memref_slice %arg18[%dma_wait3A] : memref<2064xf32, #tpu.memory_space<vmem>> -> memref<2048xf32, #tpu.memory_space<vmem>>
            %dma_wait3A_278 = tpu.memref_slice %arg9[%multiple_of3A_239] : memref<6553600xf32, #tpu.memory_space<hbm>> -> memref<2048xf32, #tpu.memory_space<hbm>>
            %dma_wait3A_279 = tpu.memref_slice %arg9[%multiple_of3A_239] : memref<6553600xf32, #tpu.memory_space<hbm>> -> memref<2048xf32, #tpu.memory_space<hbm>>
            %dma_wait3A_280 = arith.constant 0 : i32
            %dma_wait3A_281 = tpu.memref_slice %arg18[%dma_wait3A_280] : memref<2064xf32, #tpu.memory_space<vmem>> -> memref<2048xf32, #tpu.memory_space<vmem>>
            tpu.wait_dma2 semaphore(%run_scoped3A : memref<!tpu.dma_semaphore, #tpu.memory_space<semaphore_mem>>) src(%dma_wait3A_281 : memref<2048xf32, #tpu.memory_space<vmem>>) dst(%dma_wait3A_279 : memref<2048xf32, #tpu.memory_space<hbm>>)
            tpu.yield
          }) : () -> ()
          %get3A_240 = arith.constant 2048 : index
          %get3A_241 = tpu.vector_load %arg15[%get3A_240] {strides = array<i32>} : memref<2064xi32, #tpu.memory_space<vmem>>, vector<16xi32>,
          %swap3A_242 = arith.constant 0 : index
          %swap3A_243 = tpu.vector_load %arg15[%swap3A_242] {strides = array<i32>} : memref<2064xi32, #tpu.memory_space<vmem>>, vector<16xi32>,
          tpu.vector_store %arg15[%swap3A_242], %get3A_241 {strides = array<i32>} : memref<2064xi32, #tpu.memory_space<vmem>>, vector<16xi32>,
          %get3A_244 = arith.constant 2048 : index
          %get3A_245 = tpu.vector_load %arg16[%get3A_244] {strides = array<i32>} : memref<2064xi32, #tpu.memory_space<vmem>>, vector<16xi32>,
          %swap3A_246 = arith.constant 0 : index
          %swap3A_247 = tpu.vector_load %arg16[%swap3A_246] {strides = array<i32>} : memref<2064xi32, #tpu.memory_space<vmem>>, vector<16xi32>,
          tpu.vector_store %arg16[%swap3A_246], %get3A_245 {strides = array<i32>} : memref<2064xi32, #tpu.memory_space<vmem>>, vector<16xi32>,
          %get3A_248 = arith.constant 2048 : index
          %get3A_249 = tpu.vector_load %arg17[%get3A_248] {strides = array<i32>} : memref<2064xf32, #tpu.memory_space<vmem>>, vector<16xf32>,
          %swap3A_250 = arith.constant 0 : index
          %swap3A_251 = tpu.vector_load %arg17[%swap3A_250] {strides = array<i32>} : memref<2064xf32, #tpu.memory_space<vmem>>, vector<16xf32>,
          tpu.vector_store %arg17[%swap3A_250], %get3A_249 {strides = array<i32>} : memref<2064xf32, #tpu.memory_space<vmem>>, vector<16xf32>,
          %get3A_252 = arith.constant 2048 : index
          %get3A_253 = tpu.vector_load %arg18[%get3A_252] {strides = array<i32>} : memref<2064xf32, #tpu.memory_space<vmem>>, vector<16xf32>,
          %swap3A_254 = arith.constant 0 : index
          %swap3A_255 = tpu.vector_load %arg18[%swap3A_254] {strides = array<i32>} : memref<2064xf32, #tpu.memory_space<vmem>>, vector<16xf32>,
          tpu.vector_store %arg18[%swap3A_254], %get3A_253 {strides = array<i32>} : memref<2064xf32, #tpu.memory_space<vmem>>, vector<16xf32>,
          %get3A_256 = arith.constant 0 : i64
          %get3A_257 = arith.index_cast %get3A_256 : i64 to index
          %get3A_258 = memref.load %arg20[%get3A_257] : memref<1xi32, #tpu.memory_space<smem>>
          %sub3A_259 = arith.constant 2048 : i32
          %sub3A_260 = arith.subi %get3A_258, %sub3A_259 : i32
          %swap3A_261 = arith.constant 0 : i64
          %swap3A_262 = arith.index_cast %swap3A_261 : i64 to index
          %swap3A_263 = memref.load %arg20[%swap3A_262] : memref<1xi32, #tpu.memory_space<smem>>
          memref.store %sub3A_260, %arg20[%swap3A_262] : memref<1xi32, #tpu.memory_space<smem>>
          %get3A_264 = arith.constant 0 : i64
          %get3A_265 = arith.index_cast %get3A_264 : i64 to index
          %get3A_266 = memref.load %arg21[%get3A_265] : memref<1xi32, #tpu.memory_space<smem>>
          %add3A_267 = arith.constant 2048 : i32
          %add3A_268 = arith.addi %get3A_266, %add3A_267 : i32
          %swap3A_269 = arith.constant 0 : i64
          %swap3A_270 = arith.index_cast %swap3A_269 : i64 to index
          %swap3A_271 = memref.load %arg21[%swap3A_270] : memref<1xi32, #tpu.memory_space<smem>>
          memref.store %add3A_268, %arg21[%swap3A_270] : memref<1xi32, #tpu.memory_space<smem>>
        } else {
        }
        %broadcast_in_dim3A_215 = vector.shape_cast %broadcast_in_dim3A_12 : vector<16xi32> to vector<16x1xi32>
        %gather3A_216 = vector.shape_cast %broadcast_in_dim3A_215 : vector<16x1xi32> to vector<16xi32>
        %gather3A_217 = tpu.dynamic_gather %add3A_140[%gather3A_216] in [0] : vector<16xf32>, vector<16xi32> -> vector<16xf32>
        %broadcast_in_dim3A_218 = vector.shape_cast %broadcast_in_dim3A_12 : vector<16xi32> to vector<16x1xi32>
        %gather3A_219 = vector.shape_cast %broadcast_in_dim3A_218 : vector<16x1xi32> to vector<16xi32>
        %gather3A_220 = tpu.dynamic_gather %masked_cummax3A[%gather3A_219] in [0] : vector<16xf32>, vector<16xi32> -> vector<16xf32>
        %sub3A_221 = arith.subf %gather3A_217, %gather3A_220 : vector<16xf32>
        %broadcast_in_dim3A_222 = vector.shape_cast %broadcast_in_dim3A_12 : vector<16xi32> to vector<16x1xi32>
        %gather3A_223 = vector.shape_cast %broadcast_in_dim3A_222 : vector<16x1xi32> to vector<16xi32>
        %gather3A_224 = tpu.dynamic_gather %add3A_144[%gather3A_223] in [0] : vector<16xf32>, vector<16xi32> -> vector<16xf32>
        %broadcast_in_dim3A_225 = vector.shape_cast %broadcast_in_dim3A_12 : vector<16xi32> to vector<16x1xi32>
        %gather3A_226 = vector.shape_cast %broadcast_in_dim3A_225 : vector<16x1xi32> to vector<16xi32>
        %gather3A_227 = tpu.dynamic_gather %masked_cummax3A_164[%gather3A_226] in [0] : vector<16xf32>, vector<16xi32> -> vector<16xf32>
        %sub3A_228 = arith.subf %gather3A_224, %gather3A_227 : vector<16xf32>
        %broadcast_in_dim3A_229 = vector.shape_cast %broadcast_in_dim3A_12 : vector<16xi32> to vector<16x1xi32>
        %gather3A_230 = vector.shape_cast %broadcast_in_dim3A_229 : vector<16x1xi32> to vector<16xi32>
        %gather3A_231 = tpu.dynamic_gather %get3A_113[%gather3A_230] in [0] : vector<16xi32>, vector<16xi32> -> vector<16xi32>
        %broadcast_in_dim3A_232 = vector.shape_cast %broadcast_in_dim3A_12 : vector<16xi32> to vector<16x1xi32>
        %gather3A_233 = vector.shape_cast %broadcast_in_dim3A_232 : vector<16x1xi32> to vector<16xi32>
        %gather3A_234 = tpu.dynamic_gather %get3A_115[%gather3A_233] in [0] : vector<16xi32>, vector<16xi32> -> vector<16xi32>
        scf.yield %gather3A_231, %gather3A_234, %sub3A_221, %sub3A_228 : vector<16xi32>, vector<16xi32>, vector<16xf32>, vector<16xf32>
      }
      scf.yield %while3A_104#0, %while3A_104#1, %while3A_104#2, %while3A_104#3 : vector<16xi32>, vector<16xi32>, vector<16xf32>, vector<16xf32>
    }
    %while3A_41 = arith.constant 1 : i32
    %while3A_42:4 = scf.for %while3A_85 = %while3A_38 to %while3A_34 step %while3A_41 iter_args(%while3A_86 = %while3A_40#0, %while3A_87 = %while3A_40#1, %while3A_88 = %while3A_40#2, %while3A_89 = %while3A_40#3) -> (vector<16xi32>, vector<16xi32>, vector<16xf32>, vector<16xf32>)  : i32 {
      %mul3A_90 = arith.constant 8000 : i32
      %mul3A_91 = arith.muli %while3A_85, %mul3A_90 : i32
      %add3A_92 = arith.addi %mul3A_2, %mul3A_91 : i32
      "tpu.region"() ({
        %run_scoped3A = tpu.sem_alloc : memref<!tpu.dma_semaphore, #tpu.memory_space<semaphore_mem>>
        %dma_start3A = tpu.memref_slice %arg2[%add3A_92] : memref<6400000xi32, #tpu.memory_space<hbm>> -> memref<8000xi32, #tpu.memory_space<hbm>>
        %dma_start3A_105 = tpu.memref_slice %arg2[%add3A_92] : memref<6400000xi32, #tpu.memory_space<hbm>> -> memref<8000xi32, #tpu.memory_space<hbm>>
        tpu.enqueue_dma source(%dma_start3A_105 : memref<8000xi32, #tpu.memory_space<hbm>>) target(%arg11 : memref<8000xi32, #tpu.memory_space<vmem>>) target_semaphore(%run_scoped3A : memref<!tpu.dma_semaphore, #tpu.memory_space<semaphore_mem>>)
        %dma_wait3A = tpu.memref_slice %arg2[%add3A_92] : memref<6400000xi32, #tpu.memory_space<hbm>> -> memref<8000xi32, #tpu.memory_space<hbm>>
        %dma_wait3A_106 = tpu.memref_slice %arg2[%add3A_92] : memref<6400000xi32, #tpu.memory_space<hbm>> -> memref<8000xi32, #tpu.memory_space<hbm>>
        tpu.wait_dma2 semaphore(%run_scoped3A : memref<!tpu.dma_semaphore, #tpu.memory_space<semaphore_mem>>) src(%dma_wait3A_106 : memref<8000xi32, #tpu.memory_space<hbm>>) dst(%arg11 : memref<8000xi32, #tpu.memory_space<vmem>>)
        tpu.yield
      }) : () -> ()
      "tpu.region"() ({
        %run_scoped3A = tpu.sem_alloc : memref<!tpu.dma_semaphore, #tpu.memory_space<semaphore_mem>>
        %dma_start3A = tpu.memref_slice %arg3[%add3A_92] : memref<6400000xi32, #tpu.memory_space<hbm>> -> memref<8000xi32, #tpu.memory_space<hbm>>
        %dma_start3A_105 = tpu.memref_slice %arg3[%add3A_92] : memref<6400000xi32, #tpu.memory_space<hbm>> -> memref<8000xi32, #tpu.memory_space<hbm>>
        tpu.enqueue_dma source(%dma_start3A_105 : memref<8000xi32, #tpu.memory_space<hbm>>) target(%arg12 : memref<8000xi32, #tpu.memory_space<vmem>>) target_semaphore(%run_scoped3A : memref<!tpu.dma_semaphore, #tpu.memory_space<semaphore_mem>>)
        %dma_wait3A = tpu.memref_slice %arg3[%add3A_92] : memref<6400000xi32, #tpu.memory_space<hbm>> -> memref<8000xi32, #tpu.memory_space<hbm>>
        %dma_wait3A_106 = tpu.memref_slice %arg3[%add3A_92] : memref<6400000xi32, #tpu.memory_space<hbm>> -> memref<8000xi32, #tpu.memory_space<hbm>>
        tpu.wait_dma2 semaphore(%run_scoped3A : memref<!tpu.dma_semaphore, #tpu.memory_space<semaphore_mem>>) src(%dma_wait3A_106 : memref<8000xi32, #tpu.memory_space<hbm>>) dst(%arg12 : memref<8000xi32, #tpu.memory_space<vmem>>)
        tpu.yield
      }) : () -> ()
      "tpu.region"() ({
        %run_scoped3A = tpu.sem_alloc : memref<!tpu.dma_semaphore, #tpu.memory_space<semaphore_mem>>
        %dma_start3A = tpu.memref_slice %arg4[%add3A_92] : memref<6400000xi32, #tpu.memory_space<hbm>> -> memref<8000xi32, #tpu.memory_space<hbm>>
        %dma_start3A_105 = tpu.memref_slice %arg4[%add3A_92] : memref<6400000xi32, #tpu.memory_space<hbm>> -> memref<8000xi32, #tpu.memory_space<hbm>>
        tpu.enqueue_dma source(%dma_start3A_105 : memref<8000xi32, #tpu.memory_space<hbm>>) target(%arg13 : memref<8000xi32, #tpu.memory_space<vmem>>) target_semaphore(%run_scoped3A : memref<!tpu.dma_semaphore, #tpu.memory_space<semaphore_mem>>)
        %dma_wait3A = tpu.memref_slice %arg4[%add3A_92] : memref<6400000xi32, #tpu.memory_space<hbm>> -> memref<8000xi32, #tpu.memory_space<hbm>>
        %dma_wait3A_106 = tpu.memref_slice %arg4[%add3A_92] : memref<6400000xi32, #tpu.memory_space<hbm>> -> memref<8000xi32, #tpu.memory_space<hbm>>
        tpu.wait_dma2 semaphore(%run_scoped3A : memref<!tpu.dma_semaphore, #tpu.memory_space<semaphore_mem>>) src(%dma_wait3A_106 : memref<8000xi32, #tpu.memory_space<hbm>>) dst(%arg13 : memref<8000xi32, #tpu.memory_space<vmem>>)
        tpu.yield
      }) : () -> ()
      %while3A_93 = arith.constant 0 : i32
      %while3A_94 = arith.constant 500 : i32
      %while3A_95 = arith.subi %while3A_94, %while3A_93 : i32
      %while3A_96 = arith.addi %while3A_93, %while3A_95 : i32
      %while3A_97 = arith.constant 1 : i32
      %while3A_98 = arith.divsi %while3A_95, %while3A_97 : i32
      %while3A_99 = arith.muli %while3A_98, %while3A_97 : i32
      %while3A_100 = arith.addi %while3A_93, %while3A_99 : i32
      %while3A_101 = arith.constant 1 : i32
      %while3A_102:4 = scf.for %while3A_105 = %while3A_93 to %while3A_100 step %while3A_101 iter_args(%while3A_106 = %while3A_86, %while3A_107 = %while3A_87, %while3A_108 = %while3A_88, %while3A_109 = %while3A_89) -> (vector<16xi32>, vector<16xi32>, vector<16xf32>, vector<16xf32>)  : i32 {
        %mul3A_110 = arith.constant 16 : i32
        %mul3A_111 = arith.muli %while3A_105, %mul3A_110 : i32
        %get3A_112 = arith.index_cast %mul3A_111 : i32 to index
        %get3A_113 = tpu.vector_load %arg11[%get3A_112] {strides = array<i32>} : memref<8000xi32, #tpu.memory_space<vmem>>, vector<16xi32>,
        %get3A_114 = arith.index_cast %mul3A_111 : i32 to index
        %get3A_115 = tpu.vector_load %arg12[%get3A_114] {strides = array<i32>} : memref<8000xi32, #tpu.memory_space<vmem>>, vector<16xi32>,
        %get3A_116 = arith.index_cast %mul3A_111 : i32 to index
        %get3A_117 = tpu.vector_load %arg13[%get3A_116] {strides = array<i32>} : memref<8000xi32, #tpu.memory_space<vmem>>, vector<16xi32>,
        %and3A_118 = arith.constant 3 : i32
        %and3A_119 = vector.broadcast %and3A_118 : i32 to vector<16xi32>
        %and3A_120 = arith.andi %get3A_117, %and3A_119 : vector<16xi32>
        %and3A_121 = arith.constant -4 : i32
        %and3A_122 = vector.broadcast %and3A_121 : i32 to vector<16xi32>
        %and3A_123 = arith.andi %get3A_117, %and3A_122 : vector<16xi32>
        %bitcast_convert_type3A = tpu.bitcast %and3A_123 : vector<16xi32> -> vector<16xf32>
        %gather3A = tpu.vector_load_idx %arg14[%and3A_120] : memref<16xf32, #tpu.memory_space<vmem>>[vector<16xi32>], vector<16xf32>,
        %or3A = arith.constant 4 : i32
        %or3A_124 = vector.broadcast %or3A : i32 to vector<16xi32>
        %or3A_125 = arith.ori %and3A_120, %or3A_124 : vector<16xi32>
        %gather3A_126 = tpu.vector_load_idx %arg14[%or3A_125] : memref<16xf32, #tpu.memory_space<vmem>>[vector<16xi32>], vector<16xf32>,
        %mul3A_127 = arith.mulf %bitcast_convert_type3A, %gather3A : vector<16xf32>
        %mul3A_128 = arith.mulf %bitcast_convert_type3A, %gather3A_126 : vector<16xf32>
        %broadcast_in_dim3A_129 = vector.shape_cast %and3A_9 : vector<16xi32> to vector<16x1xi32>
        %gather3A_130 = vector.shape_cast %broadcast_in_dim3A_129 : vector<16x1xi32> to vector<16xi32>
        %gather3A_131 = tpu.dynamic_gather %get3A_113[%gather3A_130] in [0] : vector<16xi32>, vector<16xi32> -> vector<16xi32>
        %select_n3A = arith.select %eq3A_11, %while3A_106, %gather3A_131 : vector<16xi1>, vector<16xi32>
        %broadcast_in_dim3A_132 = vector.shape_cast %and3A_9 : vector<16xi32> to vector<16x1xi32>
        %gather3A_133 = vector.shape_cast %broadcast_in_dim3A_132 : vector<16x1xi32> to vector<16xi32>
        %gather3A_134 = tpu.dynamic_gather %get3A_115[%gather3A_133] in [0] : vector<16xi32>, vector<16xi32> -> vector<16xi32>
        %select_n3A_135 = arith.select %eq3A_11, %while3A_107, %gather3A_134 : vector<16xi1>, vector<16xi32>
        %ne3A = arith.cmpi ne, %get3A_113, %select_n3A : vector<16xi32>
        %ne3A_136 = arith.cmpi ne, %get3A_115, %select_n3A_135 : vector<16xi32>
        %or3A_137 = arith.ori %ne3A, %ne3A_136 : vector<16xi1>
        %broadcast_in_dim3A_138 = arith.constant true
        %broadcast_in_dim3A_139 = vector.broadcast %broadcast_in_dim3A_138 : i1 to vector<16xi1>
        %masked_cumsum3A = tpu.scan <sum>, %mul3A_127 masked %broadcast_in_dim3A_139 : vector<16xf32>, vector<16xi1> -> vector<16xf32>
        %add3A_140 = arith.addf %masked_cumsum3A, %while3A_108 : vector<16xf32>
        %broadcast_in_dim3A_141 = arith.constant true
        %broadcast_in_dim3A_142 = vector.broadcast %broadcast_in_dim3A_141 : i1 to vector<16xi1>
        %masked_cumsum3A_143 = tpu.scan <sum>, %mul3A_128 masked %broadcast_in_dim3A_142 : vector<16xf32>, vector<16xi1> -> vector<16xf32>
        %add3A_144 = arith.addf %masked_cumsum3A_143, %while3A_109 : vector<16xf32>
        %broadcast_in_dim3A_145 = vector.shape_cast %and3A_9 : vector<16xi32> to vector<16x1xi32>
        %gather3A_146 = vector.shape_cast %broadcast_in_dim3A_145 : vector<16x1xi32> to vector<16xi32>
        %gather3A_147 = tpu.dynamic_gather %add3A_140[%gather3A_146] in [0] : vector<16xf32>, vector<16xi32> -> vector<16xf32>
        %select_n3A_148 = arith.select %eq3A_11, %while3A_108, %gather3A_147 : vector<16xi1>, vector<16xf32>
        %broadcast_in_dim3A_149 = vector.shape_cast %and3A_9 : vector<16xi32> to vector<16x1xi32>
        %gather3A_150 = vector.shape_cast %broadcast_in_dim3A_149 : vector<16x1xi32> to vector<16xi32>
        %gather3A_151 = tpu.dynamic_gather %add3A_144[%gather3A_150] in [0] : vector<16xf32>, vector<16xi32> -> vector<16xf32>
        %select_n3A_152 = arith.select %eq3A_11, %while3A_109, %gather3A_151 : vector<16xi1>, vector<16xf32>
        %jit3A = arith.constant 0.000000e+00 : f64
        %convert_element_type3A_153 = arith.truncf %jit3A : f64 to f32
        %broadcast_in_dim3A_154 = vector.broadcast %convert_element_type3A_153 : f32 to vector<16xf32>
        %select_n3A_155 = arith.select %or3A_137, %select_n3A_148, %broadcast_in_dim3A_154 : vector<16xi1>, vector<16xf32>
        %jit3A_156 = arith.constant 0.000000e+00 : f64
        %convert_element_type3A_157 = arith.truncf %jit3A_156 : f64 to f32
        %broadcast_in_dim3A_158 = vector.broadcast %convert_element_type3A_157 : f32 to vector<16xf32>
        %select_n3A_159 = arith.select %or3A_137, %select_n3A_152, %broadcast_in_dim3A_158 : vector<16xi1>, vector<16xf32>
        %broadcast_in_dim3A_160 = arith.constant true
        %broadcast_in_dim3A_161 = vector.broadcast %broadcast_in_dim3A_160 : i1 to vector<16xi1>
        %masked_cummax3A = tpu.scan <max>, %select_n3A_155 masked %broadcast_in_dim3A_161 : vector<16xf32>, vector<16xi1> -> vector<16xf32>
        %broadcast_in_dim3A_162 = arith.constant true
        %broadcast_in_dim3A_163 = vector.broadcast %broadcast_in_dim3A_162 : i1 to vector<16xi1>
        %masked_cummax3A_164 = tpu.scan <max>, %select_n3A_159 masked %broadcast_in_dim3A_163 : vector<16xf32>, vector<16xi1> -> vector<16xf32>
        %broadcast_in_dim3A_165 = vector.shape_cast %and3A_9 : vector<16xi32> to vector<16x1xi32>
        %gather3A_166 = vector.shape_cast %broadcast_in_dim3A_165 : vector<16x1xi32> to vector<16xi32>
        %gather3A_167 = tpu.dynamic_gather %masked_cummax3A[%gather3A_166] in [0] : vector<16xf32>, vector<16xi32> -> vector<16xf32>
        %jit3A_168 = arith.constant 0.000000e+00 : f64
        %convert_element_type3A_169 = arith.truncf %jit3A_168 : f64 to f32
        %broadcast_in_dim3A_170 = vector.broadcast %convert_element_type3A_169 : f32 to vector<16xf32>
        %select_n3A_171 = arith.select %eq3A_11, %broadcast_in_dim3A_170, %gather3A_167 : vector<16xi1>, vector<16xf32>
        %broadcast_in_dim3A_172 = vector.shape_cast %and3A_9 : vector<16xi32> to vector<16x1xi32>
        %gather3A_173 = vector.shape_cast %broadcast_in_dim3A_172 : vector<16x1xi32> to vector<16xi32>
        %gather3A_174 = tpu.dynamic_gather %masked_cummax3A_164[%gather3A_173] in [0] : vector<16xf32>, vector<16xi32> -> vector<16xf32>
        %jit3A_175 = arith.constant 0.000000e+00 : f64
        %convert_element_type3A_176 = arith.truncf %jit3A_175 : f64 to f32
        %broadcast_in_dim3A_177 = vector.broadcast %convert_element_type3A_176 : f32 to vector<16xf32>
        %select_n3A_178 = arith.select %eq3A_11, %broadcast_in_dim3A_177, %gather3A_174 : vector<16xi1>, vector<16xf32>
        %sub3A = arith.subf %select_n3A_148, %select_n3A_171 : vector<16xf32>
        %sub3A_179 = arith.subf %select_n3A_152, %select_n3A_178 : vector<16xf32>
        %get3A_180 = arith.constant 0 : i64
        %get3A_181 = arith.index_cast %get3A_180 : i64 to index
        %get3A_182 = memref.load %arg20[%get3A_181] : memref<1xi32, #tpu.memory_space<smem>>
        %swap3A_183 = arith.index_cast %get3A_182 : i32 to index
        %swap3A_184 = tpu.vector_load %arg15[%swap3A_183] masked %or3A_137 {strides = array<i32>} : memref<2064xi32, #tpu.memory_space<vmem>>, vector<16xi32>, vector<16xi1>
        tpu.vector_store %arg15[%swap3A_183], %select_n3A masked %or3A_137 {strides = array<i32>} : memref<2064xi32, #tpu.memory_space<vmem>>, vector<16xi32>, vector<16xi1>
        %swap3A_185 = arith.index_cast %get3A_182 : i32 to index
        %swap3A_186 = tpu.vector_load %arg16[%swap3A_185] masked %or3A_137 {strides = array<i32>} : memref<2064xi32, #tpu.memory_space<vmem>>, vector<16xi32>, vector<16xi1>
        tpu.vector_store %arg16[%swap3A_185], %select_n3A_135 masked %or3A_137 {strides = array<i32>} : memref<2064xi32, #tpu.memory_space<vmem>>, vector<16xi32>, vector<16xi1>
        %swap3A_187 = arith.index_cast %get3A_182 : i32 to index
        %swap3A_188 = tpu.vector_load %arg17[%swap3A_187] masked %or3A_137 {strides = array<i32>} : memref<2064xf32, #tpu.memory_space<vmem>>, vector<16xf32>, vector<16xi1>
        tpu.vector_store %arg17[%swap3A_187], %sub3A masked %or3A_137 {strides = array<i32>} : memref<2064xf32, #tpu.memory_space<vmem>>, vector<16xf32>, vector<16xi1>
        %swap3A_189 = arith.index_cast %get3A_182 : i32 to index
        %swap3A_190 = tpu.vector_load %arg18[%swap3A_189] masked %or3A_137 {strides = array<i32>} : memref<2064xf32, #tpu.memory_space<vmem>>, vector<16xf32>, vector<16xi1>
        tpu.vector_store %arg18[%swap3A_189], %sub3A_179 masked %or3A_137 {strides = array<i32>} : memref<2064xf32, #tpu.memory_space<vmem>>, vector<16xf32>, vector<16xi1>
        %convert_element_type3A_191 = arith.extui %or3A_137 : vector<16xi1> to vector<16xi32>
        %reduce_sum3A_192 = arith.constant true
        %reduce_sum3A_193 = vector.broadcast %reduce_sum3A_192 : i1 to vector<16xi1>
        %reduce_sum3A_194 = tpu.scan <sum>, %convert_element_type3A_191 masked %reduce_sum3A_193 : vector<16xi32>, vector<16xi1> -> vector<16xi32>
        %reduce_sum3A_195 = vector.extract %reduce_sum3A_194[15] : i32 from vector<16xi32>
        %add3A_196 = arith.addi %get3A_182, %reduce_sum3A_195 : i32
        %swap3A_197 = arith.constant 0 : i64
        %swap3A_198 = arith.index_cast %swap3A_197 : i64 to index
        %swap3A_199 = memref.load %arg20[%swap3A_198] : memref<1xi32, #tpu.memory_space<smem>>
        memref.store %add3A_196, %arg20[%swap3A_198] : memref<1xi32, #tpu.memory_space<smem>>
        %get3A_200 = arith.constant 0 : i64
        %get3A_201 = arith.index_cast %get3A_200 : i64 to index
        %get3A_202 = memref.load %arg22[%get3A_201] : memref<1xi32, #tpu.memory_space<smem>>
        %add3A_203 = arith.addi %get3A_202, %reduce_sum3A_195 : i32
        %swap3A_204 = arith.constant 0 : i64
        %swap3A_205 = arith.index_cast %swap3A_204 : i64 to index
        %swap3A_206 = memref.load %arg22[%swap3A_205] : memref<1xi32, #tpu.memory_space<smem>>
        memref.store %add3A_203, %arg22[%swap3A_205] : memref<1xi32, #tpu.memory_space<smem>>
        %get3A_207 = arith.constant 0 : i64
        %get3A_208 = arith.index_cast %get3A_207 : i64 to index
        %get3A_209 = memref.load %arg20[%get3A_208] : memref<1xi32, #tpu.memory_space<smem>>
        %ge3A_210 = arith.constant 2048 : i32
        %ge3A_211 = arith.cmpi sge, %get3A_209, %ge3A_210 : i32
        %convert_element_type3A_212 = arith.extui %ge3A_211 : i1 to i32
        %cond3A_213 = arith.constant 0 : i32
        %cond3A_214 = arith.cmpi ne, %convert_element_type3A_212, %cond3A_213 : i32
        scf.if %cond3A_214 {
          %get3A_235 = arith.constant 0 : i64
          %get3A_236 = arith.index_cast %get3A_235 : i64 to index
          %get3A_237 = memref.load %arg21[%get3A_236] : memref<1xi32, #tpu.memory_space<smem>>
          %add3A_238 = arith.addi %mul3A_4, %get3A_237 : i32
          %multiple_of3A_239 = tpu.assume_multiple %add3A_238, 2048 : i32
          "tpu.region"() ({
            %run_scoped3A = tpu.sem_alloc : memref<!tpu.dma_semaphore, #tpu.memory_space<semaphore_mem>>
            %dma_start3A = arith.constant 0 : i32
            %dma_start3A_272 = tpu.memref_slice %arg15[%dma_start3A] : memref<2064xi32, #tpu.memory_space<vmem>> -> memref<2048xi32, #tpu.memory_space<vmem>>
            %dma_start3A_273 = tpu.memref_slice %arg6[%multiple_of3A_239] : memref<6553600xi32, #tpu.memory_space<hbm>> -> memref<2048xi32, #tpu.memory_space<hbm>>
            %dma_start3A_274 = tpu.memref_slice %arg6[%multiple_of3A_239] : memref<6553600xi32, #tpu.memory_space<hbm>> -> memref<2048xi32, #tpu.memory_space<hbm>>
            %dma_start3A_275 = arith.constant 0 : i32
            %dma_start3A_276 = tpu.memref_slice %arg15[%dma_start3A_275] : memref<2064xi32, #tpu.memory_space<vmem>> -> memref<2048xi32, #tpu.memory_space<vmem>>
            tpu.enqueue_dma source(%dma_start3A_276 : memref<2048xi32, #tpu.memory_space<vmem>>) target(%dma_start3A_274 : memref<2048xi32, #tpu.memory_space<hbm>>) target_semaphore(%run_scoped3A : memref<!tpu.dma_semaphore, #tpu.memory_space<semaphore_mem>>)
            %dma_wait3A = arith.constant 0 : i32
            %dma_wait3A_277 = tpu.memref_slice %arg15[%dma_wait3A] : memref<2064xi32, #tpu.memory_space<vmem>> -> memref<2048xi32, #tpu.memory_space<vmem>>
            %dma_wait3A_278 = tpu.memref_slice %arg6[%multiple_of3A_239] : memref<6553600xi32, #tpu.memory_space<hbm>> -> memref<2048xi32, #tpu.memory_space<hbm>>
            %dma_wait3A_279 = tpu.memref_slice %arg6[%multiple_of3A_239] : memref<6553600xi32, #tpu.memory_space<hbm>> -> memref<2048xi32, #tpu.memory_space<hbm>>
            %dma_wait3A_280 = arith.constant 0 : i32
            %dma_wait3A_281 = tpu.memref_slice %arg15[%dma_wait3A_280] : memref<2064xi32, #tpu.memory_space<vmem>> -> memref<2048xi32, #tpu.memory_space<vmem>>
            tpu.wait_dma2 semaphore(%run_scoped3A : memref<!tpu.dma_semaphore, #tpu.memory_space<semaphore_mem>>) src(%dma_wait3A_281 : memref<2048xi32, #tpu.memory_space<vmem>>) dst(%dma_wait3A_279 : memref<2048xi32, #tpu.memory_space<hbm>>)
            tpu.yield
          }) : () -> ()
          "tpu.region"() ({
            %run_scoped3A = tpu.sem_alloc : memref<!tpu.dma_semaphore, #tpu.memory_space<semaphore_mem>>
            %dma_start3A = arith.constant 0 : i32
            %dma_start3A_272 = tpu.memref_slice %arg16[%dma_start3A] : memref<2064xi32, #tpu.memory_space<vmem>> -> memref<2048xi32, #tpu.memory_space<vmem>>
            %dma_start3A_273 = tpu.memref_slice %arg7[%multiple_of3A_239] : memref<6553600xi32, #tpu.memory_space<hbm>> -> memref<2048xi32, #tpu.memory_space<hbm>>
            %dma_start3A_274 = tpu.memref_slice %arg7[%multiple_of3A_239] : memref<6553600xi32, #tpu.memory_space<hbm>> -> memref<2048xi32, #tpu.memory_space<hbm>>
            %dma_start3A_275 = arith.constant 0 : i32
            %dma_start3A_276 = tpu.memref_slice %arg16[%dma_start3A_275] : memref<2064xi32, #tpu.memory_space<vmem>> -> memref<2048xi32, #tpu.memory_space<vmem>>
            tpu.enqueue_dma source(%dma_start3A_276 : memref<2048xi32, #tpu.memory_space<vmem>>) target(%dma_start3A_274 : memref<2048xi32, #tpu.memory_space<hbm>>) target_semaphore(%run_scoped3A : memref<!tpu.dma_semaphore, #tpu.memory_space<semaphore_mem>>)
            %dma_wait3A = arith.constant 0 : i32
            %dma_wait3A_277 = tpu.memref_slice %arg16[%dma_wait3A] : memref<2064xi32, #tpu.memory_space<vmem>> -> memref<2048xi32, #tpu.memory_space<vmem>>
            %dma_wait3A_278 = tpu.memref_slice %arg7[%multiple_of3A_239] : memref<6553600xi32, #tpu.memory_space<hbm>> -> memref<2048xi32, #tpu.memory_space<hbm>>
            %dma_wait3A_279 = tpu.memref_slice %arg7[%multiple_of3A_239] : memref<6553600xi32, #tpu.memory_space<hbm>> -> memref<2048xi32, #tpu.memory_space<hbm>>
            %dma_wait3A_280 = arith.constant 0 : i32
            %dma_wait3A_281 = tpu.memref_slice %arg16[%dma_wait3A_280] : memref<2064xi32, #tpu.memory_space<vmem>> -> memref<2048xi32, #tpu.memory_space<vmem>>
            tpu.wait_dma2 semaphore(%run_scoped3A : memref<!tpu.dma_semaphore, #tpu.memory_space<semaphore_mem>>) src(%dma_wait3A_281 : memref<2048xi32, #tpu.memory_space<vmem>>) dst(%dma_wait3A_279 : memref<2048xi32, #tpu.memory_space<hbm>>)
            tpu.yield
          }) : () -> ()
          "tpu.region"() ({
            %run_scoped3A = tpu.sem_alloc : memref<!tpu.dma_semaphore, #tpu.memory_space<semaphore_mem>>
            %dma_start3A = arith.constant 0 : i32
            %dma_start3A_272 = tpu.memref_slice %arg17[%dma_start3A] : memref<2064xf32, #tpu.memory_space<vmem>> -> memref<2048xf32, #tpu.memory_space<vmem>>
            %dma_start3A_273 = tpu.memref_slice %arg8[%multiple_of3A_239] : memref<6553600xf32, #tpu.memory_space<hbm>> -> memref<2048xf32, #tpu.memory_space<hbm>>
            %dma_start3A_274 = tpu.memref_slice %arg8[%multiple_of3A_239] : memref<6553600xf32, #tpu.memory_space<hbm>> -> memref<2048xf32, #tpu.memory_space<hbm>>
            %dma_start3A_275 = arith.constant 0 : i32
            %dma_start3A_276 = tpu.memref_slice %arg17[%dma_start3A_275] : memref<2064xf32, #tpu.memory_space<vmem>> -> memref<2048xf32, #tpu.memory_space<vmem>>
            tpu.enqueue_dma source(%dma_start3A_276 : memref<2048xf32, #tpu.memory_space<vmem>>) target(%dma_start3A_274 : memref<2048xf32, #tpu.memory_space<hbm>>) target_semaphore(%run_scoped3A : memref<!tpu.dma_semaphore, #tpu.memory_space<semaphore_mem>>)
            %dma_wait3A = arith.constant 0 : i32
            %dma_wait3A_277 = tpu.memref_slice %arg17[%dma_wait3A] : memref<2064xf32, #tpu.memory_space<vmem>> -> memref<2048xf32, #tpu.memory_space<vmem>>
            %dma_wait3A_278 = tpu.memref_slice %arg8[%multiple_of3A_239] : memref<6553600xf32, #tpu.memory_space<hbm>> -> memref<2048xf32, #tpu.memory_space<hbm>>
            %dma_wait3A_279 = tpu.memref_slice %arg8[%multiple_of3A_239] : memref<6553600xf32, #tpu.memory_space<hbm>> -> memref<2048xf32, #tpu.memory_space<hbm>>
            %dma_wait3A_280 = arith.constant 0 : i32
            %dma_wait3A_281 = tpu.memref_slice %arg17[%dma_wait3A_280] : memref<2064xf32, #tpu.memory_space<vmem>> -> memref<2048xf32, #tpu.memory_space<vmem>>
            tpu.wait_dma2 semaphore(%run_scoped3A : memref<!tpu.dma_semaphore, #tpu.memory_space<semaphore_mem>>) src(%dma_wait3A_281 : memref<2048xf32, #tpu.memory_space<vmem>>) dst(%dma_wait3A_279 : memref<2048xf32, #tpu.memory_space<hbm>>)
            tpu.yield
          }) : () -> ()
          "tpu.region"() ({
            %run_scoped3A = tpu.sem_alloc : memref<!tpu.dma_semaphore, #tpu.memory_space<semaphore_mem>>
            %dma_start3A = arith.constant 0 : i32
            %dma_start3A_272 = tpu.memref_slice %arg18[%dma_start3A] : memref<2064xf32, #tpu.memory_space<vmem>> -> memref<2048xf32, #tpu.memory_space<vmem>>
            %dma_start3A_273 = tpu.memref_slice %arg9[%multiple_of3A_239] : memref<6553600xf32, #tpu.memory_space<hbm>> -> memref<2048xf32, #tpu.memory_space<hbm>>
            %dma_start3A_274 = tpu.memref_slice %arg9[%multiple_of3A_239] : memref<6553600xf32, #tpu.memory_space<hbm>> -> memref<2048xf32, #tpu.memory_space<hbm>>
            %dma_start3A_275 = arith.constant 0 : i32
            %dma_start3A_276 = tpu.memref_slice %arg18[%dma_start3A_275] : memref<2064xf32, #tpu.memory_space<vmem>> -> memref<2048xf32, #tpu.memory_space<vmem>>
            tpu.enqueue_dma source(%dma_start3A_276 : memref<2048xf32, #tpu.memory_space<vmem>>) target(%dma_start3A_274 : memref<2048xf32, #tpu.memory_space<hbm>>) target_semaphore(%run_scoped3A : memref<!tpu.dma_semaphore, #tpu.memory_space<semaphore_mem>>)
            %dma_wait3A = arith.constant 0 : i32
            %dma_wait3A_277 = tpu.memref_slice %arg18[%dma_wait3A] : memref<2064xf32, #tpu.memory_space<vmem>> -> memref<2048xf32, #tpu.memory_space<vmem>>
            %dma_wait3A_278 = tpu.memref_slice %arg9[%multiple_of3A_239] : memref<6553600xf32, #tpu.memory_space<hbm>> -> memref<2048xf32, #tpu.memory_space<hbm>>
            %dma_wait3A_279 = tpu.memref_slice %arg9[%multiple_of3A_239] : memref<6553600xf32, #tpu.memory_space<hbm>> -> memref<2048xf32, #tpu.memory_space<hbm>>
            %dma_wait3A_280 = arith.constant 0 : i32
            %dma_wait3A_281 = tpu.memref_slice %arg18[%dma_wait3A_280] : memref<2064xf32, #tpu.memory_space<vmem>> -> memref<2048xf32, #tpu.memory_space<vmem>>
            tpu.wait_dma2 semaphore(%run_scoped3A : memref<!tpu.dma_semaphore, #tpu.memory_space<semaphore_mem>>) src(%dma_wait3A_281 : memref<2048xf32, #tpu.memory_space<vmem>>) dst(%dma_wait3A_279 : memref<2048xf32, #tpu.memory_space<hbm>>)
            tpu.yield
          }) : () -> ()
          %get3A_240 = arith.constant 2048 : index
          %get3A_241 = tpu.vector_load %arg15[%get3A_240] {strides = array<i32>} : memref<2064xi32, #tpu.memory_space<vmem>>, vector<16xi32>,
          %swap3A_242 = arith.constant 0 : index
          %swap3A_243 = tpu.vector_load %arg15[%swap3A_242] {strides = array<i32>} : memref<2064xi32, #tpu.memory_space<vmem>>, vector<16xi32>,
          tpu.vector_store %arg15[%swap3A_242], %get3A_241 {strides = array<i32>} : memref<2064xi32, #tpu.memory_space<vmem>>, vector<16xi32>,
          %get3A_244 = arith.constant 2048 : index
          %get3A_245 = tpu.vector_load %arg16[%get3A_244] {strides = array<i32>} : memref<2064xi32, #tpu.memory_space<vmem>>, vector<16xi32>,
          %swap3A_246 = arith.constant 0 : index
          %swap3A_247 = tpu.vector_load %arg16[%swap3A_246] {strides = array<i32>} : memref<2064xi32, #tpu.memory_space<vmem>>, vector<16xi32>,
          tpu.vector_store %arg16[%swap3A_246], %get3A_245 {strides = array<i32>} : memref<2064xi32, #tpu.memory_space<vmem>>, vector<16xi32>,
          %get3A_248 = arith.constant 2048 : index
          %get3A_249 = tpu.vector_load %arg17[%get3A_248] {strides = array<i32>} : memref<2064xf32, #tpu.memory_space<vmem>>, vector<16xf32>,
          %swap3A_250 = arith.constant 0 : index
          %swap3A_251 = tpu.vector_load %arg17[%swap3A_250] {strides = array<i32>} : memref<2064xf32, #tpu.memory_space<vmem>>, vector<16xf32>,
          tpu.vector_store %arg17[%swap3A_250], %get3A_249 {strides = array<i32>} : memref<2064xf32, #tpu.memory_space<vmem>>, vector<16xf32>,
          %get3A_252 = arith.constant 2048 : index
          %get3A_253 = tpu.vector_load %arg18[%get3A_252] {strides = array<i32>} : memref<2064xf32, #tpu.memory_space<vmem>>, vector<16xf32>,
          %swap3A_254 = arith.constant 0 : index
          %swap3A_255 = tpu.vector_load %arg18[%swap3A_254] {strides = array<i32>} : memref<2064xf32, #tpu.memory_space<vmem>>, vector<16xf32>,
          tpu.vector_store %arg18[%swap3A_254], %get3A_253 {strides = array<i32>} : memref<2064xf32, #tpu.memory_space<vmem>>, vector<16xf32>,
          %get3A_256 = arith.constant 0 : i64
          %get3A_257 = arith.index_cast %get3A_256 : i64 to index
          %get3A_258 = memref.load %arg20[%get3A_257] : memref<1xi32, #tpu.memory_space<smem>>
          %sub3A_259 = arith.constant 2048 : i32
          %sub3A_260 = arith.subi %get3A_258, %sub3A_259 : i32
          %swap3A_261 = arith.constant 0 : i64
          %swap3A_262 = arith.index_cast %swap3A_261 : i64 to index
          %swap3A_263 = memref.load %arg20[%swap3A_262] : memref<1xi32, #tpu.memory_space<smem>>
          memref.store %sub3A_260, %arg20[%swap3A_262] : memref<1xi32, #tpu.memory_space<smem>>
          %get3A_264 = arith.constant 0 : i64
          %get3A_265 = arith.index_cast %get3A_264 : i64 to index
          %get3A_266 = memref.load %arg21[%get3A_265] : memref<1xi32, #tpu.memory_space<smem>>
          %add3A_267 = arith.constant 2048 : i32
          %add3A_268 = arith.addi %get3A_266, %add3A_267 : i32
          %swap3A_269 = arith.constant 0 : i64
          %swap3A_270 = arith.index_cast %swap3A_269 : i64 to index
          %swap3A_271 = memref.load %arg21[%swap3A_270] : memref<1xi32, #tpu.memory_space<smem>>
          memref.store %add3A_268, %arg21[%swap3A_270] : memref<1xi32, #tpu.memory_space<smem>>
        } else {
        }
        %broadcast_in_dim3A_215 = vector.shape_cast %broadcast_in_dim3A_12 : vector<16xi32> to vector<16x1xi32>
        %gather3A_216 = vector.shape_cast %broadcast_in_dim3A_215 : vector<16x1xi32> to vector<16xi32>
        %gather3A_217 = tpu.dynamic_gather %add3A_140[%gather3A_216] in [0] : vector<16xf32>, vector<16xi32> -> vector<16xf32>
        %broadcast_in_dim3A_218 = vector.shape_cast %broadcast_in_dim3A_12 : vector<16xi32> to vector<16x1xi32>
        %gather3A_219 = vector.shape_cast %broadcast_in_dim3A_218 : vector<16x1xi32> to vector<16xi32>
        %gather3A_220 = tpu.dynamic_gather %masked_cummax3A[%gather3A_219] in [0] : vector<16xf32>, vector<16xi32> -> vector<16xf32>
        %sub3A_221 = arith.subf %gather3A_217, %gather3A_220 : vector<16xf32>
        %broadcast_in_dim3A_222 = vector.shape_cast %broadcast_in_dim3A_12 : vector<16xi32> to vector<16x1xi32>
        %gather3A_223 = vector.shape_cast %broadcast_in_dim3A_222 : vector<16x1xi32> to vector<16xi32>
        %gather3A_224 = tpu.dynamic_gather %add3A_144[%gather3A_223] in [0] : vector<16xf32>, vector<16xi32> -> vector<16xf32>
        %broadcast_in_dim3A_225 = vector.shape_cast %broadcast_in_dim3A_12 : vector<16xi32> to vector<16x1xi32>
        %gather3A_226 = vector.shape_cast %broadcast_in_dim3A_225 : vector<16x1xi32> to vector<16xi32>
        %gather3A_227 = tpu.dynamic_gather %masked_cummax3A_164[%gather3A_226] in [0] : vector<16xf32>, vector<16xi32> -> vector<16xf32>
        %sub3A_228 = arith.subf %gather3A_224, %gather3A_227 : vector<16xf32>
        %broadcast_in_dim3A_229 = vector.shape_cast %broadcast_in_dim3A_12 : vector<16xi32> to vector<16x1xi32>
        %gather3A_230 = vector.shape_cast %broadcast_in_dim3A_229 : vector<16x1xi32> to vector<16xi32>
        %gather3A_231 = tpu.dynamic_gather %get3A_113[%gather3A_230] in [0] : vector<16xi32>, vector<16xi32> -> vector<16xi32>
        %broadcast_in_dim3A_232 = vector.shape_cast %broadcast_in_dim3A_12 : vector<16xi32> to vector<16x1xi32>
        %gather3A_233 = vector.shape_cast %broadcast_in_dim3A_232 : vector<16x1xi32> to vector<16xi32>
        %gather3A_234 = tpu.dynamic_gather %get3A_115[%gather3A_233] in [0] : vector<16xi32>, vector<16xi32> -> vector<16xi32>
        scf.yield %gather3A_231, %gather3A_234, %sub3A_221, %sub3A_228 : vector<16xi32>, vector<16xi32>, vector<16xf32>, vector<16xf32>
      }
      %while3A_103 = arith.constant 1 : i32
      %while3A_104:4 = scf.for %while3A_105 = %while3A_100 to %while3A_96 step %while3A_103 iter_args(%while3A_106 = %while3A_102#0, %while3A_107 = %while3A_102#1, %while3A_108 = %while3A_102#2, %while3A_109 = %while3A_102#3) -> (vector<16xi32>, vector<16xi32>, vector<16xf32>, vector<16xf32>)  : i32 {
        %mul3A_110 = arith.constant 16 : i32
        %mul3A_111 = arith.muli %while3A_105, %mul3A_110 : i32
        %get3A_112 = arith.index_cast %mul3A_111 : i32 to index
        %get3A_113 = tpu.vector_load %arg11[%get3A_112] {strides = array<i32>} : memref<8000xi32, #tpu.memory_space<vmem>>, vector<16xi32>,
        %get3A_114 = arith.index_cast %mul3A_111 : i32 to index
        %get3A_115 = tpu.vector_load %arg12[%get3A_114] {strides = array<i32>} : memref<8000xi32, #tpu.memory_space<vmem>>, vector<16xi32>,
        %get3A_116 = arith.index_cast %mul3A_111 : i32 to index
        %get3A_117 = tpu.vector_load %arg13[%get3A_116] {strides = array<i32>} : memref<8000xi32, #tpu.memory_space<vmem>>, vector<16xi32>,
        %and3A_118 = arith.constant 3 : i32
        %and3A_119 = vector.broadcast %and3A_118 : i32 to vector<16xi32>
        %and3A_120 = arith.andi %get3A_117, %and3A_119 : vector<16xi32>
        %and3A_121 = arith.constant -4 : i32
        %and3A_122 = vector.broadcast %and3A_121 : i32 to vector<16xi32>
        %and3A_123 = arith.andi %get3A_117, %and3A_122 : vector<16xi32>
        %bitcast_convert_type3A = tpu.bitcast %and3A_123 : vector<16xi32> -> vector<16xf32>
        %gather3A = tpu.vector_load_idx %arg14[%and3A_120] : memref<16xf32, #tpu.memory_space<vmem>>[vector<16xi32>], vector<16xf32>,
        %or3A = arith.constant 4 : i32
        %or3A_124 = vector.broadcast %or3A : i32 to vector<16xi32>
        %or3A_125 = arith.ori %and3A_120, %or3A_124 : vector<16xi32>
        %gather3A_126 = tpu.vector_load_idx %arg14[%or3A_125] : memref<16xf32, #tpu.memory_space<vmem>>[vector<16xi32>], vector<16xf32>,
        %mul3A_127 = arith.mulf %bitcast_convert_type3A, %gather3A : vector<16xf32>
        %mul3A_128 = arith.mulf %bitcast_convert_type3A, %gather3A_126 : vector<16xf32>
        %broadcast_in_dim3A_129 = vector.shape_cast %and3A_9 : vector<16xi32> to vector<16x1xi32>
        %gather3A_130 = vector.shape_cast %broadcast_in_dim3A_129 : vector<16x1xi32> to vector<16xi32>
        %gather3A_131 = tpu.dynamic_gather %get3A_113[%gather3A_130] in [0] : vector<16xi32>, vector<16xi32> -> vector<16xi32>
        %select_n3A = arith.select %eq3A_11, %while3A_106, %gather3A_131 : vector<16xi1>, vector<16xi32>
        %broadcast_in_dim3A_132 = vector.shape_cast %and3A_9 : vector<16xi32> to vector<16x1xi32>
        %gather3A_133 = vector.shape_cast %broadcast_in_dim3A_132 : vector<16x1xi32> to vector<16xi32>
        %gather3A_134 = tpu.dynamic_gather %get3A_115[%gather3A_133] in [0] : vector<16xi32>, vector<16xi32> -> vector<16xi32>
        %select_n3A_135 = arith.select %eq3A_11, %while3A_107, %gather3A_134 : vector<16xi1>, vector<16xi32>
        %ne3A = arith.cmpi ne, %get3A_113, %select_n3A : vector<16xi32>
        %ne3A_136 = arith.cmpi ne, %get3A_115, %select_n3A_135 : vector<16xi32>
        %or3A_137 = arith.ori %ne3A, %ne3A_136 : vector<16xi1>
        %broadcast_in_dim3A_138 = arith.constant true
        %broadcast_in_dim3A_139 = vector.broadcast %broadcast_in_dim3A_138 : i1 to vector<16xi1>
        %masked_cumsum3A = tpu.scan <sum>, %mul3A_127 masked %broadcast_in_dim3A_139 : vector<16xf32>, vector<16xi1> -> vector<16xf32>
        %add3A_140 = arith.addf %masked_cumsum3A, %while3A_108 : vector<16xf32>
        %broadcast_in_dim3A_141 = arith.constant true
        %broadcast_in_dim3A_142 = vector.broadcast %broadcast_in_dim3A_141 : i1 to vector<16xi1>
        %masked_cumsum3A_143 = tpu.scan <sum>, %mul3A_128 masked %broadcast_in_dim3A_142 : vector<16xf32>, vector<16xi1> -> vector<16xf32>
        %add3A_144 = arith.addf %masked_cumsum3A_143, %while3A_109 : vector<16xf32>
        %broadcast_in_dim3A_145 = vector.shape_cast %and3A_9 : vector<16xi32> to vector<16x1xi32>
        %gather3A_146 = vector.shape_cast %broadcast_in_dim3A_145 : vector<16x1xi32> to vector<16xi32>
        %gather3A_147 = tpu.dynamic_gather %add3A_140[%gather3A_146] in [0] : vector<16xf32>, vector<16xi32> -> vector<16xf32>
        %select_n3A_148 = arith.select %eq3A_11, %while3A_108, %gather3A_147 : vector<16xi1>, vector<16xf32>
        %broadcast_in_dim3A_149 = vector.shape_cast %and3A_9 : vector<16xi32> to vector<16x1xi32>
        %gather3A_150 = vector.shape_cast %broadcast_in_dim3A_149 : vector<16x1xi32> to vector<16xi32>
        %gather3A_151 = tpu.dynamic_gather %add3A_144[%gather3A_150] in [0] : vector<16xf32>, vector<16xi32> -> vector<16xf32>
        %select_n3A_152 = arith.select %eq3A_11, %while3A_109, %gather3A_151 : vector<16xi1>, vector<16xf32>
        %jit3A = arith.constant 0.000000e+00 : f64
        %convert_element_type3A_153 = arith.truncf %jit3A : f64 to f32
        %broadcast_in_dim3A_154 = vector.broadcast %convert_element_type3A_153 : f32 to vector<16xf32>
        %select_n3A_155 = arith.select %or3A_137, %select_n3A_148, %broadcast_in_dim3A_154 : vector<16xi1>, vector<16xf32>
        %jit3A_156 = arith.constant 0.000000e+00 : f64
        %convert_element_type3A_157 = arith.truncf %jit3A_156 : f64 to f32
        %broadcast_in_dim3A_158 = vector.broadcast %convert_element_type3A_157 : f32 to vector<16xf32>
        %select_n3A_159 = arith.select %or3A_137, %select_n3A_152, %broadcast_in_dim3A_158 : vector<16xi1>, vector<16xf32>
        %broadcast_in_dim3A_160 = arith.constant true
        %broadcast_in_dim3A_161 = vector.broadcast %broadcast_in_dim3A_160 : i1 to vector<16xi1>
        %masked_cummax3A = tpu.scan <max>, %select_n3A_155 masked %broadcast_in_dim3A_161 : vector<16xf32>, vector<16xi1> -> vector<16xf32>
        %broadcast_in_dim3A_162 = arith.constant true
        %broadcast_in_dim3A_163 = vector.broadcast %broadcast_in_dim3A_162 : i1 to vector<16xi1>
        %masked_cummax3A_164 = tpu.scan <max>, %select_n3A_159 masked %broadcast_in_dim3A_163 : vector<16xf32>, vector<16xi1> -> vector<16xf32>
        %broadcast_in_dim3A_165 = vector.shape_cast %and3A_9 : vector<16xi32> to vector<16x1xi32>
        %gather3A_166 = vector.shape_cast %broadcast_in_dim3A_165 : vector<16x1xi32> to vector<16xi32>
        %gather3A_167 = tpu.dynamic_gather %masked_cummax3A[%gather3A_166] in [0] : vector<16xf32>, vector<16xi32> -> vector<16xf32>
        %jit3A_168 = arith.constant 0.000000e+00 : f64
        %convert_element_type3A_169 = arith.truncf %jit3A_168 : f64 to f32
        %broadcast_in_dim3A_170 = vector.broadcast %convert_element_type3A_169 : f32 to vector<16xf32>
        %select_n3A_171 = arith.select %eq3A_11, %broadcast_in_dim3A_170, %gather3A_167 : vector<16xi1>, vector<16xf32>
        %broadcast_in_dim3A_172 = vector.shape_cast %and3A_9 : vector<16xi32> to vector<16x1xi32>
        %gather3A_173 = vector.shape_cast %broadcast_in_dim3A_172 : vector<16x1xi32> to vector<16xi32>
        %gather3A_174 = tpu.dynamic_gather %masked_cummax3A_164[%gather3A_173] in [0] : vector<16xf32>, vector<16xi32> -> vector<16xf32>
        %jit3A_175 = arith.constant 0.000000e+00 : f64
        %convert_element_type3A_176 = arith.truncf %jit3A_175 : f64 to f32
        %broadcast_in_dim3A_177 = vector.broadcast %convert_element_type3A_176 : f32 to vector<16xf32>
        %select_n3A_178 = arith.select %eq3A_11, %broadcast_in_dim3A_177, %gather3A_174 : vector<16xi1>, vector<16xf32>
        %sub3A = arith.subf %select_n3A_148, %select_n3A_171 : vector<16xf32>
        %sub3A_179 = arith.subf %select_n3A_152, %select_n3A_178 : vector<16xf32>
        %get3A_180 = arith.constant 0 : i64
        %get3A_181 = arith.index_cast %get3A_180 : i64 to index
        %get3A_182 = memref.load %arg20[%get3A_181] : memref<1xi32, #tpu.memory_space<smem>>
        %swap3A_183 = arith.index_cast %get3A_182 : i32 to index
        %swap3A_184 = tpu.vector_load %arg15[%swap3A_183] masked %or3A_137 {strides = array<i32>} : memref<2064xi32, #tpu.memory_space<vmem>>, vector<16xi32>, vector<16xi1>
        tpu.vector_store %arg15[%swap3A_183], %select_n3A masked %or3A_137 {strides = array<i32>} : memref<2064xi32, #tpu.memory_space<vmem>>, vector<16xi32>, vector<16xi1>
        %swap3A_185 = arith.index_cast %get3A_182 : i32 to index
        %swap3A_186 = tpu.vector_load %arg16[%swap3A_185] masked %or3A_137 {strides = array<i32>} : memref<2064xi32, #tpu.memory_space<vmem>>, vector<16xi32>, vector<16xi1>
        tpu.vector_store %arg16[%swap3A_185], %select_n3A_135 masked %or3A_137 {strides = array<i32>} : memref<2064xi32, #tpu.memory_space<vmem>>, vector<16xi32>, vector<16xi1>
        %swap3A_187 = arith.index_cast %get3A_182 : i32 to index
        %swap3A_188 = tpu.vector_load %arg17[%swap3A_187] masked %or3A_137 {strides = array<i32>} : memref<2064xf32, #tpu.memory_space<vmem>>, vector<16xf32>, vector<16xi1>
        tpu.vector_store %arg17[%swap3A_187], %sub3A masked %or3A_137 {strides = array<i32>} : memref<2064xf32, #tpu.memory_space<vmem>>, vector<16xf32>, vector<16xi1>
        %swap3A_189 = arith.index_cast %get3A_182 : i32 to index
        %swap3A_190 = tpu.vector_load %arg18[%swap3A_189] masked %or3A_137 {strides = array<i32>} : memref<2064xf32, #tpu.memory_space<vmem>>, vector<16xf32>, vector<16xi1>
        tpu.vector_store %arg18[%swap3A_189], %sub3A_179 masked %or3A_137 {strides = array<i32>} : memref<2064xf32, #tpu.memory_space<vmem>>, vector<16xf32>, vector<16xi1>
        %convert_element_type3A_191 = arith.extui %or3A_137 : vector<16xi1> to vector<16xi32>
        %reduce_sum3A_192 = arith.constant true
        %reduce_sum3A_193 = vector.broadcast %reduce_sum3A_192 : i1 to vector<16xi1>
        %reduce_sum3A_194 = tpu.scan <sum>, %convert_element_type3A_191 masked %reduce_sum3A_193 : vector<16xi32>, vector<16xi1> -> vector<16xi32>
        %reduce_sum3A_195 = vector.extract %reduce_sum3A_194[15] : i32 from vector<16xi32>
        %add3A_196 = arith.addi %get3A_182, %reduce_sum3A_195 : i32
        %swap3A_197 = arith.constant 0 : i64
        %swap3A_198 = arith.index_cast %swap3A_197 : i64 to index
        %swap3A_199 = memref.load %arg20[%swap3A_198] : memref<1xi32, #tpu.memory_space<smem>>
        memref.store %add3A_196, %arg20[%swap3A_198] : memref<1xi32, #tpu.memory_space<smem>>
        %get3A_200 = arith.constant 0 : i64
        %get3A_201 = arith.index_cast %get3A_200 : i64 to index
        %get3A_202 = memref.load %arg22[%get3A_201] : memref<1xi32, #tpu.memory_space<smem>>
        %add3A_203 = arith.addi %get3A_202, %reduce_sum3A_195 : i32
        %swap3A_204 = arith.constant 0 : i64
        %swap3A_205 = arith.index_cast %swap3A_204 : i64 to index
        %swap3A_206 = memref.load %arg22[%swap3A_205] : memref<1xi32, #tpu.memory_space<smem>>
        memref.store %add3A_203, %arg22[%swap3A_205] : memref<1xi32, #tpu.memory_space<smem>>
        %get3A_207 = arith.constant 0 : i64
        %get3A_208 = arith.index_cast %get3A_207 : i64 to index
        %get3A_209 = memref.load %arg20[%get3A_208] : memref<1xi32, #tpu.memory_space<smem>>
        %ge3A_210 = arith.constant 2048 : i32
        %ge3A_211 = arith.cmpi sge, %get3A_209, %ge3A_210 : i32
        %convert_element_type3A_212 = arith.extui %ge3A_211 : i1 to i32
        %cond3A_213 = arith.constant 0 : i32
        %cond3A_214 = arith.cmpi ne, %convert_element_type3A_212, %cond3A_213 : i32
        scf.if %cond3A_214 {
          %get3A_235 = arith.constant 0 : i64
          %get3A_236 = arith.index_cast %get3A_235 : i64 to index
          %get3A_237 = memref.load %arg21[%get3A_236] : memref<1xi32, #tpu.memory_space<smem>>
          %add3A_238 = arith.addi %mul3A_4, %get3A_237 : i32
          %multiple_of3A_239 = tpu.assume_multiple %add3A_238, 2048 : i32
          "tpu.region"() ({
            %run_scoped3A = tpu.sem_alloc : memref<!tpu.dma_semaphore, #tpu.memory_space<semaphore_mem>>
            %dma_start3A = arith.constant 0 : i32
            %dma_start3A_272 = tpu.memref_slice %arg15[%dma_start3A] : memref<2064xi32, #tpu.memory_space<vmem>> -> memref<2048xi32, #tpu.memory_space<vmem>>
            %dma_start3A_273 = tpu.memref_slice %arg6[%multiple_of3A_239] : memref<6553600xi32, #tpu.memory_space<hbm>> -> memref<2048xi32, #tpu.memory_space<hbm>>
            %dma_start3A_274 = tpu.memref_slice %arg6[%multiple_of3A_239] : memref<6553600xi32, #tpu.memory_space<hbm>> -> memref<2048xi32, #tpu.memory_space<hbm>>
            %dma_start3A_275 = arith.constant 0 : i32
            %dma_start3A_276 = tpu.memref_slice %arg15[%dma_start3A_275] : memref<2064xi32, #tpu.memory_space<vmem>> -> memref<2048xi32, #tpu.memory_space<vmem>>
            tpu.enqueue_dma source(%dma_start3A_276 : memref<2048xi32, #tpu.memory_space<vmem>>) target(%dma_start3A_274 : memref<2048xi32, #tpu.memory_space<hbm>>) target_semaphore(%run_scoped3A : memref<!tpu.dma_semaphore, #tpu.memory_space<semaphore_mem>>)
            %dma_wait3A = arith.constant 0 : i32
            %dma_wait3A_277 = tpu.memref_slice %arg15[%dma_wait3A] : memref<2064xi32, #tpu.memory_space<vmem>> -> memref<2048xi32, #tpu.memory_space<vmem>>
            %dma_wait3A_278 = tpu.memref_slice %arg6[%multiple_of3A_239] : memref<6553600xi32, #tpu.memory_space<hbm>> -> memref<2048xi32, #tpu.memory_space<hbm>>
            %dma_wait3A_279 = tpu.memref_slice %arg6[%multiple_of3A_239] : memref<6553600xi32, #tpu.memory_space<hbm>> -> memref<2048xi32, #tpu.memory_space<hbm>>
            %dma_wait3A_280 = arith.constant 0 : i32
            %dma_wait3A_281 = tpu.memref_slice %arg15[%dma_wait3A_280] : memref<2064xi32, #tpu.memory_space<vmem>> -> memref<2048xi32, #tpu.memory_space<vmem>>
            tpu.wait_dma2 semaphore(%run_scoped3A : memref<!tpu.dma_semaphore, #tpu.memory_space<semaphore_mem>>) src(%dma_wait3A_281 : memref<2048xi32, #tpu.memory_space<vmem>>) dst(%dma_wait3A_279 : memref<2048xi32, #tpu.memory_space<hbm>>)
            tpu.yield
          }) : () -> ()
          "tpu.region"() ({
            %run_scoped3A = tpu.sem_alloc : memref<!tpu.dma_semaphore, #tpu.memory_space<semaphore_mem>>
            %dma_start3A = arith.constant 0 : i32
            %dma_start3A_272 = tpu.memref_slice %arg16[%dma_start3A] : memref<2064xi32, #tpu.memory_space<vmem>> -> memref<2048xi32, #tpu.memory_space<vmem>>
            %dma_start3A_273 = tpu.memref_slice %arg7[%multiple_of3A_239] : memref<6553600xi32, #tpu.memory_space<hbm>> -> memref<2048xi32, #tpu.memory_space<hbm>>
            %dma_start3A_274 = tpu.memref_slice %arg7[%multiple_of3A_239] : memref<6553600xi32, #tpu.memory_space<hbm>> -> memref<2048xi32, #tpu.memory_space<hbm>>
            %dma_start3A_275 = arith.constant 0 : i32
            %dma_start3A_276 = tpu.memref_slice %arg16[%dma_start3A_275] : memref<2064xi32, #tpu.memory_space<vmem>> -> memref<2048xi32, #tpu.memory_space<vmem>>
            tpu.enqueue_dma source(%dma_start3A_276 : memref<2048xi32, #tpu.memory_space<vmem>>) target(%dma_start3A_274 : memref<2048xi32, #tpu.memory_space<hbm>>) target_semaphore(%run_scoped3A : memref<!tpu.dma_semaphore, #tpu.memory_space<semaphore_mem>>)
            %dma_wait3A = arith.constant 0 : i32
            %dma_wait3A_277 = tpu.memref_slice %arg16[%dma_wait3A] : memref<2064xi32, #tpu.memory_space<vmem>> -> memref<2048xi32, #tpu.memory_space<vmem>>
            %dma_wait3A_278 = tpu.memref_slice %arg7[%multiple_of3A_239] : memref<6553600xi32, #tpu.memory_space<hbm>> -> memref<2048xi32, #tpu.memory_space<hbm>>
            %dma_wait3A_279 = tpu.memref_slice %arg7[%multiple_of3A_239] : memref<6553600xi32, #tpu.memory_space<hbm>> -> memref<2048xi32, #tpu.memory_space<hbm>>
            %dma_wait3A_280 = arith.constant 0 : i32
            %dma_wait3A_281 = tpu.memref_slice %arg16[%dma_wait3A_280] : memref<2064xi32, #tpu.memory_space<vmem>> -> memref<2048xi32, #tpu.memory_space<vmem>>
            tpu.wait_dma2 semaphore(%run_scoped3A : memref<!tpu.dma_semaphore, #tpu.memory_space<semaphore_mem>>) src(%dma_wait3A_281 : memref<2048xi32, #tpu.memory_space<vmem>>) dst(%dma_wait3A_279 : memref<2048xi32, #tpu.memory_space<hbm>>)
            tpu.yield
          }) : () -> ()
          "tpu.region"() ({
            %run_scoped3A = tpu.sem_alloc : memref<!tpu.dma_semaphore, #tpu.memory_space<semaphore_mem>>
            %dma_start3A = arith.constant 0 : i32
            %dma_start3A_272 = tpu.memref_slice %arg17[%dma_start3A] : memref<2064xf32, #tpu.memory_space<vmem>> -> memref<2048xf32, #tpu.memory_space<vmem>>
            %dma_start3A_273 = tpu.memref_slice %arg8[%multiple_of3A_239] : memref<6553600xf32, #tpu.memory_space<hbm>> -> memref<2048xf32, #tpu.memory_space<hbm>>
            %dma_start3A_274 = tpu.memref_slice %arg8[%multiple_of3A_239] : memref<6553600xf32, #tpu.memory_space<hbm>> -> memref<2048xf32, #tpu.memory_space<hbm>>
            %dma_start3A_275 = arith.constant 0 : i32
            %dma_start3A_276 = tpu.memref_slice %arg17[%dma_start3A_275] : memref<2064xf32, #tpu.memory_space<vmem>> -> memref<2048xf32, #tpu.memory_space<vmem>>
            tpu.enqueue_dma source(%dma_start3A_276 : memref<2048xf32, #tpu.memory_space<vmem>>) target(%dma_start3A_274 : memref<2048xf32, #tpu.memory_space<hbm>>) target_semaphore(%run_scoped3A : memref<!tpu.dma_semaphore, #tpu.memory_space<semaphore_mem>>)
            %dma_wait3A = arith.constant 0 : i32
            %dma_wait3A_277 = tpu.memref_slice %arg17[%dma_wait3A] : memref<2064xf32, #tpu.memory_space<vmem>> -> memref<2048xf32, #tpu.memory_space<vmem>>
            %dma_wait3A_278 = tpu.memref_slice %arg8[%multiple_of3A_239] : memref<6553600xf32, #tpu.memory_space<hbm>> -> memref<2048xf32, #tpu.memory_space<hbm>>
            %dma_wait3A_279 = tpu.memref_slice %arg8[%multiple_of3A_239] : memref<6553600xf32, #tpu.memory_space<hbm>> -> memref<2048xf32, #tpu.memory_space<hbm>>
            %dma_wait3A_280 = arith.constant 0 : i32
            %dma_wait3A_281 = tpu.memref_slice %arg17[%dma_wait3A_280] : memref<2064xf32, #tpu.memory_space<vmem>> -> memref<2048xf32, #tpu.memory_space<vmem>>
            tpu.wait_dma2 semaphore(%run_scoped3A : memref<!tpu.dma_semaphore, #tpu.memory_space<semaphore_mem>>) src(%dma_wait3A_281 : memref<2048xf32, #tpu.memory_space<vmem>>) dst(%dma_wait3A_279 : memref<2048xf32, #tpu.memory_space<hbm>>)
            tpu.yield
          }) : () -> ()
          "tpu.region"() ({
            %run_scoped3A = tpu.sem_alloc : memref<!tpu.dma_semaphore, #tpu.memory_space<semaphore_mem>>
            %dma_start3A = arith.constant 0 : i32
            %dma_start3A_272 = tpu.memref_slice %arg18[%dma_start3A] : memref<2064xf32, #tpu.memory_space<vmem>> -> memref<2048xf32, #tpu.memory_space<vmem>>
            %dma_start3A_273 = tpu.memref_slice %arg9[%multiple_of3A_239] : memref<6553600xf32, #tpu.memory_space<hbm>> -> memref<2048xf32, #tpu.memory_space<hbm>>
            %dma_start3A_274 = tpu.memref_slice %arg9[%multiple_of3A_239] : memref<6553600xf32, #tpu.memory_space<hbm>> -> memref<2048xf32, #tpu.memory_space<hbm>>
            %dma_start3A_275 = arith.constant 0 : i32
            %dma_start3A_276 = tpu.memref_slice %arg18[%dma_start3A_275] : memref<2064xf32, #tpu.memory_space<vmem>> -> memref<2048xf32, #tpu.memory_space<vmem>>
            tpu.enqueue_dma source(%dma_start3A_276 : memref<2048xf32, #tpu.memory_space<vmem>>) target(%dma_start3A_274 : memref<2048xf32, #tpu.memory_space<hbm>>) target_semaphore(%run_scoped3A : memref<!tpu.dma_semaphore, #tpu.memory_space<semaphore_mem>>)
            %dma_wait3A = arith.constant 0 : i32
            %dma_wait3A_277 = tpu.memref_slice %arg18[%dma_wait3A] : memref<2064xf32, #tpu.memory_space<vmem>> -> memref<2048xf32, #tpu.memory_space<vmem>>
            %dma_wait3A_278 = tpu.memref_slice %arg9[%multiple_of3A_239] : memref<6553600xf32, #tpu.memory_space<hbm>> -> memref<2048xf32, #tpu.memory_space<hbm>>
            %dma_wait3A_279 = tpu.memref_slice %arg9[%multiple_of3A_239] : memref<6553600xf32, #tpu.memory_space<hbm>> -> memref<2048xf32, #tpu.memory_space<hbm>>
            %dma_wait3A_280 = arith.constant 0 : i32
            %dma_wait3A_281 = tpu.memref_slice %arg18[%dma_wait3A_280] : memref<2064xf32, #tpu.memory_space<vmem>> -> memref<2048xf32, #tpu.memory_space<vmem>>
            tpu.wait_dma2 semaphore(%run_scoped3A : memref<!tpu.dma_semaphore, #tpu.memory_space<semaphore_mem>>) src(%dma_wait3A_281 : memref<2048xf32, #tpu.memory_space<vmem>>) dst(%dma_wait3A_279 : memref<2048xf32, #tpu.memory_space<hbm>>)
            tpu.yield
          }) : () -> ()
          %get3A_240 = arith.constant 2048 : index
          %get3A_241 = tpu.vector_load %arg15[%get3A_240] {strides = array<i32>} : memref<2064xi32, #tpu.memory_space<vmem>>, vector<16xi32>,
          %swap3A_242 = arith.constant 0 : index
          %swap3A_243 = tpu.vector_load %arg15[%swap3A_242] {strides = array<i32>} : memref<2064xi32, #tpu.memory_space<vmem>>, vector<16xi32>,
          tpu.vector_store %arg15[%swap3A_242], %get3A_241 {strides = array<i32>} : memref<2064xi32, #tpu.memory_space<vmem>>, vector<16xi32>,
          %get3A_244 = arith.constant 2048 : index
          %get3A_245 = tpu.vector_load %arg16[%get3A_244] {strides = array<i32>} : memref<2064xi32, #tpu.memory_space<vmem>>, vector<16xi32>,
          %swap3A_246 = arith.constant 0 : index
          %swap3A_247 = tpu.vector_load %arg16[%swap3A_246] {strides = array<i32>} : memref<2064xi32, #tpu.memory_space<vmem>>, vector<16xi32>,
          tpu.vector_store %arg16[%swap3A_246], %get3A_245 {strides = array<i32>} : memref<2064xi32, #tpu.memory_space<vmem>>, vector<16xi32>,
          %get3A_248 = arith.constant 2048 : index
          %get3A_249 = tpu.vector_load %arg17[%get3A_248] {strides = array<i32>} : memref<2064xf32, #tpu.memory_space<vmem>>, vector<16xf32>,
          %swap3A_250 = arith.constant 0 : index
          %swap3A_251 = tpu.vector_load %arg17[%swap3A_250] {strides = array<i32>} : memref<2064xf32, #tpu.memory_space<vmem>>, vector<16xf32>,
          tpu.vector_store %arg17[%swap3A_250], %get3A_249 {strides = array<i32>} : memref<2064xf32, #tpu.memory_space<vmem>>, vector<16xf32>,
          %get3A_252 = arith.constant 2048 : index
          %get3A_253 = tpu.vector_load %arg18[%get3A_252] {strides = array<i32>} : memref<2064xf32, #tpu.memory_space<vmem>>, vector<16xf32>,
          %swap3A_254 = arith.constant 0 : index
          %swap3A_255 = tpu.vector_load %arg18[%swap3A_254] {strides = array<i32>} : memref<2064xf32, #tpu.memory_space<vmem>>, vector<16xf32>,
          tpu.vector_store %arg18[%swap3A_254], %get3A_253 {strides = array<i32>} : memref<2064xf32, #tpu.memory_space<vmem>>, vector<16xf32>,
          %get3A_256 = arith.constant 0 : i64
          %get3A_257 = arith.index_cast %get3A_256 : i64 to index
          %get3A_258 = memref.load %arg20[%get3A_257] : memref<1xi32, #tpu.memory_space<smem>>
          %sub3A_259 = arith.constant 2048 : i32
          %sub3A_260 = arith.subi %get3A_258, %sub3A_259 : i32
          %swap3A_261 = arith.constant 0 : i64
          %swap3A_262 = arith.index_cast %swap3A_261 : i64 to index
          %swap3A_263 = memref.load %arg20[%swap3A_262] : memref<1xi32, #tpu.memory_space<smem>>
          memref.store %sub3A_260, %arg20[%swap3A_262] : memref<1xi32, #tpu.memory_space<smem>>
          %get3A_264 = arith.constant 0 : i64
          %get3A_265 = arith.index_cast %get3A_264 : i64 to index
          %get3A_266 = memref.load %arg21[%get3A_265] : memref<1xi32, #tpu.memory_space<smem>>
          %add3A_267 = arith.constant 2048 : i32
          %add3A_268 = arith.addi %get3A_266, %add3A_267 : i32
          %swap3A_269 = arith.constant 0 : i64
          %swap3A_270 = arith.index_cast %swap3A_269 : i64 to index
          %swap3A_271 = memref.load %arg21[%swap3A_270] : memref<1xi32, #tpu.memory_space<smem>>
          memref.store %add3A_268, %arg21[%swap3A_270] : memref<1xi32, #tpu.memory_space<smem>>
        } else {
        }
        %broadcast_in_dim3A_215 = vector.shape_cast %broadcast_in_dim3A_12 : vector<16xi32> to vector<16x1xi32>
        %gather3A_216 = vector.shape_cast %broadcast_in_dim3A_215 : vector<16x1xi32> to vector<16xi32>
        %gather3A_217 = tpu.dynamic_gather %add3A_140[%gather3A_216] in [0] : vector<16xf32>, vector<16xi32> -> vector<16xf32>
        %broadcast_in_dim3A_218 = vector.shape_cast %broadcast_in_dim3A_12 : vector<16xi32> to vector<16x1xi32>
        %gather3A_219 = vector.shape_cast %broadcast_in_dim3A_218 : vector<16x1xi32> to vector<16xi32>
        %gather3A_220 = tpu.dynamic_gather %masked_cummax3A[%gather3A_219] in [0] : vector<16xf32>, vector<16xi32> -> vector<16xf32>
        %sub3A_221 = arith.subf %gather3A_217, %gather3A_220 : vector<16xf32>
        %broadcast_in_dim3A_222 = vector.shape_cast %broadcast_in_dim3A_12 : vector<16xi32> to vector<16x1xi32>
        %gather3A_223 = vector.shape_cast %broadcast_in_dim3A_222 : vector<16x1xi32> to vector<16xi32>
        %gather3A_224 = tpu.dynamic_gather %add3A_144[%gather3A_223] in [0] : vector<16xf32>, vector<16xi32> -> vector<16xf32>
        %broadcast_in_dim3A_225 = vector.shape_cast %broadcast_in_dim3A_12 : vector<16xi32> to vector<16x1xi32>
        %gather3A_226 = vector.shape_cast %broadcast_in_dim3A_225 : vector<16x1xi32> to vector<16xi32>
        %gather3A_227 = tpu.dynamic_gather %masked_cummax3A_164[%gather3A_226] in [0] : vector<16xf32>, vector<16xi32> -> vector<16xf32>
        %sub3A_228 = arith.subf %gather3A_224, %gather3A_227 : vector<16xf32>
        %broadcast_in_dim3A_229 = vector.shape_cast %broadcast_in_dim3A_12 : vector<16xi32> to vector<16x1xi32>
        %gather3A_230 = vector.shape_cast %broadcast_in_dim3A_229 : vector<16x1xi32> to vector<16xi32>
        %gather3A_231 = tpu.dynamic_gather %get3A_113[%gather3A_230] in [0] : vector<16xi32>, vector<16xi32> -> vector<16xi32>
        %broadcast_in_dim3A_232 = vector.shape_cast %broadcast_in_dim3A_12 : vector<16xi32> to vector<16x1xi32>
        %gather3A_233 = vector.shape_cast %broadcast_in_dim3A_232 : vector<16x1xi32> to vector<16xi32>
        %gather3A_234 = tpu.dynamic_gather %get3A_115[%gather3A_233] in [0] : vector<16xi32>, vector<16xi32> -> vector<16xi32>
        scf.yield %gather3A_231, %gather3A_234, %sub3A_221, %sub3A_228 : vector<16xi32>, vector<16xi32>, vector<16xf32>, vector<16xf32>
      }
      scf.yield %while3A_104#0, %while3A_104#1, %while3A_104#2, %while3A_104#3 : vector<16xi32>, vector<16xi32>, vector<16xf32>, vector<16xf32>
    }
    %get3A = arith.constant 0 : i64
    %get3A_43 = arith.index_cast %get3A : i64 to index
    %get3A_44 = memref.load %arg20[%get3A_43] : memref<1xi32, #tpu.memory_space<smem>>
    %swap3A_45 = arith.index_cast %get3A_44 : i32 to index
    %swap3A_46 = tpu.vector_load %arg15[%swap3A_45] masked %eq3A_11 {strides = array<i32>} : memref<2064xi32, #tpu.memory_space<vmem>>, vector<16xi32>, vector<16xi1>
    tpu.vector_store %arg15[%swap3A_45], %while3A_42#0 masked %eq3A_11 {strides = array<i32>} : memref<2064xi32, #tpu.memory_space<vmem>>, vector<16xi32>, vector<16xi1>
    %swap3A_47 = arith.index_cast %get3A_44 : i32 to index
    %swap3A_48 = tpu.vector_load %arg16[%swap3A_47] masked %eq3A_11 {strides = array<i32>} : memref<2064xi32, #tpu.memory_space<vmem>>, vector<16xi32>, vector<16xi1>
    tpu.vector_store %arg16[%swap3A_47], %while3A_42#1 masked %eq3A_11 {strides = array<i32>} : memref<2064xi32, #tpu.memory_space<vmem>>, vector<16xi32>, vector<16xi1>
    %swap3A_49 = arith.index_cast %get3A_44 : i32 to index
    %swap3A_50 = tpu.vector_load %arg17[%swap3A_49] masked %eq3A_11 {strides = array<i32>} : memref<2064xf32, #tpu.memory_space<vmem>>, vector<16xf32>, vector<16xi1>
    tpu.vector_store %arg17[%swap3A_49], %while3A_42#2 masked %eq3A_11 {strides = array<i32>} : memref<2064xf32, #tpu.memory_space<vmem>>, vector<16xf32>, vector<16xi1>
    %swap3A_51 = arith.index_cast %get3A_44 : i32 to index
    %swap3A_52 = tpu.vector_load %arg18[%swap3A_51] masked %eq3A_11 {strides = array<i32>} : memref<2064xf32, #tpu.memory_space<vmem>>, vector<16xf32>, vector<16xi1>
    tpu.vector_store %arg18[%swap3A_51], %while3A_42#3 masked %eq3A_11 {strides = array<i32>} : memref<2064xf32, #tpu.memory_space<vmem>>, vector<16xf32>, vector<16xi1>
    %convert_element_type3A = arith.extui %eq3A_11 : vector<16xi1> to vector<16xi32>
    %reduce_sum3A = arith.constant true
    %reduce_sum3A_53 = vector.broadcast %reduce_sum3A : i1 to vector<16xi1>
    %reduce_sum3A_54 = tpu.scan <sum>, %convert_element_type3A masked %reduce_sum3A_53 : vector<16xi32>, vector<16xi1> -> vector<16xi32>
    %reduce_sum3A_55 = vector.extract %reduce_sum3A_54[15] : i32 from vector<16xi32>
    %add3A_56 = arith.addi %get3A_44, %reduce_sum3A_55 : i32
    %swap3A_57 = arith.constant 0 : i64
    %swap3A_58 = arith.index_cast %swap3A_57 : i64 to index
    %swap3A_59 = memref.load %arg20[%swap3A_58] : memref<1xi32, #tpu.memory_space<smem>>
    memref.store %add3A_56, %arg20[%swap3A_58] : memref<1xi32, #tpu.memory_space<smem>>
    %get3A_60 = arith.constant 0 : i64
    %get3A_61 = arith.index_cast %get3A_60 : i64 to index
    %get3A_62 = memref.load %arg22[%get3A_61] : memref<1xi32, #tpu.memory_space<smem>>
    %add3A_63 = arith.addi %get3A_62, %reduce_sum3A_55 : i32
    %swap3A_64 = arith.constant 0 : i64
    %swap3A_65 = arith.index_cast %swap3A_64 : i64 to index
    %swap3A_66 = memref.load %arg22[%swap3A_65] : memref<1xi32, #tpu.memory_space<smem>>
    memref.store %add3A_63, %arg22[%swap3A_65] : memref<1xi32, #tpu.memory_space<smem>>
    %get3A_67 = arith.constant 0 : i64
    %get3A_68 = arith.index_cast %get3A_67 : i64 to index
    %get3A_69 = memref.load %arg20[%get3A_68] : memref<1xi32, #tpu.memory_space<smem>>
    %ge3A = arith.constant 2048 : i32
    %ge3A_70 = arith.cmpi sge, %get3A_69, %ge3A : i32
    %convert_element_type3A_71 = arith.extui %ge3A_70 : i1 to i32
    %cond3A = arith.constant 0 : i32
    %cond3A_72 = arith.cmpi ne, %convert_element_type3A_71, %cond3A : i32
    scf.if %cond3A_72 {
      %get3A_85 = arith.constant 0 : i64
      %get3A_86 = arith.index_cast %get3A_85 : i64 to index
      %get3A_87 = memref.load %arg21[%get3A_86] : memref<1xi32, #tpu.memory_space<smem>>
      %add3A_88 = arith.addi %mul3A_4, %get3A_87 : i32
      %multiple_of3A_89 = tpu.assume_multiple %add3A_88, 2048 : i32
      "tpu.region"() ({
        %run_scoped3A = tpu.sem_alloc : memref<!tpu.dma_semaphore, #tpu.memory_space<semaphore_mem>>
        %dma_start3A = arith.constant 0 : i32
        %dma_start3A_121 = tpu.memref_slice %arg15[%dma_start3A] : memref<2064xi32, #tpu.memory_space<vmem>> -> memref<2048xi32, #tpu.memory_space<vmem>>
        %dma_start3A_122 = tpu.memref_slice %arg6[%multiple_of3A_89] : memref<6553600xi32, #tpu.memory_space<hbm>> -> memref<2048xi32, #tpu.memory_space<hbm>>
        %dma_start3A_123 = tpu.memref_slice %arg6[%multiple_of3A_89] : memref<6553600xi32, #tpu.memory_space<hbm>> -> memref<2048xi32, #tpu.memory_space<hbm>>
        %dma_start3A_124 = arith.constant 0 : i32
        %dma_start3A_125 = tpu.memref_slice %arg15[%dma_start3A_124] : memref<2064xi32, #tpu.memory_space<vmem>> -> memref<2048xi32, #tpu.memory_space<vmem>>
        tpu.enqueue_dma source(%dma_start3A_125 : memref<2048xi32, #tpu.memory_space<vmem>>) target(%dma_start3A_123 : memref<2048xi32, #tpu.memory_space<hbm>>) target_semaphore(%run_scoped3A : memref<!tpu.dma_semaphore, #tpu.memory_space<semaphore_mem>>)
        %dma_wait3A = arith.constant 0 : i32
        %dma_wait3A_126 = tpu.memref_slice %arg15[%dma_wait3A] : memref<2064xi32, #tpu.memory_space<vmem>> -> memref<2048xi32, #tpu.memory_space<vmem>>
        %dma_wait3A_127 = tpu.memref_slice %arg6[%multiple_of3A_89] : memref<6553600xi32, #tpu.memory_space<hbm>> -> memref<2048xi32, #tpu.memory_space<hbm>>
        %dma_wait3A_128 = tpu.memref_slice %arg6[%multiple_of3A_89] : memref<6553600xi32, #tpu.memory_space<hbm>> -> memref<2048xi32, #tpu.memory_space<hbm>>
        %dma_wait3A_129 = arith.constant 0 : i32
        %dma_wait3A_130 = tpu.memref_slice %arg15[%dma_wait3A_129] : memref<2064xi32, #tpu.memory_space<vmem>> -> memref<2048xi32, #tpu.memory_space<vmem>>
        tpu.wait_dma2 semaphore(%run_scoped3A : memref<!tpu.dma_semaphore, #tpu.memory_space<semaphore_mem>>) src(%dma_wait3A_130 : memref<2048xi32, #tpu.memory_space<vmem>>) dst(%dma_wait3A_128 : memref<2048xi32, #tpu.memory_space<hbm>>)
        tpu.yield
      }) : () -> ()
      "tpu.region"() ({
        %run_scoped3A = tpu.sem_alloc : memref<!tpu.dma_semaphore, #tpu.memory_space<semaphore_mem>>
        %dma_start3A = arith.constant 0 : i32
        %dma_start3A_121 = tpu.memref_slice %arg16[%dma_start3A] : memref<2064xi32, #tpu.memory_space<vmem>> -> memref<2048xi32, #tpu.memory_space<vmem>>
        %dma_start3A_122 = tpu.memref_slice %arg7[%multiple_of3A_89] : memref<6553600xi32, #tpu.memory_space<hbm>> -> memref<2048xi32, #tpu.memory_space<hbm>>
        %dma_start3A_123 = tpu.memref_slice %arg7[%multiple_of3A_89] : memref<6553600xi32, #tpu.memory_space<hbm>> -> memref<2048xi32, #tpu.memory_space<hbm>>
        %dma_start3A_124 = arith.constant 0 : i32
        %dma_start3A_125 = tpu.memref_slice %arg16[%dma_start3A_124] : memref<2064xi32, #tpu.memory_space<vmem>> -> memref<2048xi32, #tpu.memory_space<vmem>>
        tpu.enqueue_dma source(%dma_start3A_125 : memref<2048xi32, #tpu.memory_space<vmem>>) target(%dma_start3A_123 : memref<2048xi32, #tpu.memory_space<hbm>>) target_semaphore(%run_scoped3A : memref<!tpu.dma_semaphore, #tpu.memory_space<semaphore_mem>>)
        %dma_wait3A = arith.constant 0 : i32
        %dma_wait3A_126 = tpu.memref_slice %arg16[%dma_wait3A] : memref<2064xi32, #tpu.memory_space<vmem>> -> memref<2048xi32, #tpu.memory_space<vmem>>
        %dma_wait3A_127 = tpu.memref_slice %arg7[%multiple_of3A_89] : memref<6553600xi32, #tpu.memory_space<hbm>> -> memref<2048xi32, #tpu.memory_space<hbm>>
        %dma_wait3A_128 = tpu.memref_slice %arg7[%multiple_of3A_89] : memref<6553600xi32, #tpu.memory_space<hbm>> -> memref<2048xi32, #tpu.memory_space<hbm>>
        %dma_wait3A_129 = arith.constant 0 : i32
        %dma_wait3A_130 = tpu.memref_slice %arg16[%dma_wait3A_129] : memref<2064xi32, #tpu.memory_space<vmem>> -> memref<2048xi32, #tpu.memory_space<vmem>>
        tpu.wait_dma2 semaphore(%run_scoped3A : memref<!tpu.dma_semaphore, #tpu.memory_space<semaphore_mem>>) src(%dma_wait3A_130 : memref<2048xi32, #tpu.memory_space<vmem>>) dst(%dma_wait3A_128 : memref<2048xi32, #tpu.memory_space<hbm>>)
        tpu.yield
      }) : () -> ()
      "tpu.region"() ({
        %run_scoped3A = tpu.sem_alloc : memref<!tpu.dma_semaphore, #tpu.memory_space<semaphore_mem>>
        %dma_start3A = arith.constant 0 : i32
        %dma_start3A_121 = tpu.memref_slice %arg17[%dma_start3A] : memref<2064xf32, #tpu.memory_space<vmem>> -> memref<2048xf32, #tpu.memory_space<vmem>>
        %dma_start3A_122 = tpu.memref_slice %arg8[%multiple_of3A_89] : memref<6553600xf32, #tpu.memory_space<hbm>> -> memref<2048xf32, #tpu.memory_space<hbm>>
        %dma_start3A_123 = tpu.memref_slice %arg8[%multiple_of3A_89] : memref<6553600xf32, #tpu.memory_space<hbm>> -> memref<2048xf32, #tpu.memory_space<hbm>>
        %dma_start3A_124 = arith.constant 0 : i32
        %dma_start3A_125 = tpu.memref_slice %arg17[%dma_start3A_124] : memref<2064xf32, #tpu.memory_space<vmem>> -> memref<2048xf32, #tpu.memory_space<vmem>>
        tpu.enqueue_dma source(%dma_start3A_125 : memref<2048xf32, #tpu.memory_space<vmem>>) target(%dma_start3A_123 : memref<2048xf32, #tpu.memory_space<hbm>>) target_semaphore(%run_scoped3A : memref<!tpu.dma_semaphore, #tpu.memory_space<semaphore_mem>>)
        %dma_wait3A = arith.constant 0 : i32
        %dma_wait3A_126 = tpu.memref_slice %arg17[%dma_wait3A] : memref<2064xf32, #tpu.memory_space<vmem>> -> memref<2048xf32, #tpu.memory_space<vmem>>
        %dma_wait3A_127 = tpu.memref_slice %arg8[%multiple_of3A_89] : memref<6553600xf32, #tpu.memory_space<hbm>> -> memref<2048xf32, #tpu.memory_space<hbm>>
        %dma_wait3A_128 = tpu.memref_slice %arg8[%multiple_of3A_89] : memref<6553600xf32, #tpu.memory_space<hbm>> -> memref<2048xf32, #tpu.memory_space<hbm>>
        %dma_wait3A_129 = arith.constant 0 : i32
        %dma_wait3A_130 = tpu.memref_slice %arg17[%dma_wait3A_129] : memref<2064xf32, #tpu.memory_space<vmem>> -> memref<2048xf32, #tpu.memory_space<vmem>>
        tpu.wait_dma2 semaphore(%run_scoped3A : memref<!tpu.dma_semaphore, #tpu.memory_space<semaphore_mem>>) src(%dma_wait3A_130 : memref<2048xf32, #tpu.memory_space<vmem>>) dst(%dma_wait3A_128 : memref<2048xf32, #tpu.memory_space<hbm>>)
        tpu.yield
      }) : () -> ()
      "tpu.region"() ({
        %run_scoped3A = tpu.sem_alloc : memref<!tpu.dma_semaphore, #tpu.memory_space<semaphore_mem>>
        %dma_start3A = arith.constant 0 : i32
        %dma_start3A_121 = tpu.memref_slice %arg18[%dma_start3A] : memref<2064xf32, #tpu.memory_space<vmem>> -> memref<2048xf32, #tpu.memory_space<vmem>>
        %dma_start3A_122 = tpu.memref_slice %arg9[%multiple_of3A_89] : memref<6553600xf32, #tpu.memory_space<hbm>> -> memref<2048xf32, #tpu.memory_space<hbm>>
        %dma_start3A_123 = tpu.memref_slice %arg9[%multiple_of3A_89] : memref<6553600xf32, #tpu.memory_space<hbm>> -> memref<2048xf32, #tpu.memory_space<hbm>>
        %dma_start3A_124 = arith.constant 0 : i32
        %dma_start3A_125 = tpu.memref_slice %arg18[%dma_start3A_124] : memref<2064xf32, #tpu.memory_space<vmem>> -> memref<2048xf32, #tpu.memory_space<vmem>>
        tpu.enqueue_dma source(%dma_start3A_125 : memref<2048xf32, #tpu.memory_space<vmem>>) target(%dma_start3A_123 : memref<2048xf32, #tpu.memory_space<hbm>>) target_semaphore(%run_scoped3A : memref<!tpu.dma_semaphore, #tpu.memory_space<semaphore_mem>>)
        %dma_wait3A = arith.constant 0 : i32
        %dma_wait3A_126 = tpu.memref_slice %arg18[%dma_wait3A] : memref<2064xf32, #tpu.memory_space<vmem>> -> memref<2048xf32, #tpu.memory_space<vmem>>
        %dma_wait3A_127 = tpu.memref_slice %arg9[%multiple_of3A_89] : memref<6553600xf32, #tpu.memory_space<hbm>> -> memref<2048xf32, #tpu.memory_space<hbm>>
        %dma_wait3A_128 = tpu.memref_slice %arg9[%multiple_of3A_89] : memref<6553600xf32, #tpu.memory_space<hbm>> -> memref<2048xf32, #tpu.memory_space<hbm>>
        %dma_wait3A_129 = arith.constant 0 : i32
        %dma_wait3A_130 = tpu.memref_slice %arg18[%dma_wait3A_129] : memref<2064xf32, #tpu.memory_space<vmem>> -> memref<2048xf32, #tpu.memory_space<vmem>>
        tpu.wait_dma2 semaphore(%run_scoped3A : memref<!tpu.dma_semaphore, #tpu.memory_space<semaphore_mem>>) src(%dma_wait3A_130 : memref<2048xf32, #tpu.memory_space<vmem>>) dst(%dma_wait3A_128 : memref<2048xf32, #tpu.memory_space<hbm>>)
        tpu.yield
      }) : () -> ()
      %get3A_90 = arith.constant 2048 : index
      %get3A_91 = tpu.vector_load %arg15[%get3A_90] {strides = array<i32>} : memref<2064xi32, #tpu.memory_space<vmem>>, vector<16xi32>,
      %swap3A_92 = arith.constant 0 : index
      %swap3A_93 = tpu.vector_load %arg15[%swap3A_92] {strides = array<i32>} : memref<2064xi32, #tpu.memory_space<vmem>>, vector<16xi32>,
      tpu.vector_store %arg15[%swap3A_92], %get3A_91 {strides = array<i32>} : memref<2064xi32, #tpu.memory_space<vmem>>, vector<16xi32>,
      %get3A_94 = arith.constant 2048 : index
      %get3A_95 = tpu.vector_load %arg16[%get3A_94] {strides = array<i32>} : memref<2064xi32, #tpu.memory_space<vmem>>, vector<16xi32>,
      %swap3A_96 = arith.constant 0 : index
      %swap3A_97 = tpu.vector_load %arg16[%swap3A_96] {strides = array<i32>} : memref<2064xi32, #tpu.memory_space<vmem>>, vector<16xi32>,
      tpu.vector_store %arg16[%swap3A_96], %get3A_95 {strides = array<i32>} : memref<2064xi32, #tpu.memory_space<vmem>>, vector<16xi32>,
      %get3A_98 = arith.constant 2048 : index
      %get3A_99 = tpu.vector_load %arg17[%get3A_98] {strides = array<i32>} : memref<2064xf32, #tpu.memory_space<vmem>>, vector<16xf32>,
      %swap3A_100 = arith.constant 0 : index
      %swap3A_101 = tpu.vector_load %arg17[%swap3A_100] {strides = array<i32>} : memref<2064xf32, #tpu.memory_space<vmem>>, vector<16xf32>,
      tpu.vector_store %arg17[%swap3A_100], %get3A_99 {strides = array<i32>} : memref<2064xf32, #tpu.memory_space<vmem>>, vector<16xf32>,
      %get3A_102 = arith.constant 2048 : index
      %get3A_103 = tpu.vector_load %arg18[%get3A_102] {strides = array<i32>} : memref<2064xf32, #tpu.memory_space<vmem>>, vector<16xf32>,
      %swap3A_104 = arith.constant 0 : index
      %swap3A_105 = tpu.vector_load %arg18[%swap3A_104] {strides = array<i32>} : memref<2064xf32, #tpu.memory_space<vmem>>, vector<16xf32>,
      tpu.vector_store %arg18[%swap3A_104], %get3A_103 {strides = array<i32>} : memref<2064xf32, #tpu.memory_space<vmem>>, vector<16xf32>,
      %get3A_106 = arith.constant 0 : i64
      %get3A_107 = arith.index_cast %get3A_106 : i64 to index
      %get3A_108 = memref.load %arg20[%get3A_107] : memref<1xi32, #tpu.memory_space<smem>>
      %sub3A = arith.constant 2048 : i32
      %sub3A_109 = arith.subi %get3A_108, %sub3A : i32
      %swap3A_110 = arith.constant 0 : i64
      %swap3A_111 = arith.index_cast %swap3A_110 : i64 to index
      %swap3A_112 = memref.load %arg20[%swap3A_111] : memref<1xi32, #tpu.memory_space<smem>>
      memref.store %sub3A_109, %arg20[%swap3A_111] : memref<1xi32, #tpu.memory_space<smem>>
      %get3A_113 = arith.constant 0 : i64
      %get3A_114 = arith.index_cast %get3A_113 : i64 to index
      %get3A_115 = memref.load %arg21[%get3A_114] : memref<1xi32, #tpu.memory_space<smem>>
      %add3A_116 = arith.constant 2048 : i32
      %add3A_117 = arith.addi %get3A_115, %add3A_116 : i32
      %swap3A_118 = arith.constant 0 : i64
      %swap3A_119 = arith.index_cast %swap3A_118 : i64 to index
      %swap3A_120 = memref.load %arg21[%swap3A_119] : memref<1xi32, #tpu.memory_space<smem>>
      memref.store %add3A_117, %arg21[%swap3A_119] : memref<1xi32, #tpu.memory_space<smem>>
    } else {
    }
    %get3A_73 = arith.constant 0 : i64
    %get3A_74 = arith.index_cast %get3A_73 : i64 to index
    %get3A_75 = memref.load %arg21[%get3A_74] : memref<1xi32, #tpu.memory_space<smem>>
    %add3A_76 = arith.addi %mul3A_4, %get3A_75 : i32
    %multiple_of3A = tpu.assume_multiple %add3A_76, 2048 : i32
    "tpu.region"() ({
      %run_scoped3A = tpu.sem_alloc : memref<!tpu.dma_semaphore, #tpu.memory_space<semaphore_mem>>
      %dma_start3A = arith.constant 0 : i32
      %dma_start3A_85 = tpu.memref_slice %arg15[%dma_start3A] : memref<2064xi32, #tpu.memory_space<vmem>> -> memref<2048xi32, #tpu.memory_space<vmem>>
      %dma_start3A_86 = tpu.memref_slice %arg6[%multiple_of3A] : memref<6553600xi32, #tpu.memory_space<hbm>> -> memref<2048xi32, #tpu.memory_space<hbm>>
      %dma_start3A_87 = tpu.memref_slice %arg6[%multiple_of3A] : memref<6553600xi32, #tpu.memory_space<hbm>> -> memref<2048xi32, #tpu.memory_space<hbm>>
      %dma_start3A_88 = arith.constant 0 : i32
      %dma_start3A_89 = tpu.memref_slice %arg15[%dma_start3A_88] : memref<2064xi32, #tpu.memory_space<vmem>> -> memref<2048xi32, #tpu.memory_space<vmem>>
      tpu.enqueue_dma source(%dma_start3A_89 : memref<2048xi32, #tpu.memory_space<vmem>>) target(%dma_start3A_87 : memref<2048xi32, #tpu.memory_space<hbm>>) target_semaphore(%run_scoped3A : memref<!tpu.dma_semaphore, #tpu.memory_space<semaphore_mem>>)
      %dma_wait3A = arith.constant 0 : i32
      %dma_wait3A_90 = tpu.memref_slice %arg15[%dma_wait3A] : memref<2064xi32, #tpu.memory_space<vmem>> -> memref<2048xi32, #tpu.memory_space<vmem>>
      %dma_wait3A_91 = tpu.memref_slice %arg6[%multiple_of3A] : memref<6553600xi32, #tpu.memory_space<hbm>> -> memref<2048xi32, #tpu.memory_space<hbm>>
      %dma_wait3A_92 = tpu.memref_slice %arg6[%multiple_of3A] : memref<6553600xi32, #tpu.memory_space<hbm>> -> memref<2048xi32, #tpu.memory_space<hbm>>
      %dma_wait3A_93 = arith.constant 0 : i32
      %dma_wait3A_94 = tpu.memref_slice %arg15[%dma_wait3A_93] : memref<2064xi32, #tpu.memory_space<vmem>> -> memref<2048xi32, #tpu.memory_space<vmem>>
      tpu.wait_dma2 semaphore(%run_scoped3A : memref<!tpu.dma_semaphore, #tpu.memory_space<semaphore_mem>>) src(%dma_wait3A_94 : memref<2048xi32, #tpu.memory_space<vmem>>) dst(%dma_wait3A_92 : memref<2048xi32, #tpu.memory_space<hbm>>)
      tpu.yield
    }) : () -> ()
    "tpu.region"() ({
      %run_scoped3A = tpu.sem_alloc : memref<!tpu.dma_semaphore, #tpu.memory_space<semaphore_mem>>
      %dma_start3A = arith.constant 0 : i32
      %dma_start3A_85 = tpu.memref_slice %arg16[%dma_start3A] : memref<2064xi32, #tpu.memory_space<vmem>> -> memref<2048xi32, #tpu.memory_space<vmem>>
      %dma_start3A_86 = tpu.memref_slice %arg7[%multiple_of3A] : memref<6553600xi32, #tpu.memory_space<hbm>> -> memref<2048xi32, #tpu.memory_space<hbm>>
      %dma_start3A_87 = tpu.memref_slice %arg7[%multiple_of3A] : memref<6553600xi32, #tpu.memory_space<hbm>> -> memref<2048xi32, #tpu.memory_space<hbm>>
      %dma_start3A_88 = arith.constant 0 : i32
      %dma_start3A_89 = tpu.memref_slice %arg16[%dma_start3A_88] : memref<2064xi32, #tpu.memory_space<vmem>> -> memref<2048xi32, #tpu.memory_space<vmem>>
      tpu.enqueue_dma source(%dma_start3A_89 : memref<2048xi32, #tpu.memory_space<vmem>>) target(%dma_start3A_87 : memref<2048xi32, #tpu.memory_space<hbm>>) target_semaphore(%run_scoped3A : memref<!tpu.dma_semaphore, #tpu.memory_space<semaphore_mem>>)
      %dma_wait3A = arith.constant 0 : i32
      %dma_wait3A_90 = tpu.memref_slice %arg16[%dma_wait3A] : memref<2064xi32, #tpu.memory_space<vmem>> -> memref<2048xi32, #tpu.memory_space<vmem>>
      %dma_wait3A_91 = tpu.memref_slice %arg7[%multiple_of3A] : memref<6553600xi32, #tpu.memory_space<hbm>> -> memref<2048xi32, #tpu.memory_space<hbm>>
      %dma_wait3A_92 = tpu.memref_slice %arg7[%multiple_of3A] : memref<6553600xi32, #tpu.memory_space<hbm>> -> memref<2048xi32, #tpu.memory_space<hbm>>
      %dma_wait3A_93 = arith.constant 0 : i32
      %dma_wait3A_94 = tpu.memref_slice %arg16[%dma_wait3A_93] : memref<2064xi32, #tpu.memory_space<vmem>> -> memref<2048xi32, #tpu.memory_space<vmem>>
      tpu.wait_dma2 semaphore(%run_scoped3A : memref<!tpu.dma_semaphore, #tpu.memory_space<semaphore_mem>>) src(%dma_wait3A_94 : memref<2048xi32, #tpu.memory_space<vmem>>) dst(%dma_wait3A_92 : memref<2048xi32, #tpu.memory_space<hbm>>)
      tpu.yield
    }) : () -> ()
    "tpu.region"() ({
      %run_scoped3A = tpu.sem_alloc : memref<!tpu.dma_semaphore, #tpu.memory_space<semaphore_mem>>
      %dma_start3A = arith.constant 0 : i32
      %dma_start3A_85 = tpu.memref_slice %arg17[%dma_start3A] : memref<2064xf32, #tpu.memory_space<vmem>> -> memref<2048xf32, #tpu.memory_space<vmem>>
      %dma_start3A_86 = tpu.memref_slice %arg8[%multiple_of3A] : memref<6553600xf32, #tpu.memory_space<hbm>> -> memref<2048xf32, #tpu.memory_space<hbm>>
      %dma_start3A_87 = tpu.memref_slice %arg8[%multiple_of3A] : memref<6553600xf32, #tpu.memory_space<hbm>> -> memref<2048xf32, #tpu.memory_space<hbm>>
      %dma_start3A_88 = arith.constant 0 : i32
      %dma_start3A_89 = tpu.memref_slice %arg17[%dma_start3A_88] : memref<2064xf32, #tpu.memory_space<vmem>> -> memref<2048xf32, #tpu.memory_space<vmem>>
      tpu.enqueue_dma source(%dma_start3A_89 : memref<2048xf32, #tpu.memory_space<vmem>>) target(%dma_start3A_87 : memref<2048xf32, #tpu.memory_space<hbm>>) target_semaphore(%run_scoped3A : memref<!tpu.dma_semaphore, #tpu.memory_space<semaphore_mem>>)
      %dma_wait3A = arith.constant 0 : i32
      %dma_wait3A_90 = tpu.memref_slice %arg17[%dma_wait3A] : memref<2064xf32, #tpu.memory_space<vmem>> -> memref<2048xf32, #tpu.memory_space<vmem>>
      %dma_wait3A_91 = tpu.memref_slice %arg8[%multiple_of3A] : memref<6553600xf32, #tpu.memory_space<hbm>> -> memref<2048xf32, #tpu.memory_space<hbm>>
      %dma_wait3A_92 = tpu.memref_slice %arg8[%multiple_of3A] : memref<6553600xf32, #tpu.memory_space<hbm>> -> memref<2048xf32, #tpu.memory_space<hbm>>
      %dma_wait3A_93 = arith.constant 0 : i32
      %dma_wait3A_94 = tpu.memref_slice %arg17[%dma_wait3A_93] : memref<2064xf32, #tpu.memory_space<vmem>> -> memref<2048xf32, #tpu.memory_space<vmem>>
      tpu.wait_dma2 semaphore(%run_scoped3A : memref<!tpu.dma_semaphore, #tpu.memory_space<semaphore_mem>>) src(%dma_wait3A_94 : memref<2048xf32, #tpu.memory_space<vmem>>) dst(%dma_wait3A_92 : memref<2048xf32, #tpu.memory_space<hbm>>)
      tpu.yield
    }) : () -> ()
    "tpu.region"() ({
      %run_scoped3A = tpu.sem_alloc : memref<!tpu.dma_semaphore, #tpu.memory_space<semaphore_mem>>
      %dma_start3A = arith.constant 0 : i32
      %dma_start3A_85 = tpu.memref_slice %arg18[%dma_start3A] : memref<2064xf32, #tpu.memory_space<vmem>> -> memref<2048xf32, #tpu.memory_space<vmem>>
      %dma_start3A_86 = tpu.memref_slice %arg9[%multiple_of3A] : memref<6553600xf32, #tpu.memory_space<hbm>> -> memref<2048xf32, #tpu.memory_space<hbm>>
      %dma_start3A_87 = tpu.memref_slice %arg9[%multiple_of3A] : memref<6553600xf32, #tpu.memory_space<hbm>> -> memref<2048xf32, #tpu.memory_space<hbm>>
      %dma_start3A_88 = arith.constant 0 : i32
      %dma_start3A_89 = tpu.memref_slice %arg18[%dma_start3A_88] : memref<2064xf32, #tpu.memory_space<vmem>> -> memref<2048xf32, #tpu.memory_space<vmem>>
      tpu.enqueue_dma source(%dma_start3A_89 : memref<2048xf32, #tpu.memory_space<vmem>>) target(%dma_start3A_87 : memref<2048xf32, #tpu.memory_space<hbm>>) target_semaphore(%run_scoped3A : memref<!tpu.dma_semaphore, #tpu.memory_space<semaphore_mem>>)
      %dma_wait3A = arith.constant 0 : i32
      %dma_wait3A_90 = tpu.memref_slice %arg18[%dma_wait3A] : memref<2064xf32, #tpu.memory_space<vmem>> -> memref<2048xf32, #tpu.memory_space<vmem>>
      %dma_wait3A_91 = tpu.memref_slice %arg9[%multiple_of3A] : memref<6553600xf32, #tpu.memory_space<hbm>> -> memref<2048xf32, #tpu.memory_space<hbm>>
      %dma_wait3A_92 = tpu.memref_slice %arg9[%multiple_of3A] : memref<6553600xf32, #tpu.memory_space<hbm>> -> memref<2048xf32, #tpu.memory_space<hbm>>
      %dma_wait3A_93 = arith.constant 0 : i32
      %dma_wait3A_94 = tpu.memref_slice %arg18[%dma_wait3A_93] : memref<2064xf32, #tpu.memory_space<vmem>> -> memref<2048xf32, #tpu.memory_space<vmem>>
      tpu.wait_dma2 semaphore(%run_scoped3A : memref<!tpu.dma_semaphore, #tpu.memory_space<semaphore_mem>>) src(%dma_wait3A_94 : memref<2048xf32, #tpu.memory_space<vmem>>) dst(%dma_wait3A_92 : memref<2048xf32, #tpu.memory_space<hbm>>)
      tpu.yield
    }) : () -> ()
    %get3A_77 = arith.constant 0 : i64
    %get3A_78 = arith.index_cast %get3A_77 : i64 to index
    %get3A_79 = memref.load %arg22[%get3A_78] : memref<1xi32, #tpu.memory_space<smem>>
    %broadcast_in_dim3A_80 = vector.broadcast %get3A_79 : i32 to vector<16xi32>
    %swap3A_81 = arith.constant 0 : index
    %swap3A_82 = tpu.vector_load %arg19[%swap3A_81] {strides = array<i32>} : memref<16xi32, #tpu.memory_space<vmem>>, vector<16xi32>,
    tpu.vector_store %arg19[%swap3A_81], %broadcast_in_dim3A_80 {strides = array<i32>} : memref<16xi32, #tpu.memory_space<vmem>>, vector<16xi32>,
    %mul3A_83 = arith.constant 16 : i32
    %mul3A_84 = arith.muli %add3A, %mul3A_83 : i32
    "tpu.region"() ({
      %run_scoped3A = tpu.sem_alloc : memref<!tpu.dma_semaphore, #tpu.memory_space<semaphore_mem>>
      %dma_start3A = tpu.memref_slice %arg10[%mul3A_84] : memref<512xi32, #tpu.memory_space<hbm>> -> memref<16xi32, #tpu.memory_space<hbm>>
      %dma_start3A_85 = tpu.memref_slice %arg10[%mul3A_84] : memref<512xi32, #tpu.memory_space<hbm>> -> memref<16xi32, #tpu.memory_space<hbm>>
      tpu.enqueue_dma source(%arg19 : memref<16xi32, #tpu.memory_space<vmem>>) target(%dma_start3A_85 : memref<16xi32, #tpu.memory_space<hbm>>) target_semaphore(%run_scoped3A : memref<!tpu.dma_semaphore, #tpu.memory_space<semaphore_mem>>)
      %dma_wait3A = tpu.memref_slice %arg10[%mul3A_84] : memref<512xi32, #tpu.memory_space<hbm>> -> memref<16xi32, #tpu.memory_space<hbm>>
      %dma_wait3A_86 = tpu.memref_slice %arg10[%mul3A_84] : memref<512xi32, #tpu.memory_space<hbm>> -> memref<16xi32, #tpu.memory_space<hbm>>
      tpu.wait_dma2 semaphore(%run_scoped3A : memref<!tpu.dma_semaphore, #tpu.memory_space<semaphore_mem>>) src(%arg19 : memref<16xi32, #tpu.memory_space<vmem>>) dst(%dma_wait3A_86 : memref<16xi32, #tpu.memory_space<hbm>>)
      tpu.yield
    }) : () -> ()
    return
  }
}

</mosaic_0001>

<sc_bundles>
// kernel: kernel.3.cloned.1.call-start
scs
__scs_entry_jumppad:
0x0: {  	(pc) =	sbr.rel $0x88, $3  }
0x1: {  	(tag) =	ssettag $0x0;
	lr =	simm.s32 $0x1  }
0x2: {  	[smem:$0x3F97] =	sst lr;
	_ =	strace $0xD0000000  }
0x3: {  	_ = 	snop  }
0x4: {  	_ = 	snop  }
0x5: {  	_ = 	snop  }
0x6: {  	_ = 	snop  }
0x7: {  	_ = 	snop  }
__scs_overlays_trampoline_lowered:
0x8: {  	[smem:$0x3FA6] =	sst s0  }
0x9: {  	[smem:$0x3FA7] =	sst s1  }
0xa: {  	[smem:$0x3FA8] =	sst s2  }
0xb: {  	[smem:$0x3FA9] =	sst s3  }
0xc: {  	[smem:$0x3FAA] =	sst s4  }
0xd: {  	[smem:$0x3FAB] =	sst s5  }
0xe: {  	[smem:$0x3FAC] =	sst s6  }
0xf: {  	[smem:$0x3FAD] =	sst s7  }
0x10: {  	[smem:$0x3FAE] =	sst s8  }
0x11: {  	[smem:$0x3FAF] =	sst s9;
	s0 =	simm.s32 @!p0 $0x0  }
0x12: {  	s1 =	sld [smem:$0x3F95];
	s0 =	simm.s32 @p0 $0x1  }
0x13: {  	[smem:$0x3FB0] =	sst s0;
	s0 =	simm.s32 @!p1 $0x0  }
0x14: {  	s2 =	sld [smem:$0x3F94];
	s0 =	simm.s32 @p1 $0x1  }
0x15: {  	[smem:$0x3FB1] =	sst s0;
	s0 =	simm.s32 @!p2 $0x0  }
0x16: {  	s3 =	sld [smem:$0x3FDB];
	s0 =	simm.s32 @p2 $0x1  }
0x17: {  	s4 =	simm.s32 $0x1BF5;
	[smem:$0x3FB3] =	sst s0  }
0x18: {  	s0 =	sld [smem:$0x3F96];
	_ =	swait.ge [sflag:s4], $0x0  }
0x19: {  	s7 =	sld [smem:$0x3F97]  }
0x1a: {  	s8 =	sadd.s32 $0xFFFFE003, lr  }
0x1b: {  	s9 =	sadd.s32 $0xFFFFFEF7, lr;
	s5 =	simm.s32 $0xFFFFFFFF;
	p2 =	slt.u32 s8, $0xFFFFF086  }
0x1c: {  	p1 =	slt.u32 s9, $0xF7A;
	s5 =	simm.s32 @!p2 $0x0  }
0x1d: {  	s5 =	simm.s32 @p1 $0x1;
	p0 =	seq.s32 s7, s2  }
0x1e: {  	s7 =	smul.u32 @!p0 $0xF7A, s2;
	p2 =	seq.s32 @!p0 s5, $0x0  }
0x1f: {  	s9 =	smul.u32 $0xF7A, s1;
	s8 =	simm.s32 @!p0 $0x1BF5;
	p2 =	por !p2, p0  }
0x20: {  	[sflag:s8] =	ssyncset.s32 @!p0 $0xFFFFF086;
	s6 =	sadd.s32 @!p0 s3, s7;
	s7 =	simm.s32 @!p0 $0x108  }
0x21: {  	s3 =	sadd.s32 s3, s9;
	s6 =	sadd.s32 @!p0 $0x88, s6;
	s7 =	simm.s32 @p2 $0x1082  }
0x22: {  	[simem:s7], [sflag:s8] =	dma.local @!p0 [hbm:s6], $0xF7A  }
0x23: {  	s9 =	sor.u32 $0xD0000000, s2;
	s6 =	simm.s32 $0x108;
	_ =	swait.ge @!p0 [sflag:s8], $0x0  }
0x24: {  	s3 =	sadd.s32 $0x88, s3;
	s6 =	simm.s32 @!p1 $0x1082;
	[sflag:s4] =	ssyncset.s32 $0xFFFFF086  }
0x25: {  	[simem:s6], [sflag:s4] =	dma.local [hbm:s3], $0xF7A  }
0x26: {  	[smem:$0x3F97] =	sst s1;
	(tag) =	ssettag s2;
	_ =	strace s9  }
0x27: {  	s1 =	sld [smem:$0x3FA7]  }
0x28: {  	s2 =	sld [smem:$0x3FA8]  }
0x29: {  	s4 =	sld [smem:$0x3FAA]  }
0x2a: {  	p0 =	seq.s32 s5, $0x0;
	s5 =	sld [smem:$0x3FAB]  }
0x2b: {  	s6 =	sld [smem:$0x3FAC]  }
0x2c: {  	s7 =	sld [smem:$0x3FAD]  }
0x2d: {  	s3 =	simm.s32 $0x108;
	s8 =	sld [smem:$0x3FAE]  }
0x2e: {  	s3 =	simm.s32 @!p0 $0x1082;
	s9 =	sld [smem:$0x3FAF]  }
0x2f: {  	lr =	sadd.s32 s0, s3;
	s0 =	sld [smem:$0x3FA6]  }
0x30: {  	s3 =	sld [smem:$0x3FA9]  }
0x31: {  	[smem:$0x3FB2] =	sst s10  }
0x32: {  	s10 =	sld [smem:$0x3FB0];
	_ =	sdelay $0x3  }
0x33: {  	p0 =	seq.s32 s10, $0x1;
	s10 =	sld [smem:$0x3FB2];
	_ =	sdelay $0x3  }
0x34: {  	[smem:$0x3FB2] =	sst s10  }
0x35: {  	s10 =	sld [smem:$0x3FB1];
	_ =	sdelay $0x3  }
0x36: {  	p1 =	seq.s32 s10, $0x1;
	s10 =	sld [smem:$0x3FB2];
	_ =	sdelay $0x3  }
0x37: {  	[smem:$0x3FB2] =	sst s10  }
0x38: {  	s10 =	sld [smem:$0x3FB3]  }
0x39: {  	_ = 	snop;
	(pc) =	sbr.ind lr, $3  }
0x3a: {  	_ = 	snop  }
0x3b: {  	_ = 	snop  }
0x3c: {  	p2 =	seq.s32 s10, $0x1;
	s10 =	sld [smem:$0x3FB2]  }
0x3d: {  	_ =	shalt  }
0x3e: {  	_ =	shalt  }
0x3f: {  	_ =	shalt  }
0x40: {  	_ =	shalt  }
0x41: {  	_ =	shalt  }
0x42: {  	_ =	shalt  }
0x43: {  	_ =	shalt  }
0x44: {  	_ =	shalt  }
0x45: {  	_ =	shalt  }
0x46: {  	_ =	shalt  }
0x47: {  	_ =	shalt  }
0x48: {  	_ =	shalt  }
0x49: {  	_ =	shalt  }
0x4a: {  	_ =	shalt  }
0x4b: {  	_ =	shalt  }
0x4c: {  	_ =	shalt  }
0x4d: {  	_ =	shalt  }
0x4e: {  	_ =	shalt  }
0x4f: {  	_ =	shalt  }
0x50: {  	_ =	shalt  }
0x51: {  	_ =	shalt  }
0x52: {  	_ =	shalt  }
0x53: {  	_ =	shalt  }
0x54: {  	_ =	shalt  }
0x55: {  	_ =	shalt  }
0x56: {  	_ =	shalt  }
0x57: {  	_ =	shalt  }
0x58: {  	_ =	shalt  }
0x59: {  	_ =	shalt  }
0x5a: {  	_ =	shalt  }
0x5b: {  	_ =	shalt  }
0x5c: {  	_ =	shalt  }
0x5d: {  	_ =	shalt  }
0x5e: {  	_ =	shalt  }
0x5f: {  	_ =	shalt  }
0x60: {  	_ =	shalt  }
0x61: {  	_ =	shalt  }
0x62: {  	_ =	shalt  }
0x63: {  	_ =	shalt  }
0x64: {  	_ =	shalt  }
0x65: {  	_ =	shalt  }
0x66: {  	_ =	shalt  }
0x67: {  	_ =	shalt  }
0x68: {  	_ =	shalt  }
0x69: {  	_ =	shalt  }
0x6a: {  	_ =	shalt  }
0x6b: {  	_ =	shalt  }
0x6c: {  	_ =	shalt  }
0x6d: {  	_ =	shalt  }
0x6e: {  	_ =	shalt  }
0x6f: {  	_ =	shalt  }
0x70: {  	_ =	shalt  }
0x71: {  	_ =	shalt  }
0x72: {  	_ =	shalt  }
0x73: {  	_ =	shalt  }
0x74: {  	_ =	shalt  }
0x75: {  	_ =	shalt  }
0x76: {  	_ =	shalt  }
0x77: {  	_ =	shalt  }
0x78: {  	_ =	shalt  }
0x79: {  	_ =	shalt  }
0x7a: {  	_ =	shalt  }
0x7b: {  	_ =	shalt  }
0x7c: {  	_ =	shalt  }
0x7d: {  	_ =	shalt  }
0x7e: {  	_ =	shalt  }
0x7f: {  	_ =	shalt  }
0x80: {  	_ =	shalt  }
0x81: {  	_ =	shalt  }
0x82: {  	_ =	shalt  }
0x83: {  	_ =	shalt  }
0x84: {  	_ =	shalt  }
0x85: {  	_ =	shalt  }
0x86: {  	_ =	shalt  }
0x87: {  	_ =	shalt  }
.Lfunc_end0:
.L_simem_size_0:
called_computation.2_lowered:
.L_overlay_start_0:
0x88: {  	s2 =	sld [smem:$0x3FD9]  }
0x89: {  	s3 =	sld [smem:$0x3FFE];
	_ =	sdelay $0x1  }
0x8a: {  	s1 =	srdreg.scid  }
0x8b: {  	s0 =	sand.u32 $0x1, s1  }
0x8c: {  	s14 =	sshll.u32 s0, $0xA;
	s2 =	sadd.s32 s3, s2  }
0x8d: {  	s2 =	sadd.s32 s2, s14  }
0x8e: {  	[smem:$0x3FBE] =	sst s2  }
0x8f: {  	_ = 	snop  }
0x90: {  	s2 =	sld [smem:$0x3FD0];
	_ =	sdelay $0x2  }
0x91: {  	s15 =	simm.s32 $0xA;
	s4 =	simm.s32 $0x10  }
0x92: {  	[smem:s4], [sflag:s15] =	dma.local [hbm:s2], $0x1  }
0x93: {  	_ =	swait.eq [sflag:s15], $0x1  }
0x94: {  	s16 =	sld [smem:$0x10]  }
0x95: {  	s17 =	sld [smem:$0x11];
	[sflag:s15] =	ssyncset.done $0x0  }
0x96: {  	s5 =	sld [smem:$0x12];
	[sflag:s15] =	ssyncadd.s32 $0xFFFFFFFF  }
0x97: {  	s18 =	sld [smem:$0x13];
	(tm) =	ssettm $0x1  }
0x98: {  	s6 =	sld [smem:$0x3FFB];
	_ =	sdelay $0x3  }
0x99: {  	_ =	strace s6  }
0x9a: {  	s6 =	sld [smem:$0x3FFC];
	_ =	sdelay $0x3  }
0x9b: {  	_ =	strace s6  }
0x9c: {  	s6 =	sld [smem:$0x3FFD];
	_ =	sdelay $0x3  }
0x9d: {  	_ =	strace s6  }
0x9e: {  	_ =	strace $0x8FFFFFFF  }
0x9f: {  	s19 =	sld [smem:$0x3FDB];
	_ =	sdelay $0x1  }
0xa0: {  	s7 =	simm.s32 $_scs_section_size  }
0xa1: {  	s8 =	simm.s32 $_size__tile_overlayer_lowered;
	s9 =	simm.s32 $_tile_overlayer_lowered  }
0xa2: {  	s22 =	simm.s32 $0x1BFF;
	s21 =	sshll.u32 s9, $0x1;
	s6 =	sadd.s32 s7, s19  }
0xa3: {  	s10 =	simm.s32 $0x0;
	s20 =	sshll.u32 s8, $0x1;
	s8 =	sadd.s32 s21, s6  }
0xa4: {  	[timem:s10], [sflag:s22] =	dma.local [hbm:s8], s20  }
0xa5: {  	_ =	swait.ge [sflag:s22], s20  }
0xa6: {  	s7 =	ssub.s32 $0x0, s20;
	[sflag:s22] =	ssyncset.done $0x0  }
0xa7: {  	[sflag:s22] =	ssyncadd.s32 s7;
	_ =	sdelay $0x1  }
0xa8: {  	s23 =	simm.s32 $0x1B8B  }
0xa9: {  	_ =	swait.ge [sflag:s23], $0x1  }
0xaa: {  	[sflag:s23] =	ssyncset.done $0x0  }
0xab: {  	s25 =	simm.s32 $0x1B8E;
	s24 =	sld [smem:$0x3FFE];
	[sflag:s23] =	ssyncadd.s32 $0xFFFFFFFF  }
0xac: {  	s26 =	simm.s32 $execute0_lowered;
	[smem:$0x3FD2] =	sst s25  }
0xad: {  	s8 =	sshll.u32 s26, $0x1;
	_ =	strace $0x80000046;
	[dreg:$0x1] =	wrdreg $0xFFFFFFFF  }
0xae: {  	s28 =	simm.s32 $_size_execute0_lowered;
	s6 =	sadd.s32 s6, s8;
	[dreg:$0x0] =	wrdreg $0x0  }
0xaf: {  	s8 =	sshll.u32 s28, $0x1;
	[dreg:$0x2] =	wrdreg s6  }
0xb0: {  	[dreg:$0x3] =	wrdreg s8  }
0xb1: {  	[dreg:$0x4] =	wrdreg $0xC0  }
0xb2: {  	_ =	task [dreg:s10], $0x5FFFF  }
0xb3: {  	[dreg:$0x1] =	wrdreg $0xFFFFFFFF  }
0xb4: {  	[dreg:$0x0] =	wrdreg $0x60  }
0xb5: {  	[dreg:$0x2] =	wrdreg s18  }
0xb6: {  	[dreg:$0x3] =	wrdreg s17  }
0xb7: {  	[dreg:$0x4] =	wrdreg s24  }
0xb8: {  	[dreg:$0x5] =	wrdreg s16  }
0xb9: {  	[dreg:$0x6] =	wrdreg s5  }
0xba: {  	[dreg:$0x7] =	wrdreg $0x9  }
0xbb: {  	_ =	task.clear_ibuf [dreg:s10], $0x8FFFF;
	_ =	strace $0x90000046  }
0xbc: {  	s29 =	simm.s32 $0x9;
	_ =	strace $0x80000048  }
0xbd: {  	_ =	swait.ge [sflag:s29], $0x1  }
0xbe: {  	[sflag:s29] =	ssyncadd.s32 $0xFFFFFFFF  }
0xbf: {  	_ =	strace $0x90000048  }
0xc0: {  	_ =	sfence  }
0xc1: {  	s30 =	sld [smem:$0x0];
	_ =	sdelay $0x2  }
0xc2: {  	s31 =	sshll.u32 s1, $0xD;
	s1 =	sshrl.u32 s1, $0x2  }
0xc3: {  	s3 =	sand.u32 $0x4000, s31;
	s1 =	sadd.s32 s1, s30  }
0xc4: {  	s0 =	sor.u32 s3, s0;
	s1 =	sshll.u32 s1, $0x11  }
0xc5: {  	s0 =	sor.u32 s1, s0  }
0xc6: {  	s0 =	sadd.s32 $0x8F2B, s0  }
0xc7: {  	[sflag:s0] =	ssyncadd.remote.s32 $0x1  }
0xc8: {  	_ =	sfence.sel $0xFFFF  }
0xc9: {  	[dreg:$0x0] =	wrdreg $0xFFFFFFFF;
	(pc) =	sbr.abs _section_cstart, $3  }
0xca: {  	[dreg:$0x1] =	wrdreg $0xFFFFFFFF  }
0xcb: {  	_ =	task.clear_ibuf [dreg:s10], $0x2FFFF;
	_ =	strace $0x9FFFFFFF  }
0xcc: {  	(tm) =	ssettm $0x7FFFFFFF  }
0xcd: {  	_ =	shalt  }
tec
execute0_lowered:
.L_overlay_start_1:
0x0: {  	(tag) =	ssettag $0x1  }
0x1: {  	s1 =	rddreg [dreg:$0x0]  }
0x2: {  	s2 =	rddreg [dreg:$0x1]  }
0x3: {  	s3 =	rddreg [dreg:$0x2]  }
0x4: {  	s4 =	rddreg [dreg:$0x3];
	s6 =	simm.s32 $0x0  }
0x5: {  	v0 =	vimm.s32 $0x0;
	vm0 =	vcmask $0x300;
	[smem:$0x7FF] =	sst s6  }
0x6: {  	s5 =	rddreg [dreg:$0x4];
	v1 =	vsel vm0, $0x1, v0;
	_ =	strace $0x80000047  }
0x7: {  	(xrf0) =	vadd.scan.msk.s32 $0xffff, v1;
	_ =	sdelay $0x5  }
0x8: {  	v1, _, _ =	vpop (xrf0)  }
0x9: {  	(v2sf) =	vpush v1, $0xF;
	_ =	sdelay $0x6  }
0xa: {  	s8 =	srdreg.scid;
	s0 =	stileid.u32  }
0xb: {  	v2 =	vimm.s32 $0x6543210F;
	s17 =	simm.s32 $0x1;
	s18 =	simm.s32 $0x1F80;
	s19 =	simm.s32 $0x3F00;
	v1 =	vimm.s32 $0xEDCBA987  }
0xc: {  	s22 =	simm.s32 $0x7000;
	s23 =	simm.s32 $0x7880;
	s24 =	simm.s32 $0x8100;
	v2 =	vunpack.c.l.s4.s8 v2;
	v1 =	vunpack.c.l.s4.s8 v1  }
0xd: {  	s25 =	simm.s32 $0x0;
	s11 =	sand.u32 $0x1, s8;
	s10 =	sshll.u32 s0, $0x1  }
0xe: {  	s8 =	sadd.s32 $0x125400, s3;
	s9 =	sadd.s32 $0x1ED600, s3;
	s12 =	sor.u32 s11, s10;
	v2 =	vunpack.c.0.s8.s32 v2;
	v1 =	vunpack.c.0.s8.s32 v1  }
0xf: {  	s10 =	sadd.s32 $0x125600, s3;
	s14 =	ssub.s32 $0x2, s11;
	s13 =	sshll.u32 s12, $0x1  }
0x10: {  	s31 =	sshrl.u32 s14, $0x1;
	s11 =	smul.u32 $0x30D40, s12;
	s15 =	sadd.s32 s13, s3;
	v1 =	vcombine.low v2, v1  }
0x11: {  	v3 =	vimm.s32 $0xF;
	s12 =	smul.u32 $0x32000, s12;
	s16 =	ssub.s32 s14, s31;
	s14 =	sadd.s32 $0xC3600, s15  }
0x12: {  	vm0 =	vmmov $0x1;
	s15 =	smax.u32 s16, $0x1;
	s16 =	simm.s32 $0x5E80;
	v2 =	vlaneseq.u32;
	v1 =	vand.u32 $0xF, v1;
	s13 =	spop (v2sf)  }
.LBB2_1:
0x13: {  	[smem:$0x0] =	sst s6  }
0x14: {  	[tilespmem:s16], [sflag:$0x1] =	stream.linear.gather [hbm4b:s8+s6], $0x80, $0x38;
	[tilespmem:$0x8180] =	vst v63  }
0x15: {  	[smem:$0x80] =	sst s6  }
0x16: {  	[smem:$0x100] =	sst s6  }
0x17: {  	_ =	swait.ge [sflag:s17], $0x80  }
0x18: {  	v6 =	vimm.s32 $0xFFFFFFFF;
	[sflag:s17] =	ssyncset.done $0x0  }
0x19: {  	v4 =	vimm.f32 $0.0e+00;
	v5 =	vimm.f32 $0.0e+00;
	v7 =	vimm.s32 $0xFFFFFFFF;
	s26 =	simm.s32 $0x0;
	[sflag:s17] =	ssyncadd.s32 $0xFFFFFF80  }
.LBB2_2:
0x1a: {  	s28 =	smul.u32 $0x1F40, s26;
	_ =	sdelay $0x1  }
0x1b: {  	s28 =	sadd.s32 s11, s28  }
0x1c: {  	s28 =	sshrl.u32 s28, $0x3  }
0x1d: {  	s30 =	simm.s32 $0x0;
	s29 =	sadd.s32 s1, s28  }
0x1e: {  	[tilespmem:s30], [sflag:$0x1] =	stream.linear.gather [hbm4b:s29+s30], $0x1F40, $0x38;
	[tilespmem:$0x8180] =	vst v63  }
0x1f: {  	_ =	swait.ge [sflag:s17], $0x1F40  }
0x20: {  	[sflag:s17] =	ssyncset.done $0x0  }
0x21: {  	s29 =	sadd.s32 s2, s28;
	[sflag:s17] =	ssyncadd.s32 $0xFFFFE0C0  }
0x22: {  	[tilespmem:s18], [sflag:$0x1] =	stream.linear.gather [hbm4b:s29+s30], $0x1F40, $0x38;
	[tilespmem:$0x8180] =	vst v63  }
0x23: {  	_ =	swait.ge [sflag:s17], $0x1F40  }
0x24: {  	[sflag:s17] =	ssyncset.done $0x0  }
0x25: {  	s28 =	sadd.s32 s3, s28;
	[sflag:s17] =	ssyncadd.s32 $0xFFFFE0C0  }
0x26: {  	[tilespmem:s19], [sflag:$0x1] =	stream.linear.gather [hbm4b:s28+s30], $0x1F40, $0x38;
	[tilespmem:$0x8180] =	vst v63  }
0x27: {  	_ =	swait.ge [sflag:s17], $0x1F40  }
0x28: {  	[sflag:s17] =	ssyncset.done $0x0  }
0x29: {  	s28 =	simm.s32 $0x0;
	[sflag:s17] =	ssyncadd.s32 $0xFFFFE0C0  }
0x2a: {  	v8 =	vld [tilespmem:s28+$0x0]  }
0x2b: {  	v9 =	vld [tilespmem:s28+$0x1F80];
	_ =	sdelay $0x2  }
0x2c: {  	v10 =	vld [tilespmem:s28+$0x3F00];
	_ =	sdelay $0x1  }
0x2d: {  	v11 =	vperm.xlane v8, v1;
	v12 =	vperm.xlane v9, v1;
	_ =	sdelay $0x1  }
0x2e: {  	v7 =	vsel vm0, v7, v11;
	v6 =	vsel vm0, v6, v12  }
0x2f: {  	v11 =	vand.u32 $0x3, v10;
	vm1 =	vne.s32 v8, v7;
	vm2 =	vne.s32 v9, v6  }
0x30: {  	v58 =	vor.u32 $0x4, v11;
	vm2 =	vmor vm1, vm2  }
0x31: {  	v13 =	vsel vm2, $0x1, v0  }
0x32: {  	(xrf0) =	vadd.scan.msk.s32 $0xffff, v13;
	_ =	sdelay $0x1  }
0x33: {  	v11 =	vld.idx.msk [tilespmem:v11+s16+$0x0], $0xffff  }
0x34: {  	v12 =	vld.idx.msk [tilespmem:v58+s16+$0x0], $0xffff;
	_ =	sdelay $0x2  }
0x35: {  	v10 =	vand.u32 $0xFFFFFFFC, v10;
	v13, _, _ =	vpop (xrf0)  }
0x36: {  	v11 =	vmul.f32 v10, v11;
	(v2sf) =	vpush v13, $0xF  }
0x37: {  	v10 =	vmul.f32 v10, v12  }
0x38: {  	(xrf2) =	vadd.scan.msk.f32 $0xffff, v11  }
0x39: {  	(xrf2) =	vadd.scan.msk.f32 $0xffff, v10;
	_ =	sdelay $0x8  }
0x3a: {  	v10, _, _ =	vpop (xrf2)  }
0x3b: {  	s28 =	sld [smem:$0x0];
	v10 =	vadd.f32 v10, v5;
	v11, _, _ =	vpop (xrf2)  }
0x3c: {  	v11 =	vadd.f32 v11, v4  }
0x3d: {  	v59 =	vperm.xlane v10, v1;
	s29 =	spop (v2sf)  }
0x3e: {  	v60 =	vperm.xlane v11, v1;
	s31 =	sadd.s32 s28, s29  }
0x3f: {  	v5 =	vsel vm0, v5, v59;
	[smem:$0x0] =	sst s31  }
0x40: {  	v12 =	vnsel vm2, $0x0, v5;
	v4 =	vsel vm0, v4, v60;
	s30 =	sld [smem:$0x100]  }
0x41: {  	(xrf0) =	vmax.scan.msk.f32 $0xffff, v12;
	v61 =	vnsel vm2, $0x0, v4  }
0x42: {  	(xrf0) =	vmax.scan.msk.f32 $0xffff, v61  }
0x43: {  	s29 =	sadd.s32 s29, s30  }
0x44: {  	[smem:$0x100] =	sst s29  }
0x45: {  	s29 =	sld [smem:$0x0];
	_ =	sdelay $0x1  }
0x46: {  	v62, _, _ =	vpop (xrf0)  }
0x47: {  	v63 =	vperm.xlane v62, v1;
	v14, _, _ =	vpop (xrf0);
	p1 =	slt.s32 s29, $0x800  }
0x48: {  	vm1 =	veq.s32 v2, $0x0;
	v15 =	vperm.xlane v14, v1;
	s30 =	sld @!p1 [smem:$0x80]  }
0x49: {  	v13 =	vsel vm1, $0x0, v63  }
0x4a: {  	[tilespmem:s28+$0x5F00] =	vst.msk vm2, v7;
	v5 =	vsub.f32 v5, v13;
	v7 =	vsel vm1, $0x0, v15  }
0x4b: {  	[tilespmem:s28+$0x6780] =	vst.msk vm2, v6;
	v4 =	vsub.f32 v4, v7;
	s30 =	sadd.s32 @!p1 s12, s30  }
0x4c: {  	s31 =	simm.s32 @!p1 $0x5F00;
	[tilespmem:s28+$0x7000] =	vst.msk vm2, v5;
	s30 =	sshrl.u32 @!p1 s30, $0x3  }
0x4d: {  	s0 =	simm.s32 @!p1 $0x1;
	s7 =	simm.s32 @!p1 $0x0;
	[tilespmem:s28+$0x7880] =	vst.msk vm2, v4;
	s28 =	sadd.s32 @!p1 s4, s30  }
0x4e: {  	[hbm4b:s28+s7] =	stream.linear.scatter @!p1 [tilespmem:s31], [sflag:$0x1], $0x800, $0x38;
	[tilespmem:$0x8180] =	vst v63  }
0x4f: {  	_ =	swait.ge @!p1 [sflag:s0], $0x800  }
0x50: {  	[sflag:s0] =	ssyncset.done @!p1 $0x0  }
0x51: {  	s28 =	sadd.s32 @!p1 s5, s30;
	s31 =	simm.s32 @!p1 $0x6780;
	[sflag:s0] =	ssyncadd.s32 @!p1 $0xFFFFF800  }
0x52: {  	[hbm4b:s28+s7] =	stream.linear.scatter @!p1 [tilespmem:s31], [sflag:$0x1], $0x800, $0x38;
	[tilespmem:$0x8180] =	vst v63  }
0x53: {  	_ =	swait.ge @!p1 [sflag:s0], $0x800  }
0x54: {  	[sflag:s0] =	ssyncset.done @!p1 $0x0  }
0x55: {  	s28 =	sadd.s32 @!p1 s9, s30;
	s31 =	simm.s32 @!p1 $0x7000;
	[sflag:s0] =	ssyncadd.s32 @!p1 $0xFFFFF800  }
0x56: {  	[hbm4b:s28+s7] =	stream.linear.scatter @!p1 [tilespmem:s31], [sflag:$0x1], $0x800, $0x38;
	[tilespmem:$0x8180] =	vst v63  }
0x57: {  	_ =	swait.ge @!p1 [sflag:s0], $0x800  }
0x58: {  	[sflag:s0] =	ssyncset.done @!p1 $0x0  }
0x59: {  	s28 =	sadd.s32 @!p1 s10, s30;
	s30 =	simm.s32 @!p1 $0x7880;
	[sflag:s0] =	ssyncadd.s32 @!p1 $0xFFFFF800  }
0x5a: {  	[hbm4b:s28+s7] =	stream.linear.scatter @!p1 [tilespmem:s30], [sflag:$0x1], $0x800, $0x38;
	[tilespmem:$0x8180] =	vst v63  }
0x5b: {  	_ =	swait.ge @!p1 [sflag:s0], $0x800  }
0x5c: {  	v7 =	vperm.xlane v8, v3;
	[sflag:s0] =	ssyncset.done @!p1 $0x0  }
0x5d: {  	v5 =	vperm.xlane v62, v3;
	v4 =	vperm.xlane v10, v3;
	[sflag:s0] =	ssyncadd.s32 @!p1 $0xFFFFF800;
	s0 =	sadd.s32 @!p1 $0xFFFFF800, s29  }
0x5e: {  	v10 =	vperm.xlane v11, v3;
	v11 =	vperm.xlane v14, v3;
	v8 =	vld @!p1 [tilespmem:$0x8080];
	[smem:$0x0] =	sst @!p1 s0  }
0x5f: {  	v6 =	vperm.xlane v9, v3;
	v9 =	vld @!p1 [tilespmem:$0x6700];
	s29 =	sld @!p1 [smem:$0x80]  }
0x60: {  	v5 =	vsub.f32 v4, v5;
	v4 =	vsub.f32 v10, v11;
	s28 =	simm.s32 $0x40;
	v10 =	vld @!p1 [tilespmem:$0x6F80]  }
.LBB2_3:
0x61: {  	v11 =	vld @!p1 [tilespmem:$0x7800];
	v12 =	vmov v7;
	v13 =	vmov v6;
	s0 =	smov.u32 s28;
	s28 =	sadd.s32 $0x40, s28  }
0x62: {  	p0 =	sne.s32 s28, $0x7D00;
	s7 =	sadd.s32 @!p1 $0x800, s29  }
0x63: {  	[tilespmem:$0x7880] =	vst @!p1 v8;
	[smem:$0x80] =	sst @!p1 s7  }
0x64: {  	[tilespmem:$0x5F00] =	vst @!p1 v9  }
0x65: {  	[tilespmem:$0x6780] =	vst @!p1 v10  }
0x66: {  	s0 =	sshra.s32 s0, $0x2;
	[tilespmem:$0x7000] =	vst @!p1 v11  }
0x67: {  	v8 =	vld [tilespmem:s0+$0x0]  }
0x68: {  	v9 =	vld [tilespmem:s0+$0x1F80]  }
0x69: {  	v10 =	vld [tilespmem:s0+$0x3F00];
	_ =	sdelay $0x2  }
0x6a: {  	v11 =	vperm.xlane v8, v1;
	v7 =	vperm.xlane v8, v3  }
0x6b: {  	v14 =	vperm.xlane v9, v1;
	v6 =	vperm.xlane v9, v3  }
0x6c: {  	v15 =	vand.u32 $0x3, v10;
	v11 =	vsel vm0, v12, v11  }
0x6d: {  	v12 =	vor.u32 $0x4, v15;
	v13 =	vsel vm0, v13, v14;
	vm2 =	vne.s32 v8, v11  }
0x6e: {  	vm3 =	vne.s32 v9, v13  }
0x6f: {  	vm2 =	vmor vm2, vm3  }
0x70: {  	s29 =	sld [smem:$0x0];
	v8 =	vsel vm2, $0x1, v0  }
0x71: {  	v9 =	vld.idx.msk [tilespmem:v15+s16+$0x0], $0xffff;
	(xrf0) =	vadd.scan.msk.s32 $0xffff, v8  }
0x72: {  	v8 =	vld.idx.msk [tilespmem:v12+s16+$0x0], $0xffff  }
0x73: {  	[tilespmem:s29+$0x5F00] =	vst.msk vm2, v11  }
0x74: {  	[tilespmem:s29+$0x6780] =	vst.msk vm2, v13;
	_ =	sdelay $0x1  }
0x75: {  	v10 =	vand.u32 $0xFFFFFFFC, v10  }
0x76: {  	v9 =	vmul.f32 v10, v9;
	v11, _, _ =	vpop (xrf0)  }
0x77: {  	v8 =	vmul.f32 v10, v8;
	(v2sf) =	vpush v11, $0xF  }
0x78: {  	(xrf2) =	vadd.scan.msk.f32 $0xffff, v9;
	_ =	sdelay $0x2  }
0x79: {  	(xrf2) =	vadd.scan.msk.f32 $0xffff, v8;
	_ =	sdelay $0x6  }
0x7a: {  	v8, _, _ =	vpop (xrf2)  }
0x7b: {  	v8 =	vadd.f32 v8, v5;
	_ =	sdelay $0x1  }
0x7c: {  	v9 =	vperm.xlane v8, v1;
	v10, _, _ =	vpop (xrf2)  }
0x7d: {  	v10 =	vadd.f32 v10, v4;
	s0 =	spop (v2sf)  }
0x7e: {  	v9 =	vsel vm0, v5, v9;
	s7 =	sadd.s32 s29, s0  }
0x7f: {  	v5 =	vperm.xlane v10, v1;
	v11 =	vnsel vm2, $0x0, v9  }
0x80: {  	[smem:$0x0] =	sst s7;
	(xrf0) =	vmax.scan.msk.f32 $0xffff, v11  }
0x81: {  	v11 =	vsel vm0, v4, v5;
	s7 =	sld [smem:$0x100]  }
0x82: {  	v4 =	vnsel vm2, $0x0, v11  }
0x83: {  	(xrf0) =	vmax.scan.msk.f32 $0xffff, v4  }
0x84: {  	s0 =	sadd.s32 s0, s7  }
0x85: {  	[smem:$0x100] =	sst s0  }
0x86: {  	v4 =	vperm.xlane v8, v3;
	s0 =	sld [smem:$0x0];
	v5, _, _ =	vpop (xrf0)  }
0x87: {  	v8 =	vperm.xlane v5, v1;
	v5 =	vperm.xlane v5, v3;
	_ =	sdelay $0x1  }
0x88: {  	v8 =	vsel vm1, $0x0, v8;
	p1 =	slt.s32 s0, $0x800;
	v5 =	vsub.f32 v4, v5;
	v4 =	vperm.xlane v10, v3;
	v10, _, _ =	vpop (xrf0)  }
0x89: {  	v12 =	vperm.xlane v10, v1;
	v8 =	vsub.f32 v9, v8;
	s7 =	sld @!p1 [smem:$0x80];
	s0 =	sadd.s32 @!p1 $0xFFFFF800, s0;
	v9 =	vperm.xlane v10, v3;
	_ =	sdelay $0x1  }
0x8a: {  	v10 =	vsel vm1, $0x0, v12;
	[tilespmem:s29+$0x7000] =	vst.msk vm2, v8;
	v4 =	vsub.f32 v4, v9  }
0x8b: {  	v8 =	vsub.f32 v11, v10;
	s7 =	sadd.s32 @!p1 s12, s7  }
0x8c: {  	s30 =	simm.s32 @!p1 $0x5F00;
	s31 =	simm.s32 @!p1 $0x1;
	s7 =	sshrl.u32 @!p1 s7, $0x3  }
0x8d: {  	s20 =	simm.s32 @!p1 $0x0;
	[tilespmem:s29+$0x7880] =	vst.msk vm2, v8;
	s29 =	sadd.s32 @!p1 s4, s7;
	s21 =	sadd.s32 @!p1 s5, s7  }
0x8e: {  	[hbm4b:s29+s20] =	stream.linear.scatter @!p1 [tilespmem:s30], [sflag:$0x1], $0x800, $0x38;
	[tilespmem:$0x8180] =	vst v63  }
0x8f: {  	s29 =	sadd.s32 @!p1 s9, s7;
	s7 =	sadd.s32 @!p1 s10, s7;
	_ =	swait.ge @!p1 [sflag:s31], $0x800  }
0x90: {  	[sflag:s31] =	ssyncset.done @!p1 $0x0  }
0x91: {  	s30 =	simm.s32 @!p1 $0x6780;
	[sflag:s31] =	ssyncadd.s32 @!p1 $0xFFFFF800  }
0x92: {  	[hbm4b:s21+s20] =	stream.linear.scatter @!p1 [tilespmem:s30], [sflag:$0x1], $0x800, $0x38;
	[tilespmem:$0x8180] =	vst v63  }
0x93: {  	_ =	swait.ge @!p1 [sflag:s31], $0x800  }
0x94: {  	[sflag:s31] =	ssyncset.done @!p1 $0x0  }
0x95: {  	s21 =	simm.s32 @!p1 $0x7000;
	[sflag:s31] =	ssyncadd.s32 @!p1 $0xFFFFF800  }
0x96: {  	[hbm4b:s29+s20] =	stream.linear.scatter @!p1 [tilespmem:s21], [sflag:$0x1], $0x800, $0x38;
	[tilespmem:$0x8180] =	vst v63  }
0x97: {  	_ =	swait.ge @!p1 [sflag:s31], $0x800  }
0x98: {  	[sflag:s31] =	ssyncset.done @!p1 $0x0  }
0x99: {  	s21 =	simm.s32 @!p1 $0x7880;
	[sflag:s31] =	ssyncadd.s32 @!p1 $0xFFFFF800  }
0x9a: {  	[hbm4b:s7+s20] =	stream.linear.scatter @!p1 [tilespmem:s21], [sflag:$0x1], $0x800, $0x38;
	[tilespmem:$0x8180] =	vst v63  }
0x9b: {  	_ =	swait.ge @!p1 [sflag:s31], $0x800  }
.Ltmp0:
0x9c: {  	[sflag:s31] =	ssyncset.done @!p1 $0x0;
	(pc) =	sbr.rel @p0 .LBB2_3-.Ltmp0, $4  }
0x9d: {  	[sflag:s31] =	ssyncadd.s32 @!p1 $0xFFFFF800  }
0x9e: {  	v8 =	vld @!p1 [tilespmem:$0x8080];
	[smem:$0x0] =	sst @!p1 s0  }
0x9f: {  	v9 =	vld @!p1 [tilespmem:$0x6700];
	s29 =	sld @!p1 [smem:$0x80]  }
0xa0: {  	v10 =	vld @!p1 [tilespmem:$0x6F80]  }
0xa1: {  	s26 =	sadd.s32 $0x1, s26  }
0xa2: {  	v11 =	vld @!p1 [tilespmem:$0x7800];
	p0 =	sne.s32 s26, $0x19  }
.Ltmp1:
0xa3: {  	_ = 	snop;
	(pc) =	sbr.rel @p0 .LBB2_2-.Ltmp1, $4  }
0xa4: {  	[tilespmem:$0x7880] =	vst @!p1 v8  }
0xa5: {  	[tilespmem:$0x5F00] =	vst @!p1 v9  }
0xa6: {  	s0 =	sadd.s32 @!p1 $0x800, s29;
	[tilespmem:$0x6780] =	vst @!p1 v10  }
0xa7: {  	[smem:$0x80] =	sst @!p1 s0;
	[tilespmem:$0x7000] =	vst @!p1 v11  }
0xa8: {  	s0 =	sld [smem:$0x0];
	_ =	sdelay $0x2  }
0xa9: {  	s7 =	sadd.s32 s13, s0  }
0xaa: {  	[smem:$0x0] =	sst s7  }
0xab: {  	s7 =	sld [smem:$0x100];
	_ =	sdelay $0x2  }
0xac: {  	s7 =	sadd.s32 s13, s7  }
0xad: {  	[smem:$0x100] =	sst s7  }
0xae: {  	s7 =	sld [smem:$0x0];
	_ =	sdelay $0x2  }
0xaf: {  	p0 =	slt.s32 s7, $0x800  }
0xb0: {  	s20 =	sld @!p0 [smem:$0x80];
	_ =	sdelay $0x1  }
0xb1: {  	[tilespmem:s0+$0x5F00] =	vst.msk $0x1, v7  }
0xb2: {  	[tilespmem:s0+$0x6780] =	vst.msk $0x1, v6;
	s20 =	sadd.s32 @!p0 s12, s20  }
0xb3: {  	[tilespmem:s0+$0x7000] =	vst.msk $0x1, v5;
	s20 =	sshrl.u32 @!p0 s20, $0x3  }
0xb4: {  	[tilespmem:s0+$0x7880] =	vst.msk $0x1, v4;
	s21 =	simm.s32 @!p0 $0x0;
	s26 =	simm.s32 @!p0 $0x5F00;
	s0 =	sadd.s32 @!p0 s4, s20  }
0xb5: {  	[hbm4b:s0+s21] =	stream.linear.scatter @!p0 [tilespmem:s26], [sflag:$0x1], $0x800, $0x38;
	[tilespmem:$0x8180] =	vst v63  }
0xb6: {  	s0 =	simm.s32 @!p0 $0x1  }
0xb7: {  	_ =	swait.ge @!p0 [sflag:s0], $0x800  }
0xb8: {  	[sflag:s0] =	ssyncset.done @!p0 $0x0  }
0xb9: {  	s28 =	simm.s32 @!p0 $0x6780;
	s26 =	sadd.s32 @!p0 s5, s20;
	[sflag:s0] =	ssyncadd.s32 @!p0 $0xFFFFF800  }
0xba: {  	[hbm4b:s26+s21] =	stream.linear.scatter @!p0 [tilespmem:s28], [sflag:$0x1], $0x800, $0x38;
	[tilespmem:$0x8180] =	vst v63  }
0xbb: {  	_ =	swait.ge @!p0 [sflag:s0], $0x800  }
0xbc: {  	[sflag:s0] =	ssyncset.done @!p0 $0x0  }
0xbd: {  	s26 =	sadd.s32 @!p0 s9, s20;
	s28 =	simm.s32 @!p0 $0x7000;
	[sflag:s0] =	ssyncadd.s32 @!p0 $0xFFFFF800  }
0xbe: {  	[hbm4b:s26+s21] =	stream.linear.scatter @!p0 [tilespmem:s28], [sflag:$0x1], $0x800, $0x38;
	[tilespmem:$0x8180] =	vst v63  }
0xbf: {  	_ =	swait.ge @!p0 [sflag:s0], $0x800  }
0xc0: {  	[sflag:s0] =	ssyncset.done @!p0 $0x0  }
0xc1: {  	s20 =	sadd.s32 @!p0 s10, s20;
	s26 =	simm.s32 @!p0 $0x7880;
	[sflag:s0] =	ssyncadd.s32 @!p0 $0xFFFFF800  }
0xc2: {  	[hbm4b:s20+s21] =	stream.linear.scatter @!p0 [tilespmem:s26], [sflag:$0x1], $0x800, $0x38;
	[tilespmem:$0x8180] =	vst v63  }
0xc3: {  	_ =	swait.ge @!p0 [sflag:s0], $0x800  }
0xc4: {  	[sflag:s0] =	ssyncset.done @!p0 $0x0  }
0xc5: {  	[sflag:s0] =	ssyncadd.s32 @!p0 $0xFFFFF800;
	s0 =	sadd.s32 @!p0 $0xFFFFF800, s7  }
0xc6: {  	[smem:$0x0] =	sst @!p0 s0  }
0xc7: {  	s0 =	sld @!p0 [smem:$0x80];
	_ =	sdelay $0x1  }
0xc8: {  	v4 =	vld @!p0 [tilespmem:$0x6700]  }
0xc9: {  	v5 =	vld @!p0 [tilespmem:$0x6F80];
	s0 =	sadd.s32 @!p0 $0x800, s0  }
0xca: {  	v6 =	vld @!p0 [tilespmem:$0x7800];
	[smem:$0x80] =	sst @!p0 s0  }
0xcb: {  	v7 =	vld @!p0 [tilespmem:$0x8080];
	s0 =	sld [smem:$0x80];
	_ =	sdelay $0x1  }
0xcc: {  	[tilespmem:$0x5F00] =	vst @!p0 v4  }
0xcd: {  	[tilespmem:$0x6780] =	vst @!p0 v5;
	s0 =	sadd.s32 s12, s0  }
0xce: {  	[tilespmem:$0x7000] =	vst @!p0 v6;
	s0 =	sshrl.u32 s0, $0x3  }
0xcf: {  	s26 =	simm.s32 $0x5F00;
	[tilespmem:$0x7880] =	vst @!p0 v7;
	s21 =	sadd.s32 s4, s0  }
0xd0: {  	[hbm4b:s21+s6] =	stream.linear.scatter [tilespmem:s26], [sflag:$0x1], $0x800, $0x38;
	[tilespmem:$0x8180] =	vst v63  }
0xd1: {  	_ =	swait.ge [sflag:s17], $0x800  }
0xd2: {  	[sflag:s17] =	ssyncset.done $0x0  }
0xd3: {  	s29 =	simm.s32 $0x6780;
	s28 =	sadd.s32 s5, s0;
	[sflag:s17] =	ssyncadd.s32 $0xFFFFF800  }
0xd4: {  	[hbm4b:s28+s6] =	stream.linear.scatter [tilespmem:s29], [sflag:$0x1], $0x800, $0x38;
	[tilespmem:$0x8180] =	vst v63  }
0xd5: {  	_ =	swait.ge [sflag:s17], $0x800  }
0xd6: {  	[sflag:s17] =	ssyncset.done $0x0  }
0xd7: {  	s30 =	sadd.s32 s9, s0;
	[sflag:s17] =	ssyncadd.s32 $0xFFFFF800  }
0xd8: {  	[hbm4b:s30+s6] =	stream.linear.scatter [tilespmem:s22], [sflag:$0x1], $0x800, $0x38;
	[tilespmem:$0x8180] =	vst v63  }
0xd9: {  	_ =	swait.ge [sflag:s17], $0x800  }
0xda: {  	[sflag:s17] =	ssyncset.done $0x0  }
0xdb: {  	s0 =	sadd.s32 s10, s0;
	[sflag:s17] =	ssyncadd.s32 $0xFFFFF800  }
0xdc: {  	[hbm4b:s0+s6] =	stream.linear.scatter [tilespmem:s23], [sflag:$0x1], $0x800, $0x38;
	[tilespmem:$0x8180] =	vst v63  }
0xdd: {  	_ =	swait.ge [sflag:s17], $0x800  }
0xde: {  	[sflag:s17] =	ssyncset.done $0x0  }
0xdf: {  	[sflag:s17] =	ssyncadd.s32 $0xFFFFF800  }
0xe0: {  	s31 =	sld [smem:$0x100];
	_ =	sdelay $0x1  }
0xe1: {  	s25 =	sadd.s32 $0x1, s25  }
0xe2: {  	p0 =	sne.s32 s25, s15;
	v4 =	vmov s31  }
.Ltmp2:
0xe3: {  	[tilespmem:$0x8100] =	vst v4;
	(pc) =	sbr.rel @p0 .LBB2_1-.Ltmp2, $4  }
0xe4: {  	[hbm4b:s14+s6] =	stream.linear.scatter [tilespmem:s24], [sflag:$0x1], $0x10, $0x38;
	[tilespmem:$0x8180] =	vst v63  }
0xe5: {  	_ =	swait.ge [sflag:s17], $0x10  }
0xe6: {  	[sflag:s17] =	ssyncset.done $0x0  }
0xe7: {  	[sflag:s17] =	ssyncadd.s32 $0xFFFFFFF0  }
0xe8: {  	_ =	sfence.sel $0x180000  }
0xe9: {  	[bflag:$0x0] =	sbarrier.arrive $0xFFFF  }
0xea: {  	_ =	strace $0x90000047  }
0xeb: {  	s0 =	stileid.u32;
	[bflag:$0x2] =	sbarrier.arrive $0xFFFF  }
0xec: {  	p0 =	sne.s32 s0, $0x0;
	s0 =	rddreg [dreg:$0x5]  }
0xed: {  	s0 =	sadd.s32 @!p0 $0x100000, s0  }
0xee: {  	[sflag:s0] =	ssyncadd.tile.s32 @!p0 $0x1;
	_ =	shalt  }
.Lfunc_end2:
_tile_overlayer_lowered:
.L_overlay_start_2:
0xef: {  	(tag) =	ssettag $0x2  }
0xf0: {  	s0 =	rddreg [dreg:$0x0];
	s2 =	stileid.u32  }
0xf1: {  	s1 =	rddreg [dreg:$0x1];
	p0 =	sne.s32 s2, $0x0  }
0xf2: {  	s3 =	rddreg [dreg:$0x2];
	[bflag:$0x3] =	sbarrier.arrive $0xFFFF;
	s2 =	simm.s32 @!p0 $0x1C01  }
0xf3: {  	[timem:s3], [sflag:s2] =	dma.local @!p0 [hbm:s0], s1  }
0xf4: {  	s0 =	simm.s32 @!p0 $0x1  }
0xf5: {  	_ =	swait.ge @!p0 [sflag:s0], s1  }
0xf6: {  	s1 =	ssub.s32 @!p0 $0x0, s1;
	[sflag:s0] =	ssyncset.done @!p0 $0x0  }
0xf7: {  	[sflag:s0] =	ssyncadd.s32 @!p0 s1  }
0xf8: {  	[bflag:$0x3] =	sbarrier.arrive $0xFFFF  }
0xf9: {  	_ =	shalt  }

// kernel: scatter_offload_async_start.1
scs
__scs_entry_jumppad:
0x0: {  	(pc) =	sbr.rel $0x88, $3  }
0x1: {  	(tag) =	ssettag $0x0;
	lr =	simm.s32 $0x1  }
0x2: {  	[smem:$0x3F97] =	sst lr;
	_ =	strace $0xD0000000  }
0x3: {  	_ = 	snop  }
0x4: {  	_ = 	snop  }
0x5: {  	_ = 	snop  }
0x6: {  	_ = 	snop  }
0x7: {  	_ = 	snop  }
__scs_overlays_trampoline_lowered:
0x8: {  	[smem:$0x3FA6] =	sst s0  }
0x9: {  	[smem:$0x3FA7] =	sst s1  }
0xa: {  	[smem:$0x3FA8] =	sst s2  }
0xb: {  	[smem:$0x3FA9] =	sst s3  }
0xc: {  	[smem:$0x3FAA] =	sst s4  }
0xd: {  	[smem:$0x3FAB] =	sst s5  }
0xe: {  	[smem:$0x3FAC] =	sst s6  }
0xf: {  	[smem:$0x3FAD] =	sst s7  }
0x10: {  	[smem:$0x3FAE] =	sst s8  }
0x11: {  	[smem:$0x3FAF] =	sst s9;
	s0 =	simm.s32 @!p0 $0x0  }
0x12: {  	s1 =	sld [smem:$0x3F95];
	s0 =	simm.s32 @p0 $0x1  }
0x13: {  	[smem:$0x3FB0] =	sst s0;
	s0 =	simm.s32 @!p1 $0x0  }
0x14: {  	s2 =	sld [smem:$0x3F94];
	s0 =	simm.s32 @p1 $0x1  }
0x15: {  	[smem:$0x3FB1] =	sst s0;
	s0 =	simm.s32 @!p2 $0x0  }
0x16: {  	s3 =	sld [smem:$0x3FDB];
	s0 =	simm.s32 @p2 $0x1  }
0x17: {  	s4 =	simm.s32 $0x1BF5;
	[smem:$0x3FB3] =	sst s0  }
0x18: {  	s0 =	sld [smem:$0x3F96];
	_ =	swait.ge [sflag:s4], $0x0  }
0x19: {  	s7 =	sld [smem:$0x3F97]  }
0x1a: {  	s8 =	sadd.s32 $0xFFFFE003, lr  }
0x1b: {  	s9 =	sadd.s32 $0xFFFFFEF7, lr;
	s5 =	simm.s32 $0xFFFFFFFF;
	p2 =	slt.u32 s8, $0xFFFFF086  }
0x1c: {  	p1 =	slt.u32 s9, $0xF7A;
	s5 =	simm.s32 @!p2 $0x0  }
0x1d: {  	s5 =	simm.s32 @p1 $0x1;
	p0 =	seq.s32 s7, s2  }
0x1e: {  	s7 =	smul.u32 @!p0 $0xF7A, s2;
	p2 =	seq.s32 @!p0 s5, $0x0  }
0x1f: {  	s9 =	smul.u32 $0xF7A, s1;
	s8 =	simm.s32 @!p0 $0x1BF5;
	p2 =	por !p2, p0  }
0x20: {  	[sflag:s8] =	ssyncset.s32 @!p0 $0xFFFFF086;
	s6 =	sadd.s32 @!p0 s3, s7;
	s7 =	simm.s32 @!p0 $0x108  }
0x21: {  	s3 =	sadd.s32 s3, s9;
	s6 =	sadd.s32 @!p0 $0x88, s6;
	s7 =	simm.s32 @p2 $0x1082  }
0x22: {  	[simem:s7], [sflag:s8] =	dma.local @!p0 [hbm:s6], $0xF7A  }
0x23: {  	s9 =	sor.u32 $0xD0000000, s2;
	s6 =	simm.s32 $0x108;
	_ =	swait.ge @!p0 [sflag:s8], $0x0  }
0x24: {  	s3 =	sadd.s32 $0x88, s3;
	s6 =	simm.s32 @!p1 $0x1082;
	[sflag:s4] =	ssyncset.s32 $0xFFFFF086  }
0x25: {  	[simem:s6], [sflag:s4] =	dma.local [hbm:s3], $0xF7A  }
0x26: {  	[smem:$0x3F97] =	sst s1;
	(tag) =	ssettag s2;
	_ =	strace s9  }
0x27: {  	s1 =	sld [smem:$0x3FA7]  }
0x28: {  	s2 =	sld [smem:$0x3FA8]  }
0x29: {  	s4 =	sld [smem:$0x3FAA]  }
0x2a: {  	p0 =	seq.s32 s5, $0x0;
	s5 =	sld [smem:$0x3FAB]  }
0x2b: {  	s6 =	sld [smem:$0x3FAC]  }
0x2c: {  	s7 =	sld [smem:$0x3FAD]  }
0x2d: {  	s3 =	simm.s32 $0x108;
	s8 =	sld [smem:$0x3FAE]  }
0x2e: {  	s3 =	simm.s32 @!p0 $0x1082;
	s9 =	sld [smem:$0x3FAF]  }
0x2f: {  	lr =	sadd.s32 s0, s3;
	s0 =	sld [smem:$0x3FA6]  }
0x30: {  	s3 =	sld [smem:$0x3FA9]  }
0x31: {  	[smem:$0x3FB2] =	sst s10  }
0x32: {  	s10 =	sld [smem:$0x3FB0];
	_ =	sdelay $0x3  }
0x33: {  	p0 =	seq.s32 s10, $0x1;
	s10 =	sld [smem:$0x3FB2];
	_ =	sdelay $0x3  }
0x34: {  	[smem:$0x3FB2] =	sst s10  }
0x35: {  	s10 =	sld [smem:$0x3FB1];
	_ =	sdelay $0x3  }
0x36: {  	p1 =	seq.s32 s10, $0x1;
	s10 =	sld [smem:$0x3FB2];
	_ =	sdelay $0x3  }
0x37: {  	[smem:$0x3FB2] =	sst s10  }
0x38: {  	s10 =	sld [smem:$0x3FB3]  }
0x39: {  	_ = 	snop;
	(pc) =	sbr.ind lr, $3  }
0x3a: {  	_ = 	snop  }
0x3b: {  	_ = 	snop  }
0x3c: {  	p2 =	seq.s32 s10, $0x1;
	s10 =	sld [smem:$0x3FB2]  }
0x3d: {  	_ =	shalt  }
0x3e: {  	_ =	shalt  }
0x3f: {  	_ =	shalt  }
0x40: {  	_ =	shalt  }
0x41: {  	_ =	shalt  }
0x42: {  	_ =	shalt  }
0x43: {  	_ =	shalt  }
0x44: {  	_ =	shalt  }
0x45: {  	_ =	shalt  }
0x46: {  	_ =	shalt  }
0x47: {  	_ =	shalt  }
0x48: {  	_ =	shalt  }
0x49: {  	_ =	shalt  }
0x4a: {  	_ =	shalt  }
0x4b: {  	_ =	shalt  }
0x4c: {  	_ =	shalt  }
0x4d: {  	_ =	shalt  }
0x4e: {  	_ =	shalt  }
0x4f: {  	_ =	shalt  }
0x50: {  	_ =	shalt  }
0x51: {  	_ =	shalt  }
0x52: {  	_ =	shalt  }
0x53: {  	_ =	shalt  }
0x54: {  	_ =	shalt  }
0x55: {  	_ =	shalt  }
0x56: {  	_ =	shalt  }
0x57: {  	_ =	shalt  }
0x58: {  	_ =	shalt  }
0x59: {  	_ =	shalt  }
0x5a: {  	_ =	shalt  }
0x5b: {  	_ =	shalt  }
0x5c: {  	_ =	shalt  }
0x5d: {  	_ =	shalt  }
0x5e: {  	_ =	shalt  }
0x5f: {  	_ =	shalt  }
0x60: {  	_ =	shalt  }
0x61: {  	_ =	shalt  }
0x62: {  	_ =	shalt  }
0x63: {  	_ =	shalt  }
0x64: {  	_ =	shalt  }
0x65: {  	_ =	shalt  }
0x66: {  	_ =	shalt  }
0x67: {  	_ =	shalt  }
0x68: {  	_ =	shalt  }
0x69: {  	_ =	shalt  }
0x6a: {  	_ =	shalt  }
0x6b: {  	_ =	shalt  }
0x6c: {  	_ =	shalt  }
0x6d: {  	_ =	shalt  }
0x6e: {  	_ =	shalt  }
0x6f: {  	_ =	shalt  }
0x70: {  	_ =	shalt  }
0x71: {  	_ =	shalt  }
0x72: {  	_ =	shalt  }
0x73: {  	_ =	shalt  }
0x74: {  	_ =	shalt  }
0x75: {  	_ =	shalt  }
0x76: {  	_ =	shalt  }
0x77: {  	_ =	shalt  }
0x78: {  	_ =	shalt  }
0x79: {  	_ =	shalt  }
0x7a: {  	_ =	shalt  }
0x7b: {  	_ =	shalt  }
0x7c: {  	_ =	shalt  }
0x7d: {  	_ =	shalt  }
0x7e: {  	_ =	shalt  }
0x7f: {  	_ =	shalt  }
0x80: {  	_ =	shalt  }
0x81: {  	_ =	shalt  }
0x82: {  	_ =	shalt  }
0x83: {  	_ =	shalt  }
0x84: {  	_ =	shalt  }
0x85: {  	_ =	shalt  }
0x86: {  	_ =	shalt  }
0x87: {  	_ =	shalt  }
.Lfunc_end0:
.L_simem_size_0:
called_computation.1_lowered:
.L_overlay_start_0:
0x88: {  	s0 =	sld [smem:$0x3FD9]  }
0x89: {  	s1 =	sld [smem:$0x3FFE];
	_ =	sdelay $0x3  }
0x8a: {  	s0 =	sadd.s32 s1, s0  }
0x8b: {  	[smem:$0x3FBE] =	sst s0  }
0x8c: {  	_ = 	snop  }
0x8d: {  	(tm) =	ssettm $0x1  }
0x8e: {  	s15 =	sld [smem:$0x3FFB];
	_ =	sdelay $0x3  }
0x8f: {  	_ =	strace s15  }
0x90: {  	s0 =	sld [smem:$0x3FFC];
	_ =	sdelay $0x3  }
0x91: {  	_ =	strace s0  }
0x92: {  	s0 =	sld [smem:$0x3FFD];
	_ =	sdelay $0x3  }
0x93: {  	_ =	strace s0  }
0x94: {  	_ =	strace $0x8FFFFFFF  }
0x95: {  	s16 =	sld [smem:$0x3FDB];
	_ =	sdelay $0x1  }
0x96: {  	s17 =	simm.s32 $_scs_section_size  }
0x97: {  	s2 =	simm.s32 $_size__tile_overlayer_lowered;
	s3 =	simm.s32 $_tile_overlayer_lowered  }
0x98: {  	s20 =	simm.s32 $0x1BFF;
	s19 =	sshll.u32 s3, $0x1;
	s0 =	sadd.s32 s17, s16  }
0x99: {  	s4 =	simm.s32 $0x0;
	s18 =	sshll.u32 s2, $0x1;
	s2 =	sadd.s32 s19, s0  }
0x9a: {  	[timem:s4], [sflag:s20] =	dma.local [hbm:s2], s18  }
0x9b: {  	_ =	swait.ge [sflag:s20], s18  }
0x9c: {  	s1 =	ssub.s32 $0x0, s18;
	[sflag:s20] =	ssyncset.done $0x0  }
0x9d: {  	[sflag:s20] =	ssyncadd.s32 s1;
	_ =	sdelay $0x1  }
0x9e: {  	s21 =	simm.s32 $0x1B8B  }
0x9f: {  	_ =	swait.ge [sflag:s21], $0x1  }
0xa0: {  	[sflag:s21] =	ssyncset.done $0x0  }
0xa1: {  	s23 =	simm.s32 $0x1B8E;
	s22 =	sld [smem:$0x3FFE];
	[sflag:s21] =	ssyncadd.s32 $0xFFFFFFFF  }
0xa2: {  	s24 =	simm.s32 $execute0_lowered;
	[smem:$0x3FD2] =	sst s23  }
0xa3: {  	s2 =	sshll.u32 s24, $0x1;
	_ =	strace $0x8000004C;
	[dreg:$0x1] =	wrdreg $0xFFFFFFFF  }
0xa4: {  	s25 =	simm.s32 $_size_execute0_lowered;
	s0 =	sadd.s32 s0, s2;
	[dreg:$0x0] =	wrdreg $0x0  }
0xa5: {  	s2 =	sshll.u32 s25, $0x1;
	[dreg:$0x2] =	wrdreg s0  }
0xa6: {  	[dreg:$0x3] =	wrdreg s2  }
0xa7: {  	[dreg:$0x4] =	wrdreg $0xC0  }
0xa8: {  	_ =	task [dreg:s4], $0x5FFFF  }
0xa9: {  	[dreg:$0x1] =	wrdreg $0xFFFFFFFF  }
0xaa: {  	[dreg:$0x0] =	wrdreg $0x60  }
0xab: {  	[dreg:$0x2] =	wrdreg s22  }
0xac: {  	[dreg:$0x3] =	wrdreg $0x9  }
0xad: {  	_ =	task.clear_ibuf [dreg:s4], $0x4FFFF;
	_ =	strace $0x9000004C  }
0xae: {  	s26 =	simm.s32 $0x9;
	_ =	strace $0x8000004E  }
0xaf: {  	_ =	swait.ge [sflag:s26], $0x1  }
0xb0: {  	[sflag:s26] =	ssyncadd.s32 $0xFFFFFFFF  }
0xb1: {  	_ =	strace $0x9000004E  }
0xb2: {  	_ =	sfence  }
0xb3: {  	s28 =	sld [smem:$0x0];
	_ =	sdelay $0x1  }
0xb4: {  	s29 =	srdreg.scid  }
0xb5: {  	s30 =	sshll.u32 s29, $0xD;
	s31 =	sshrl.u32 s29, $0x2  }
0xb6: {  	s1 =	sand.u32 $0x1, s29;
	s2 =	sand.u32 $0x4000, s30;
	s0 =	sadd.s32 s31, s28  }
0xb7: {  	s1 =	sor.u32 s2, s1;
	s0 =	sshll.u32 s0, $0x11  }
0xb8: {  	s0 =	sor.u32 s0, s1  }
0xb9: {  	s0 =	sadd.s32 $0x8F2B, s0  }
0xba: {  	[sflag:s0] =	ssyncadd.remote.s32 $0x1  }
0xbb: {  	_ =	sfence.sel $0xFFFF  }
0xbc: {  	[dreg:$0x0] =	wrdreg $0xFFFFFFFF;
	(pc) =	sbr.abs _section_cstart, $3  }
0xbd: {  	[dreg:$0x1] =	wrdreg $0xFFFFFFFF  }
0xbe: {  	_ =	task.clear_ibuf [dreg:s4], $0x2FFFF;
	_ =	strace $0x9FFFFFFF  }
0xbf: {  	(tm) =	ssettm $0x7FFFFFFF  }
tec
execute0_lowered:
.L_overlay_start_1:
0x0: {  	(tag) =	ssettag $0x1  }
0x1: {  	s3 =	rddreg [dreg:$0x0];
	_ =	strace $0x8000004D;
	s1 =	simm.s32 $0x1  }
0x2: {  	v1 =	vimm.s32 $0xFFFFFFFF;
	[sflag:s1] =	ssyncpa.u1 $0x0  }
0x3: {  	[tilespmem:$0x10] =	vst v1  }
0x4: {  	v0 =	vimm.f32 $0.0e+00;
	[tilespmem:$0x20] =	vst v1  }
0x5: {  	s0 =	stileid.u32;
	[tilespmem:$0x30] =	vst v0  }
0x6: {  	s5 =	simm.s32 $0x10;
	s7 =	simm.s32 $0x2;
	s8 =	simm.s32 $0x8;
	[tilespmem:$0x40] =	vst v0  }
0x7: {  	s10 =	simm.s32 $0x9;
	s17 =	simm.s32 $0x100;
	s18 =	simm.s32 $0xFFFFFFFE;
	[tilespmem:$0x50] =	vst v0  }
0x8: {  	s19 =	simm.s32 $0x0;
	s20 =	simm.s32 $0xFFFFFFFF;
	s21 =	simm.s32 $0xF;
	[tilespmem:$0x60] =	vst v1  }
0x9: {  	s22 =	simm.s32 $0x30;
	s23 =	simm.s32 $0x0;
	s26 =	simm.s32 $0x0;
	[tilespmem:$0x70] =	vst v1  }
0xa: {  	s24 =	simm.s32 $0x0;
	s31 =	smin.u32 s0, $0x2;
	p0 =	slt.u32 s0, $0x2;
	[tilespmem:$0x80] =	vst v1  }
0xb: {  	s1 =	sadd.s32 $0x120400, s3;
	v1 =	vimm.s32 $0x0;
	s4 =	sshll.u32 s31, $0x4;
	s5 =	simm.s32 @!p0 $0x0;
	[tilespmem:$0xB0] =	vst v0  }
0xc: {  	s13 =	sshllo.u32 s0, $0x1;
	[tilespmem:$0x90] =	vst v1;
	s6 =	sadd.s32 s5, s4;
	s5 =	sadd.s32 $0xC600, s3  }
0xd: {  	[tilespmem:$0xA0] =	vst v1;
	[sflag:s7] =	ssyncpa.u1 $0x0;
	s7 =	simm.s32 $0x7;
	s6 =	smin.u32 s6, $0x20  }
.Ltmp0:
0xe: {  	[sflag:s7] =	ssyncpa.u1 $0x0;
	s9 =	ssub.s32 s6, s4;
	(pc) =	sbr.rel .LBB2_1-.Ltmp0, $4  }
0xf: {  	s25 =	smov.u32 s4;
	[sflag:s8] =	ssyncpa.u1 $0x0;
	p0 =	sgt.s32 s9, $0x0  }
0x10: {  	[sflag:s10] =	ssyncpa.u1 $0x0;
	s10 =	sshll.u32 s0, $0x1;
	s9 =	simm.s32 @!p0 $0x0  }
0x11: {  	vm0 =	vmmov $0xffff;
	s12 =	sor.u32 $0x81, s10;
	s14 =	sor.u32 $0x80, s10;
	s9 =	sshrl.u32 s9, $0x4  }
0x12: {  	v2 =	vlaneseq.u32;
	vm1 =	vmxor vm1, vm1;
	vm2 =	vmmov $0x1;
	s11 =	sadd.s32 $0x2, s9;
	s15 =	sadd.s32 $0x3, s9;
	s16 =	sadd.s32 $0x1, s9  }
.LBB2_5:
0x13: {  	p0 =	slt.u32 s24, $0x3  }
0x14: {  	s0 =	simm.s32 @!p0 $0x2  }
0x15: {  	_ =	swait.ge @!p0 [sflag:s0], $0x10  }
0x16: {  	[sflag:s0] =	ssyncset.done @!p0 $0x0  }
0x17: {  	[sflag:s0] =	ssyncadd.s32 @!p0 $0xFFFFFFF0;
	s0 =	simm.s32 @!p0 $0x9  }
0x18: {  	_ =	swait.ge @!p0 [sflag:s0], $0x10  }
0x19: {  	s2 =	sadd.s32 $0x10, s25;
	s24 =	sadd.s32 $0x1, s24;
	[sflag:s0] =	ssyncset.done @!p0 $0x0  }
0x1a: {  	[sflag:s0] =	ssyncadd.s32 @!p0 $0xFFFFFFF0;
	p0 =	slt.s32 s2, s6;
	s0 =	smov.u32 s4  }
0x1b: {  	s0 =	smov.u32 @p0 s2;
	p0 =	sne.s32 s15, s24  }
.Ltmp1:
0x1c: {  	_ = 	snop;
	(pc) =	sbr.rel @!p0 .LBB2_6-.Ltmp1, $3  }
0x1d: {  	_ =	sdelay $0x1  }
0x1e: {  	s17 =	sadd.s32 $0x10, s17;
	s26 =	smov.u32 s25;
	s18 =	sadd.s32 $0x1, s18  }
0x1f: {  	s23 =	sadd.s32 $0x10, s23;
	s20 =	sadd.s32 $0x1, s20;
	s25 =	smov.u32 s0  }
.LBB2_1:
0x20: {  	s28 =	smulhi.u32 $0xAAAAAAAB, s24;
	_ =	sdelay $0x1  }
0x21: {  	s28 =	sshrl.u32 s28, $0x1  }
0x22: {  	s28 =	smul.u32 $0xFFFFFF40, s28  }
0x23: {  	p0 =	sge.u32 s24, s9  }
0x24: {  	s31 =	sadd.s32 $0xFFFFFFFF, s24;
	s29 =	sshrl.u32 @!p0 s25, $0x3;
	s28 =	sshra.s32 @!p0 s28, $0x2  }
0x25: {  	s30 =	sand.u32 @!p0 $0x7, s25;
	s29 =	sadd.s32 @!p0 s5, s29;
	s28 =	sadd.s32 @!p0 s28, s17  }
0x26: {  	[tilespmem:s28], [sflag:$0x7] =	stream.linear.gather @!p0 [hbm4b:s29+s30], $0x10, $0x38;
	[tilespmem:$0x1B0] =	vst v63  }
0x27: {  	p0 =	sge.u32 s31, s9  }
.Ltmp2:
0x28: {  	_ = 	snop;
	(pc) =	sbr.rel @p0 .LBB2_3-.Ltmp2, $1  }
0x29: {  	_ =	sdelay $0x3  }
0x2a: {  	s28 =	smulhi.u32 $0xAAAAAAAB, s20;
	_ =	sdelay $0x1  }
0x2b: {  	s28 =	sshrl.u32 s28, $0x1  }
0x2c: {  	s28 =	smul.u32 $0xFFFFFF40, s28;
	_ =	sdelay $0x1  }
0x2d: {  	_ =	swait.ge [sflag:s7], $0x10;
	s28 =	sshra.s32 s28, $0x2  }
0x2e: {  	[sflag:s7] =	ssyncset.done $0x0;
	s28 =	sadd.s32 s28, s17  }
0x2f: {  	[sflag:s7] =	ssyncadd.s32 $0xFFFFFFF0;
	(ifvalue) =	ssetifvalue $0xFFFFFFFF;
	v3 =	vld.msk [tilespmem:s28+$0xFFFFFFF0 ss:$0x1], $0xffff;
	_ =	sdelay $0x4  }
0x30: {  	vm3 =	veq.s32 v3, $0x80000000;
	v4 =	vand.u32 $0x1F, v3;
	v3 =	vshrl.u32 v3, $0x5  }
0x31: {  	v4 =	vsel vm3, $0xFFFFFFFF, v4;
	v3 =	vand.u32 $0x3FFFF, v3  }
0x32: {  	v3 =	vsel vm3, $0xFFFFFFFF, v3;
	v5 =	vshrl.u32 v4, $0x3  }
0x33: {  	v4 =	vshll.u32 v4, $0x7;
	v5 =	vmul.u32 $0x190000, v5;
	v6 =	vshll.u32 v3, $0x3  }
0x34: {  	v3 =	vand.u32 $0x7F, v3;
	v4 =	vand.u32 $0x380, v4;
	v6 =	vand.u32 $0xFFFFFC00, v6  }
0x35: {  	p0 =	sne.s32 s24, $0x1;
	v3 =	vor.u32 v3, v4;
	v5 =	vadd.s32 v5, v6  }
0x36: {  	v4 =	vimm.s32 @!p0 $0x0;
	v3 =	vor.u32 v5, v3  }
0x37: {  	v4 =	vperm.xlane @!p0 v3, v4  }
0x38: {  	vm3 =	vlt.u32 v5, $0x640000  }
0x39: {  	s29 =	sand.u32 $0x10, s23;
	v3 =	vnsel vm3, $0xFFFFFFFE, v3;
	vm3 =	vlt.u32 @!p0 v4, $0x640000  }
0x3a: {  	[tilespmem:s29+$0x60] =	vst v3;
	v3 =	vnsel @!p0 vm3, $0xFFFFFFFE, v4  }
0x3b: {  	s2 =	sadd.s32 $0xFFFFFFF0, s28;
	[tilespmem:$0x80] =	vst @!p0 v3  }
0x3c: {  	v3 =	vld.msk [tilespmem:s2+$0x0 ss:$0x1], $0xffff;
	_ =	sdelay $0x4  }
0x3d: {  	vm3 =	veq.s32 v3, $0x80000000;
	v60 =	vand.u32 $0x1F, v3;
	v3 =	vshrl.u32 v3, $0x5  }
0x3e: {  	v4 =	vsel vm3, $0xFFFFFFFF, v60;
	v3 =	vand.u32 $0x3FFFF, v3  }
0x3f: {  	v3 =	vsel vm3, $0xFFFFFFFF, v3;
	v61 =	vshrl.u32 v4, $0x3  }
0x40: {  	v4 =	vshll.u32 v4, $0x7;
	v5 =	vmul.u32 $0x190000, v61;
	v62 =	vshll.u32 v3, $0x3  }
0x41: {  	v3 =	vand.u32 $0x7F, v3;
	v4 =	vand.u32 $0x380, v4;
	v6 =	vand.u32 $0xFFFFFC00, v62  }
0x42: {  	v3 =	vor.u32 v3, v4;
	v5 =	vadd.s32 v5, v6  }
0x43: {  	v3 =	vor.u32 v5, v3  }
0x44: {  	(xrf1) =	vunique.msk.u32 $0xffff, v3;
	_ =	sdelay $0xd  }
0x45: {  	v63, _, _ =	vpop (xrf1)  }
0x46: {  	vm4 =	vne.s32 v3, $0xFFFFFFFF;
	vm3 =	veq.s32 v63, v2  }
0x47: {  	vm5 =	vlt.u32 v5, $0x640000;
	vm3 =	vmand vm4, vm3  }
0x48: {  	vm3 =	vmand vm5, vm3  }
0x49: {  	v3 =	vnsel vm3, $0xFFFFFFFF, v3;
	_ =	sdelay $0x1  }
0x4a: {  	s30 =	sadd.s32 $0xFFFFFFF0, s23  }
0x4b: {  	s29 =	sand.u32 $0x10, s30  }
0x4c: {  	s26 =	sshrl.u32 s26, $0x3;
	s30 =	sadd.s32 $0x130, s29;
	(ifvalue) =	ssetifvalue $0xFFFFFFFF  }
0x4d: {  	[tilespmem:s30], [sflag:$0x8] =	stream.indirect_vreg.gather [hbm4b:s1+s19], $0x1, v3, vm0, $0x4038;
	v3 =	vnsel vm5, $0xFFFFFFFE, v3;
	[tilespmem:$0x1B0] =	vst v63  }
0x4e: {  	s26 =	sadd.s32 s3, s26;
	s31 =	sadd.s32 $0x150, s29;
	[tilespmem:s28+$0xFFFFFFF0] =	vst v3  }
0x4f: {  	[tilespmem:s31], [sflag:$0x8] =	stream.linear.gather [hbm:s26], $0x10, $0x38;
	[tilespmem:$0x1B0] =	vst v63  }
.LBB2_3:
0x50: {  	p0 =	slt.u32 s24, $0x2  }
0x51: {  	p1 =	sge.u32 @!p0 s24, s11  }
0x52: {  	p0 =	por p0, p1  }
.Ltmp3:
0x53: {  	_ = 	snop;
	(pc) =	sbr.rel @p0 .LBB2_5-.Ltmp3, $1  }
0x54: {  	_ =	sdelay $0x3  }
0x55: {  	s26 =	smulhi.u32 $0xAAAAAAAB, s18;
	_ =	sdelay $0x1  }
0x56: {  	s26 =	sshrl.u32 s26, $0x1  }
0x57: {  	s26 =	smul.u32 $0xC0, s26;
	_ =	sdelay $0x1  }
0x58: {  	p0 =	sne.s32 s16, s24;
	s30 =	ssub.s32 $0xFFFFFF80, s26  }
0x59: {  	_ =	swait.ge [sflag:s8], $0x20;
	s26 =	sshra.s32 @!p0 s30, $0x2  }
0x5a: {  	[sflag:s8] =	ssyncset.done $0x0;
	s26 =	sadd.s32 @!p0 s26, s17  }
0x5b: {  	s28 =	simm.s32 @!p0 $0x1;
	[sflag:s8] =	ssyncadd.s32 $0xFFFFFFE0;
	s26 =	sadd.s32 @!p0 $0xF, s26  }
0x5c: {  	[spmem:s12] =	stream.linear.scatter @!p0 [tilespmem:s26], [sflag:$0x1], $0x1, $0x38;
	[tilespmem:$0x1B0] =	vst v63  }
0x5d: {  	_ =	swait.ge @!p0 [sflag:s28], $0x1  }
0x5e: {  	[sflag:s28] =	ssyncset.done @!p0 $0x0  }
0x5f: {  	s26 =	sand.u32 $0x10, s23;
	[sflag:s28] =	ssyncadd.s32 @!p0 $0xFFFFFFFF  }
0x60: {  	s31 =	sxor.u32 $0x10, s26;
	v3 =	vld [tilespmem:s26+$0x10]  }
0x61: {  	v4 =	vld [tilespmem:s31+$0x60]  }
0x62: {  	v5 =	vld [tilespmem:$0x80];
	_ =	sdelay $0x2  }
0x63: {  	(v2sf) =	vpush v3, $0x0  }
0x64: {  	(v2sf) =	vpush v4, $0x0  }
0x65: {  	(v2sf) =	vpush v5, $0x0;
	_ =	sdelay $0xc  }
0x66: {  	s0 =	spop (v2sf)  }
0x67: {  	s2 =	spop (v2sf)  }
0x68: {  	s29 =	spop (v2sf)  }
0x69: {  	p1 =	seq.s32 s0, s2;
	p2 =	seq.s32 s29, s0  }
0x6a: {  	p2 =	por p1, p2  }
0x6b: {  	v3 =	vpsel p2, $0xFFFFFFFF, v3  }
0x6c: {  	v56 =	vld [tilespmem:s26+$0x150];
	[tilespmem:s26+$0x10] =	vst.msk $0x1, v3  }
0x6d: {  	v3 =	vld [tilespmem:$0x30]  }
0x6e: {  	v6 =	vld [tilespmem:s26+$0x40];
	_ =	sdelay $0x3  }
0x6f: {  	vm3 =	vmmov vm1;
	v4 =	vadd.f32 v56, v3  }
0x70: {  	vm4 =	vmmov vm2;
	vm3 =	vmmov @p1 vm2;
	v3 =	vadd.f32 v6, v3  }
0x71: {  	vm4 =	vmmov @p2 vm1;
	[tilespmem:s26+$0x150] =	vst.msk vm3, v4  }
0x72: {  	[tilespmem:s26+$0x190] =	vst.msk vm4, v3  }
0x73: {  	v3 =	vld [tilespmem:s26+$0x130];
	_ =	sdelay $0x4  }
0x74: {  	v3 =	vshift.insert v3, v0, s21  }
0x75: {  	s2 =	sor.u32 $0x40, s31  }
0x76: {  	[tilespmem:s2+$0x0] =	vst.msk $0x1, v3;
	s2 =	sshra.s32 s30, $0x2  }
0x77: {  	[tilespmem:s26+$0x13F] =	vst.msk $0x1, v0;
	s0 =	sadd.s32 s2, s17  }
0x78: {  	v3 =	vld [tilespmem:s0+$0x0];
	_ =	sdelay $0x4  }
0x79: {  	v3 =	vshift.insert v3, v1, s21;
	_ =	sdelay $0x1  }
0x7a: {  	[tilespmem:s31+$0x10] =	vst.msk $0x1, v3  }
0x7b: {  	v4 =	vld [tilespmem:s26+$0x150]  }
0x7c: {  	v57 =	vld [tilespmem:s0+$0x0];
	_ =	sdelay $0x3  }
0x7d: {  	v4 =	vadd.f32 $0.0e+00, v4  }
0x7e: {  	vm3 =	vne.s32 v57, $0xFFFFFFFF  }
0x7f: {  	(xrf2) =	vadd.seg.scan.f32 vm3, v4;
	_ =	sdelay $0x3  }
0x80: {  	v58 =	vperm.xlane v3, v1  }
0x81: {  	v7 =	vld [tilespmem:s26+$0x130]  }
0x82: {  	vm14 =	veq.s32 v57, v58;
	vm3 =	veq.s32 v57, v5  }
0x83: {  	vm5 =	vgt.u32 v57, $0xFFFFFFFD;
	vm4 =	vmor vm14, vm3  }
0x84: {  	vm4 =	vmor vm4, vm5  }
0x85: {  	v59 =	vsel vm4, $0xFFFFFFFF, v57  }
0x86: {  	v61 =	vsel vm3, $0x0, v7;
	v60, _, _ =	vpop (xrf2)  }
0x87: {  	v6 =	vadd.f32 v60, v61  }
0x88: {  	v62 =	vld [tilespmem:$0xA0]  }
0x89: {  	s30 =	sadd.s32 $0x170, s26;
	v8 =	vld [tilespmem:$0x90];
	[tilespmem:s26+$0x170] =	vst v6;
	(ifvalue) =	ssetifvalue $0xFFFFFFFF  }
0x8a: {  	[hbm4b:s1+s19] =	stream.indirect_vreg.scatter [tilespmem:s30], [sflag:$0x2], $0x1, v59, vm0, $0x4038;
	[tilespmem:$0x1B0] =	vst v63  }
0x8b: {  	v4 =	vld [tilespmem:s26+$0x170];
	_ =	sdelay $0x4  }
0x8c: {  	v4 =	vshift.insert v4, v0, s21  }
0x8d: {  	vm15 =	veq.s32 v62, $0x1  }
0x8e: {  	vm4 =	vmor vm15, vm3;
	v5 =	vsel vm3, v60, v8;
	[tilespmem:s22+$0x0] =	vst.msk $0x1, v4  }
0x8f: {  	v63 =	vsel vm4, $0x1, v1;
	[tilespmem:$0x90] =	vst v5  }
0x90: {  	s0 =	sadd.s32 @!p0 $0x17F, s26;
	[tilespmem:$0xA0] =	vst v63  }
0x91: {  	[spmem:s13] =	stream.linear.scatter @!p0 [tilespmem:s0], [sflag:$0x1], $0x1, $0x38;
	[tilespmem:$0x1B0] =	vst v63  }
0x92: {  	v4 =	vmctz.xlane @!p0 vm4;
	_ =	swait.ge @!p0 [sflag:s28], $0x1  }
0x93: {  	(v2sf) =	vpush @!p0 v3, $0x0  }
0x94: {  	(v2sf) =	vpush @!p0 v4, $0x0;
	_ =	sdelay $0xd  }
0x95: {  	s0 =	spop @!p0 (v2sf)  }
0x96: {  	s2 =	spop @!p0 (v2sf)  }
0x97: {  	p1 =	sne.s32 @!p0 s29, s0;
	p2 =	slt.s32 @!p0 s2, $0xF  }
0x98: {  	[sflag:s28] =	ssyncset.done @!p0 $0x0;
	p1 =	por p1, p0;
	p2 =	por !p2, p0  }
0x99: {  	[sflag:s28] =	ssyncadd.s32 @!p0 $0xFFFFFFFF;
	v3 =	vimm.s32 @!p1 $0xFFFFFFFF;
	s2 =	simm.s32 @p2 $0xF  }
0x9a: {  	[tilespmem:$0x80] =	vst @!p1 v3;
	s0 =	sadd.s32 @!p0 $0x90, s2  }
0x9b: {  	[spmem:s10] =	stream.linear.scatter @!p0 [tilespmem:s0], [sflag:$0x1], $0x1, $0x38;
	[tilespmem:$0x1B0] =	vst v63  }
0x9c: {  	_ =	swait.ge @!p0 [sflag:s28], $0x1  }
0x9d: {  	[sflag:s28] =	ssyncset.done @!p0 $0x0  }
0x9e: {  	s0 =	simm.s32 @!p0 $0x80;
	[sflag:s28] =	ssyncadd.s32 @!p0 $0xFFFFFFFF  }
0x9f: {  	[spmem:s14] =	stream.linear.scatter @!p0 [tilespmem:s0], [sflag:$0x1], $0x1, $0x38;
	[tilespmem:$0x1B0] =	vst v63  }
0xa0: {  	_ =	swait.ge @!p0 [sflag:s28], $0x1  }
0xa1: {  	[sflag:s28] =	ssyncset.done @!p0 $0x0  }
0xa2: {  	[sflag:s28] =	ssyncadd.s32 @!p0 $0xFFFFFFFF;
	(ifvalue) =	ssetifvalue $0xFFFFFFFF;
	v3 =	vld [tilespmem:s26+$0x10];
	_ =	sdelay $0x3  }
.Ltmp4:
0xa3: {  	_ = 	snop;
	(pc) =	sbr.rel .LBB2_5-.Ltmp4, $3  }
0xa4: {  	_ =	sdelay $0x1  }
0xa5: {  	s31 =	sadd.s32 $0x190, s26;
	(ifvalue) =	ssetifvalue $0xFFFFFFFF  }
0xa6: {  	[hbm4b:s1+s19] =	stream.indirect_vreg.scatter [tilespmem:s31], [sflag:$0x9], $0x1, v3, vm0, $0x4038;
	[tilespmem:$0x1B0] =	vst v63  }
.LBB2_6:
0xa7: {  	_ =	sfence.sel $0x180000  }
0xa8: {  	s0 =	simm.s32 $0x7;
	[bflag:$0x0] =	sbarrier.arrive $0xFFFF  }
0xa9: {  	s26 =	simm.s32 $0x8;
	[sflag:s0] =	ssyncpa.u1 $0x1  }
0xaa: {  	s28 =	simm.s32 $0x9;
	[sflag:s26] =	ssyncpa.u1 $0x1  }
0xab: {  	[sflag:s28] =	ssyncpa.u1 $0x1  }
0xac: {  	_ =	sfence.stream.spmem  }
0xad: {  	s29 =	simm.s32 $0x3;
	[bflag:$0x0] =	sbarrier.arrive $0xFFFF  }
0xae: {  	s30 =	simm.s32 $0x4;
	[sflag:s29] =	ssyncpa.u1 $0x1  }
0xaf: {  	s31 =	simm.s32 $0x3C;
	s2 =	stileid.u32;
	[sflag:s30] =	ssyncpa.u1 $0x1  }
0xb0: {  	p0 =	sne.s32 s2, $0x0;
	[sflag:s31] =	ssyncpa.u1 $0x1  }
0xb1: {  	s0 =	simm.s32 @p0 $0x1;
	_ =	sfence @p0  }
0xb2: {  	[sflag:s0] =	ssyncpa.u1 @p0 $0x1;
	s0 =	simm.s32 @p0 $0x2  }
0xb3: {  	[sflag:s0] =	ssyncpa.u1 @p0 $0x1  }
0xb4: {  	_ =	strace @p0 $0x9000004D  }
0xb5: {  	[bflag:$0x2] =	sbarrier.arrive @p0 $0xFFFF  }
0xb6: {  	_ =	shalt @p0  }
.LBB2_7:
0xb7: {  	_ =	sfence.stream.spmem;
	s0 =	simm.s32 $0x5  }
0xb8: {  	s2 =	simm.s32 $0x80;
	s3 =	simm.s32 $0xC0;
	[sflag:s0] =	ssyncpa.u1 $0x0  }
0xb9: {  	[tilespmem:s3], [sflag:$0x5] =	stream.linear.gather [spmem:s2], $0x4, $0x38;
	[tilespmem:$0x1B0] =	vst v63  }
0xba: {  	s2 =	simm.s32 $0x0;
	s3 =	simm.s32 $0xE0  }
0xbb: {  	[tilespmem:s3], [sflag:$0x5] =	stream.linear.gather [spmem:s2], $0x4, $0x38;
	[tilespmem:$0x1B0] =	vst v63  }
.Ltmp5:
0xbc: {  	_ = 	snop;
	(pc) =	sbr.rel .LBB2_8-.Ltmp5, $4  }
0xbd: {  	_ =	swait.ge [sflag:s0], $0x8  }
0xbe: {  	[sflag:s0] =	ssyncset.done $0x0  }
0xbf: {  	s31 =	simm.s32 $0x6;
	[sflag:s0] =	ssyncadd.s32 $0xFFFFFFF8  }
0xc0: {  	s4 =	simm.s32 $0x0;
	[sflag:s31] =	ssyncpa.u1 $0x0  }
.LBB2_13:
0xc1: {  	p0 =	sgt.u32 s5, $0x63FFFF  }
0xc2: {  	s0 =	sshrl.u32 @!p0 s5, $0x3  }
0xc3: {  	s5 =	sand.u32 @!p0 $0x7, s5;
	s6 =	simm.s32 @!p0 $0xB0;
	s0 =	sadd.s32 @!p0 s1, s0  }
0xc4: {  	[tilespmem:s6], [sflag:$0x6] =	stream.linear.gather @!p0 [hbm4b:s0+s5], $0x1, $0x38;
	[tilespmem:$0x1B0] =	vst v63  }
0xc5: {  	s0 =	simm.s32 @!p0 $0x6  }
0xc6: {  	_ =	swait.ge @!p0 [sflag:s0], $0x1  }
0xc7: {  	[sflag:s0] =	ssyncset.done @!p0 $0x0  }
0xc8: {  	[sflag:s0] =	ssyncadd.s32 @!p0 $0xFFFFFFFF  }
0xc9: {  	v2 =	vmov @!p0 s4;
	v1 =	vld.msk @!p0 [tilespmem:$0xB0], $0x1;
	_ =	sdelay $0x3  }
0xca: {  	s0 =	simm.s32 @!p0 $0xE0  }
0xcb: {  	[tilespmem:v2+s0+$0x0], v1 =	vst.idx.ret.add.f32.msk @!p0 $0x1, v1  }
0xcc: {  	[tilespmem:s2+$0xC0] =	vst.msk $0x1, v0  }
0xcd: {  	v0 =	vld.msk [tilespmem:s4+$0xE0], $0x1;
	_ =	sdelay $0x4  }
0xce: {  	[tilespmem:s2+$0xE0] =	vst.msk $0x1, v0;
	s2 =	sadd.s32 $0x1, s2  }
.LBB2_15:
0xcf: {  	s4 =	sadd.s32 $0x1, s4  }
0xd0: {  	p0 =	sne.s32 s4, $0x4  }
.Ltmp6:
0xd1: {  	_ = 	snop;
	(pc) =	sbr.rel @!p0 .LBB2_16-.Ltmp6, $1  }
0xd2: {  	_ =	sdelay $0x3  }
.LBB2_8:
0xd3: {  	v0 =	vld.msk [tilespmem:s4+$0xC0], $0x1;
	_ =	sdelay $0x4  }
0xd4: {  	(v2sf) =	vpush v0, $0x0;
	_ =	sdelay $0xe  }
0xd5: {  	s5 =	spop (v2sf)  }
0xd6: {  	p0 =	seq.s32 s5, $0xFFFFFFFF  }
.Ltmp7:
0xd7: {  	_ = 	snop;
	(pc) =	sbr.rel @p0 .LBB2_15-.Ltmp7, $1  }
0xd8: {  	_ =	sdelay $0x3  }
0xd9: {  	p0 =	slt.s32 s2, $0x1  }
.Ltmp8:
0xda: {  	_ = 	snop;
	(pc) =	sbr.rel @p0 .LBB2_13-.Ltmp8, $1  }
0xdb: {  	_ =	sdelay $0x3  }
0xdc: {  	s6 =	simm.s32 $0xC0;
	p0 =	por $0x0, $0x0  }
0xdd: {  	v1 =	vld.msk @!p0 [tilespmem:s6+$0x0], $0x1;
	_ =	sdelay $0x4  }
0xde: {  	(v2sf) =	vpush @!p0 v1, $0x0;
	_ =	sdelay $0xd  }
0xdf: {  	p2 =	sne.s32 s2, $0x1  }
.Ltmp9:
0xe0: {  	s0 =	spop @!p0 (v2sf);
	(pc) =	sbr.rel @!p2 .LBB2_12-.Ltmp9, $4  }
0xe1: {  	p1 =	seq.s32 @!p0 s5, s0  }
0xe2: {  	s7 =	simm.s32 $0x0;
	p1 =	por !p1, p0  }
0xe3: {  	s0 =	simm.s32 $0xFFFFFFFF;
	s7 =	simm.s32 @p1 $0xFFFFFFFF  }
0xe4: {  	s8 =	simm.s32 $0x1;
	s7 =	smov.u32 @p0 s0  }
.LBB2_11:
0xe5: {  	s0 =	smov.u32 s7;
	p0 =	sne.s32 s7, $0xFFFFFFFF  }
0xe6: {  	s6 =	sadd.s32 $0x1, s6;
	s7 =	smov.u32 s8;
	s8 =	sadd.s32 $0x1, s8  }
0xe7: {  	p1 =	sne.s32 s2, s8;
	v1 =	vld.msk @!p0 [tilespmem:s6+$0x0], $0x1;
	_ =	sdelay $0x4  }
0xe8: {  	(v2sf) =	vpush @!p0 v1, $0x0;
	_ =	sdelay $0xe  }
.Ltmp10:
0xe9: {  	s9 =	spop @!p0 (v2sf);
	(pc) =	sbr.rel @p1 .LBB2_11-.Ltmp10, $4  }
0xea: {  	p2 =	seq.s32 @!p0 s5, s9  }
0xeb: {  	p2 =	por !p2, p0  }
0xec: {  	s7 =	simm.s32 @p2 $0xFFFFFFFF  }
0xed: {  	s7 =	smov.u32 @p0 s0  }
.LBB2_12:
0xee: {  	p0 =	sne.s32 s7, $0xFFFFFFFF  }
.Ltmp11:
0xef: {  	_ = 	snop;
	(pc) =	sbr.rel @!p0 .LBB2_13-.Ltmp11, $1  }
0xf0: {  	_ =	sdelay $0x3  }
0xf1: {  	v0 =	vld.msk [tilespmem:s4+$0xE0], $0x1;
	v1 =	vmov s7  }
.Ltmp12:
0xf2: {  	_ = 	snop;
	(pc) =	sbr.rel .LBB2_15-.Ltmp12, $2  }
0xf3: {  	_ =	sdelay $0x2  }
0xf4: {  	[tilespmem:v1+s3+$0x0], v0 =	vst.idx.ret.add.f32.msk $0x1, v0  }
.LBB2_16:
0xf5: {  	p0 =	slt.s32 s2, $0x1  }
.Ltmp13:
0xf6: {  	_ = 	snop;
	(pc) =	sbr.rel @p0 .LBB2_20-.Ltmp13, $3  }
0xf7: {  	_ =	sdelay $0x1  }
0xf8: {  	s0 =	simm.s32 $0x6  }
0xf9: {  	s3 =	simm.s32 $0x0;
	[sflag:s0] =	ssyncpa.u1 $0x1  }
0xfa: {  	s0 =	simm.s32 $0xC0  }
0xfb: {  	v0 =	vld.msk [tilespmem:s0+$0x0], $0x1;
	_ =	sdelay $0x4  }
0xfc: {  	(v2sf) =	vpush v0, $0x0;
	_ =	sdelay $0xd  }
0xfd: {  	s2 =	sadd.s32 $0xFFFFFFFF, s2  }
0xfe: {  	p1 =	sne.s32 s2, $0x0;
	s0 =	spop (v2sf)  }
.Ltmp14:
0xff: {  	p0 =	sgt.u32 s0, $0x63FFFF;
	(pc) =	sbr.rel @!p1 .LBB2_19-.Ltmp14, $4  }
0x100: {  	s4 =	simm.s32 $0xE0;
	s5 =	sshrl.u32 @!p0 s0, $0x3  }
0x101: {  	s6 =	simm.s32 $0x0;
	s0 =	sand.u32 @!p0 $0x7, s0;
	s5 =	sadd.s32 @!p0 s1, s5  }
0x102: {  	[hbm4b:s5+s0] =	stream.linear.scatter @!p0 [tilespmem:s4], [sflag:$0x5], $0x1, $0x38;
	[tilespmem:$0x1B0] =	vst v63  }
0x103: {  	s6 =	simm.s32 @!p0 $0x4;
	s5 =	simm.s32 $0xC1  }
.LBB2_18:
0x104: {  	v0 =	vld.msk [tilespmem:s5+$0x0], $0x1;
	s2 =	sadd.s32 $0xFFFFFFFF, s2;
	s3 =	sadd.s32 s3, s6  }
0x105: {  	p0 =	sne.s32 s2, $0x0;
	_ =	sdelay $0x3  }
0x106: {  	(v2sf) =	vpush v0, $0x0;
	_ =	sdelay $0xe  }
.Ltmp15:
0x107: {  	s0 =	spop (v2sf);
	(pc) =	sbr.rel @p0 .LBB2_18-.Ltmp15, $4  }
0x108: {  	s6 =	simm.s32 $0x0;
	p1 =	sgt.u32 s0, $0x63FFFF  }
0x109: {  	s4 =	sadd.s32 $0x1, s4;
	s6 =	simm.s32 @!p1 $0x4;
	s7 =	sshrl.u32 @!p1 s0, $0x3  }
0x10a: {  	s5 =	sadd.s32 $0x1, s5;
	s0 =	sand.u32 @!p1 $0x7, s0;
	s7 =	sadd.s32 @!p1 s1, s7  }
0x10b: {  	[hbm4b:s7+s0] =	stream.linear.scatter @!p1 [tilespmem:s4], [sflag:$0x5], $0x1, $0x38;
	[tilespmem:$0x1B0] =	vst v63  }
.LBB2_19:
0x10c: {  	s0 =	sadd.s32 s3, s6  }
0x10d: {  	s3 =	sshrl.u32 s0, $0x2  }
.LBB2_20:
0x10e: {  	s0 =	simm.s32 $0x5  }
0x10f: {  	_ =	swait.ge [sflag:s0], s3  }
0x110: {  	s1 =	ssub.s32 $0x0, s3;
	[sflag:s0] =	ssyncset.done $0x0  }
0x111: {  	[sflag:s0] =	ssyncadd.s32 s1  }
0x112: {  	[sflag:s0] =	ssyncpa.u1 $0x1  }
0x113: {  	s29 =	simm.s32 $0x1;
	_ =	sfence  }
0x114: {  	s30 =	simm.s32 $0x2;
	[sflag:s29] =	ssyncpa.u1 $0x1  }
0x115: {  	[sflag:s30] =	ssyncpa.u1 $0x1  }
0x116: {  	_ =	strace $0x9000004D  }
0x117: {  	[bflag:$0x2] =	sbarrier.arrive $0xFFFF  }
0x118: {  	s31 =	rddreg [dreg:$0x1]  }
0x119: {  	s0 =	sadd.s32 $0x100000, s31  }
0x11a: {  	[sflag:s0] =	ssyncadd.tile.s32 $0x1;
	_ =	shalt  }
.Lfunc_end2:
_tile_overlayer_lowered:
.L_overlay_start_2:
0x11b: {  	(tag) =	ssettag $0x2  }
0x11c: {  	s0 =	rddreg [dreg:$0x0];
	s2 =	stileid.u32  }
0x11d: {  	s1 =	rddreg [dreg:$0x1];
	p0 =	sne.s32 s2, $0x0  }
0x11e: {  	s3 =	rddreg [dreg:$0x2];
	[bflag:$0x3] =	sbarrier.arrive $0xFFFF;
	s2 =	simm.s32 @!p0 $0x1C01  }
0x11f: {  	[timem:s3], [sflag:s2] =	dma.local @!p0 [hbm:s0], s1  }
0x120: {  	s0 =	simm.s32 @!p0 $0x1  }
0x121: {  	_ =	swait.ge @!p0 [sflag:s0], s1  }
0x122: {  	s1 =	ssub.s32 @!p0 $0x0, s1;
	[sflag:s0] =	ssyncset.done @!p0 $0x0  }
0x123: {  	[sflag:s0] =	ssyncadd.s32 @!p0 s1  }
0x124: {  	[bflag:$0x3] =	sbarrier.arrive $0xFFFF  }
0x125: {  	_ =	shalt  }

// kernel: scatter_offload_async_start
scs
__scs_entry_jumppad:
0x0: {  	(pc) =	sbr.rel $0x88, $3  }
0x1: {  	(tag) =	ssettag $0x0;
	lr =	simm.s32 $0x1  }
0x2: {  	[smem:$0x3F97] =	sst lr;
	_ =	strace $0xD0000000  }
0x3: {  	_ = 	snop  }
0x4: {  	_ = 	snop  }
0x5: {  	_ = 	snop  }
0x6: {  	_ = 	snop  }
0x7: {  	_ = 	snop  }
__scs_overlays_trampoline_lowered:
0x8: {  	[smem:$0x3FA6] =	sst s0  }
0x9: {  	[smem:$0x3FA7] =	sst s1  }
0xa: {  	[smem:$0x3FA8] =	sst s2  }
0xb: {  	[smem:$0x3FA9] =	sst s3  }
0xc: {  	[smem:$0x3FAA] =	sst s4  }
0xd: {  	[smem:$0x3FAB] =	sst s5  }
0xe: {  	[smem:$0x3FAC] =	sst s6  }
0xf: {  	[smem:$0x3FAD] =	sst s7  }
0x10: {  	[smem:$0x3FAE] =	sst s8  }
0x11: {  	[smem:$0x3FAF] =	sst s9;
	s0 =	simm.s32 @!p0 $0x0  }
0x12: {  	s1 =	sld [smem:$0x3F95];
	s0 =	simm.s32 @p0 $0x1  }
0x13: {  	[smem:$0x3FB0] =	sst s0;
	s0 =	simm.s32 @!p1 $0x0  }
0x14: {  	s2 =	sld [smem:$0x3F94];
	s0 =	simm.s32 @p1 $0x1  }
0x15: {  	[smem:$0x3FB1] =	sst s0;
	s0 =	simm.s32 @!p2 $0x0  }
0x16: {  	s3 =	sld [smem:$0x3FDB];
	s0 =	simm.s32 @p2 $0x1  }
0x17: {  	s4 =	simm.s32 $0x1BF5;
	[smem:$0x3FB3] =	sst s0  }
0x18: {  	s0 =	sld [smem:$0x3F96];
	_ =	swait.ge [sflag:s4], $0x0  }
0x19: {  	s7 =	sld [smem:$0x3F97]  }
0x1a: {  	s8 =	sadd.s32 $0xFFFFE003, lr  }
0x1b: {  	s9 =	sadd.s32 $0xFFFFFEF7, lr;
	s5 =	simm.s32 $0xFFFFFFFF;
	p2 =	slt.u32 s8, $0xFFFFF086  }
0x1c: {  	p1 =	slt.u32 s9, $0xF7A;
	s5 =	simm.s32 @!p2 $0x0  }
0x1d: {  	s5 =	simm.s32 @p1 $0x1;
	p0 =	seq.s32 s7, s2  }
0x1e: {  	s7 =	smul.u32 @!p0 $0xF7A, s2;
	p2 =	seq.s32 @!p0 s5, $0x0  }
0x1f: {  	s9 =	smul.u32 $0xF7A, s1;
	s8 =	simm.s32 @!p0 $0x1BF5;
	p2 =	por !p2, p0  }
0x20: {  	[sflag:s8] =	ssyncset.s32 @!p0 $0xFFFFF086;
	s6 =	sadd.s32 @!p0 s3, s7;
	s7 =	simm.s32 @!p0 $0x108  }
0x21: {  	s3 =	sadd.s32 s3, s9;
	s6 =	sadd.s32 @!p0 $0x88, s6;
	s7 =	simm.s32 @p2 $0x1082  }
0x22: {  	[simem:s7], [sflag:s8] =	dma.local @!p0 [hbm:s6], $0xF7A  }
0x23: {  	s9 =	sor.u32 $0xD0000000, s2;
	s6 =	simm.s32 $0x108;
	_ =	swait.ge @!p0 [sflag:s8], $0x0  }
0x24: {  	s3 =	sadd.s32 $0x88, s3;
	s6 =	simm.s32 @!p1 $0x1082;
	[sflag:s4] =	ssyncset.s32 $0xFFFFF086  }
0x25: {  	[simem:s6], [sflag:s4] =	dma.local [hbm:s3], $0xF7A  }
0x26: {  	[smem:$0x3F97] =	sst s1;
	(tag) =	ssettag s2;
	_ =	strace s9  }
0x27: {  	s1 =	sld [smem:$0x3FA7]  }
0x28: {  	s2 =	sld [smem:$0x3FA8]  }
0x29: {  	s4 =	sld [smem:$0x3FAA]  }
0x2a: {  	p0 =	seq.s32 s5, $0x0;
	s5 =	sld [smem:$0x3FAB]  }
0x2b: {  	s6 =	sld [smem:$0x3FAC]  }
0x2c: {  	s7 =	sld [smem:$0x3FAD]  }
0x2d: {  	s3 =	simm.s32 $0x108;
	s8 =	sld [smem:$0x3FAE]  }
0x2e: {  	s3 =	simm.s32 @!p0 $0x1082;
	s9 =	sld [smem:$0x3FAF]  }
0x2f: {  	lr =	sadd.s32 s0, s3;
	s0 =	sld [smem:$0x3FA6]  }
0x30: {  	s3 =	sld [smem:$0x3FA9]  }
0x31: {  	[smem:$0x3FB2] =	sst s10  }
0x32: {  	s10 =	sld [smem:$0x3FB0];
	_ =	sdelay $0x3  }
0x33: {  	p0 =	seq.s32 s10, $0x1;
	s10 =	sld [smem:$0x3FB2];
	_ =	sdelay $0x3  }
0x34: {  	[smem:$0x3FB2] =	sst s10  }
0x35: {  	s10 =	sld [smem:$0x3FB1];
	_ =	sdelay $0x3  }
0x36: {  	p1 =	seq.s32 s10, $0x1;
	s10 =	sld [smem:$0x3FB2];
	_ =	sdelay $0x3  }
0x37: {  	[smem:$0x3FB2] =	sst s10  }
0x38: {  	s10 =	sld [smem:$0x3FB3]  }
0x39: {  	_ = 	snop;
	(pc) =	sbr.ind lr, $3  }
0x3a: {  	_ = 	snop  }
0x3b: {  	_ = 	snop  }
0x3c: {  	p2 =	seq.s32 s10, $0x1;
	s10 =	sld [smem:$0x3FB2]  }
0x3d: {  	_ =	shalt  }
0x3e: {  	_ =	shalt  }
0x3f: {  	_ =	shalt  }
0x40: {  	_ =	shalt  }
0x41: {  	_ =	shalt  }
0x42: {  	_ =	shalt  }
0x43: {  	_ =	shalt  }
0x44: {  	_ =	shalt  }
0x45: {  	_ =	shalt  }
0x46: {  	_ =	shalt  }
0x47: {  	_ =	shalt  }
0x48: {  	_ =	shalt  }
0x49: {  	_ =	shalt  }
0x4a: {  	_ =	shalt  }
0x4b: {  	_ =	shalt  }
0x4c: {  	_ =	shalt  }
0x4d: {  	_ =	shalt  }
0x4e: {  	_ =	shalt  }
0x4f: {  	_ =	shalt  }
0x50: {  	_ =	shalt  }
0x51: {  	_ =	shalt  }
0x52: {  	_ =	shalt  }
0x53: {  	_ =	shalt  }
0x54: {  	_ =	shalt  }
0x55: {  	_ =	shalt  }
0x56: {  	_ =	shalt  }
0x57: {  	_ =	shalt  }
0x58: {  	_ =	shalt  }
0x59: {  	_ =	shalt  }
0x5a: {  	_ =	shalt  }
0x5b: {  	_ =	shalt  }
0x5c: {  	_ =	shalt  }
0x5d: {  	_ =	shalt  }
0x5e: {  	_ =	shalt  }
0x5f: {  	_ =	shalt  }
0x60: {  	_ =	shalt  }
0x61: {  	_ =	shalt  }
0x62: {  	_ =	shalt  }
0x63: {  	_ =	shalt  }
0x64: {  	_ =	shalt  }
0x65: {  	_ =	shalt  }
0x66: {  	_ =	shalt  }
0x67: {  	_ =	shalt  }
0x68: {  	_ =	shalt  }
0x69: {  	_ =	shalt  }
0x6a: {  	_ =	shalt  }
0x6b: {  	_ =	shalt  }
0x6c: {  	_ =	shalt  }
0x6d: {  	_ =	shalt  }
0x6e: {  	_ =	shalt  }
0x6f: {  	_ =	shalt  }
0x70: {  	_ =	shalt  }
0x71: {  	_ =	shalt  }
0x72: {  	_ =	shalt  }
0x73: {  	_ =	shalt  }
0x74: {  	_ =	shalt  }
0x75: {  	_ =	shalt  }
0x76: {  	_ =	shalt  }
0x77: {  	_ =	shalt  }
0x78: {  	_ =	shalt  }
0x79: {  	_ =	shalt  }
0x7a: {  	_ =	shalt  }
0x7b: {  	_ =	shalt  }
0x7c: {  	_ =	shalt  }
0x7d: {  	_ =	shalt  }
0x7e: {  	_ =	shalt  }
0x7f: {  	_ =	shalt  }
0x80: {  	_ =	shalt  }
0x81: {  	_ =	shalt  }
0x82: {  	_ =	shalt  }
0x83: {  	_ =	shalt  }
0x84: {  	_ =	shalt  }
0x85: {  	_ =	shalt  }
0x86: {  	_ =	shalt  }
0x87: {  	_ =	shalt  }
.Lfunc_end0:
.L_simem_size_0:
called_computation_lowered:
.L_overlay_start_0:
0x88: {  	s0 =	sld [smem:$0x3FD9]  }
0x89: {  	s1 =	sld [smem:$0x3FFE];
	_ =	sdelay $0x3  }
0x8a: {  	s0 =	sadd.s32 s1, s0  }
0x8b: {  	[smem:$0x3FBE] =	sst s0  }
0x8c: {  	_ = 	snop  }
0x8d: {  	(tm) =	ssettm $0x1  }
0x8e: {  	s15 =	sld [smem:$0x3FFB];
	_ =	sdelay $0x3  }
0x8f: {  	_ =	strace s15  }
0x90: {  	s0 =	sld [smem:$0x3FFC];
	_ =	sdelay $0x3  }
0x91: {  	_ =	strace s0  }
0x92: {  	s0 =	sld [smem:$0x3FFD];
	_ =	sdelay $0x3  }
0x93: {  	_ =	strace s0  }
0x94: {  	_ =	strace $0x8FFFFFFF  }
0x95: {  	s16 =	sld [smem:$0x3FDB];
	_ =	sdelay $0x1  }
0x96: {  	s17 =	simm.s32 $_scs_section_size  }
0x97: {  	s2 =	simm.s32 $_size__tile_overlayer_lowered;
	s3 =	simm.s32 $_tile_overlayer_lowered  }
0x98: {  	s20 =	simm.s32 $0x1BFF;
	s19 =	sshll.u32 s3, $0x1;
	s0 =	sadd.s32 s17, s16  }
0x99: {  	s4 =	simm.s32 $0x0;
	s18 =	sshll.u32 s2, $0x1;
	s2 =	sadd.s32 s19, s0  }
0x9a: {  	[timem:s4], [sflag:s20] =	dma.local [hbm:s2], s18  }
0x9b: {  	_ =	swait.ge [sflag:s20], s18  }
0x9c: {  	s1 =	ssub.s32 $0x0, s18;
	[sflag:s20] =	ssyncset.done $0x0  }
0x9d: {  	[sflag:s20] =	ssyncadd.s32 s1;
	_ =	sdelay $0x1  }
0x9e: {  	s21 =	simm.s32 $0x1B8B  }
0x9f: {  	_ =	swait.ge [sflag:s21], $0x1  }
0xa0: {  	[sflag:s21] =	ssyncset.done $0x0  }
0xa1: {  	s23 =	simm.s32 $0x1B8E;
	s22 =	sld [smem:$0x3FFE];
	[sflag:s21] =	ssyncadd.s32 $0xFFFFFFFF  }
0xa2: {  	s24 =	simm.s32 $execute0_lowered;
	[smem:$0x3FD2] =	sst s23  }
0xa3: {  	s2 =	sshll.u32 s24, $0x1;
	_ =	strace $0x80000049;
	[dreg:$0x1] =	wrdreg $0xFFFFFFFF  }
0xa4: {  	s25 =	simm.s32 $_size_execute0_lowered;
	s0 =	sadd.s32 s0, s2;
	[dreg:$0x0] =	wrdreg $0x0  }
0xa5: {  	s2 =	sshll.u32 s25, $0x1;
	[dreg:$0x2] =	wrdreg s0  }
0xa6: {  	[dreg:$0x3] =	wrdreg s2  }
0xa7: {  	[dreg:$0x4] =	wrdreg $0xC0  }
0xa8: {  	_ =	task [dreg:s4], $0x5FFFF  }
0xa9: {  	[dreg:$0x1] =	wrdreg $0xFFFFFFFF  }
0xaa: {  	[dreg:$0x0] =	wrdreg $0x60  }
0xab: {  	[dreg:$0x2] =	wrdreg s22  }
0xac: {  	[dreg:$0x3] =	wrdreg $0x9  }
0xad: {  	_ =	task.clear_ibuf [dreg:s4], $0x4FFFF;
	_ =	strace $0x90000049  }
0xae: {  	s26 =	simm.s32 $0x9;
	_ =	strace $0x8000004B  }
0xaf: {  	_ =	swait.ge [sflag:s26], $0x1  }
0xb0: {  	[sflag:s26] =	ssyncadd.s32 $0xFFFFFFFF  }
0xb1: {  	_ =	strace $0x9000004B  }
0xb2: {  	_ =	sfence  }
0xb3: {  	s28 =	sld [smem:$0x0];
	_ =	sdelay $0x1  }
0xb4: {  	s29 =	srdreg.scid  }
0xb5: {  	s30 =	sshll.u32 s29, $0xD;
	s31 =	sshrl.u32 s29, $0x2  }
0xb6: {  	s1 =	sand.u32 $0x1, s29;
	s2 =	sand.u32 $0x4000, s30;
	s0 =	sadd.s32 s31, s28  }
0xb7: {  	s1 =	sor.u32 s2, s1;
	s0 =	sshll.u32 s0, $0x11  }
0xb8: {  	s0 =	sor.u32 s0, s1  }
0xb9: {  	s0 =	sadd.s32 $0x8F2B, s0  }
0xba: {  	[sflag:s0] =	ssyncadd.remote.s32 $0x1  }
0xbb: {  	_ =	sfence.sel $0xFFFF  }
0xbc: {  	[dreg:$0x0] =	wrdreg $0xFFFFFFFF;
	(pc) =	sbr.abs _section_cstart, $3  }
0xbd: {  	[dreg:$0x1] =	wrdreg $0xFFFFFFFF  }
0xbe: {  	_ =	task.clear_ibuf [dreg:s4], $0x2FFFF;
	_ =	strace $0x9FFFFFFF  }
0xbf: {  	(tm) =	ssettm $0x7FFFFFFF  }
tec
execute0_lowered:
.L_overlay_start_1:
0x0: {  	(tag) =	ssettag $0x1  }
0x1: {  	s5 =	rddreg [dreg:$0x0];
	_ =	strace $0x8000004A;
	s1 =	simm.s32 $0x1  }
0x2: {  	v1 =	vimm.s32 $0xFFFFFFFF;
	[sflag:s1] =	ssyncpa.u1 $0x0  }
0x3: {  	[tilespmem:$0x10] =	vst v1  }
0x4: {  	v0 =	vimm.f32 $0.0e+00;
	[tilespmem:$0x20] =	vst v1  }
0x5: {  	s0 =	stileid.u32;
	s6 =	simm.s32 $0x10;
	[tilespmem:$0x30] =	vst v0  }
0x6: {  	s7 =	simm.s32 $0x2;
	s8 =	simm.s32 $0x8;
	s10 =	simm.s32 $0x9;
	[tilespmem:$0x40] =	vst v0  }
0x7: {  	s17 =	simm.s32 $0x100;
	s18 =	simm.s32 $0xFFFFFFFE;
	s19 =	simm.s32 $0x0;
	[tilespmem:$0x50] =	vst v0  }
0x8: {  	s20 =	simm.s32 $0xFFFFFFFF;
	s21 =	simm.s32 $0xF;
	s22 =	simm.s32 $0x30;
	[tilespmem:$0x60] =	vst v1  }
0x9: {  	s23 =	simm.s32 $0x0;
	s26 =	simm.s32 $0x0;
	s24 =	simm.s32 $0x0;
	[tilespmem:$0x70] =	vst v1  }
0xa: {  	s31 =	smin.u32 s0, $0x2;
	p0 =	slt.u32 s0, $0x2;
	s1 =	sadd.s32 $0x1E8400, s5;
	[tilespmem:$0x80] =	vst v1  }
0xb: {  	s4 =	sadd.s32 $0x200, s5;
	v1 =	vimm.s32 $0x0;
	s3 =	sshll.u32 s31, $0x4;
	s6 =	simm.s32 @!p0 $0x0;
	[tilespmem:$0xB0] =	vst v0  }
0xc: {  	s5 =	sadd.s32 $0x400, s5;
	s13 =	sshllo.u32 s0, $0x1;
	[tilespmem:$0x90] =	vst v1;
	s6 =	sadd.s32 s6, s3  }
0xd: {  	[tilespmem:$0xA0] =	vst v1;
	[sflag:s7] =	ssyncpa.u1 $0x0;
	s7 =	simm.s32 $0x7;
	s6 =	smin.u32 s6, $0x20  }
.Ltmp0:
0xe: {  	[sflag:s7] =	ssyncpa.u1 $0x0;
	s9 =	ssub.s32 s6, s3;
	(pc) =	sbr.rel .LBB2_1-.Ltmp0, $4  }
0xf: {  	s25 =	smov.u32 s3;
	[sflag:s8] =	ssyncpa.u1 $0x0;
	p0 =	sgt.s32 s9, $0x0  }
0x10: {  	[sflag:s10] =	ssyncpa.u1 $0x0;
	s10 =	sshll.u32 s0, $0x1;
	s9 =	simm.s32 @!p0 $0x0  }
0x11: {  	vm0 =	vmmov $0xffff;
	s12 =	sor.u32 $0x81, s10;
	s14 =	sor.u32 $0x80, s10;
	s9 =	sshrl.u32 s9, $0x4  }
0x12: {  	v2 =	vlaneseq.u32;
	vm1 =	vmxor vm1, vm1;
	vm2 =	vmmov $0x1;
	s11 =	sadd.s32 $0x2, s9;
	s15 =	sadd.s32 $0x3, s9;
	s16 =	sadd.s32 $0x1, s9  }
.LBB2_5:
0x13: {  	p0 =	slt.u32 s24, $0x3  }
0x14: {  	s0 =	simm.s32 @!p0 $0x2  }
0x15: {  	_ =	swait.ge @!p0 [sflag:s0], $0x10  }
0x16: {  	[sflag:s0] =	ssyncset.done @!p0 $0x0  }
0x17: {  	[sflag:s0] =	ssyncadd.s32 @!p0 $0xFFFFFFF0;
	s0 =	simm.s32 @!p0 $0x9  }
0x18: {  	_ =	swait.ge @!p0 [sflag:s0], $0x10  }
0x19: {  	s2 =	sadd.s32 $0x10, s25;
	s24 =	sadd.s32 $0x1, s24;
	[sflag:s0] =	ssyncset.done @!p0 $0x0  }
0x1a: {  	[sflag:s0] =	ssyncadd.s32 @!p0 $0xFFFFFFF0;
	p0 =	slt.s32 s2, s6;
	s0 =	smov.u32 s3  }
0x1b: {  	s0 =	smov.u32 @p0 s2;
	p0 =	sne.s32 s15, s24  }
.Ltmp1:
0x1c: {  	_ = 	snop;
	(pc) =	sbr.rel @!p0 .LBB2_6-.Ltmp1, $3  }
0x1d: {  	_ =	sdelay $0x1  }
0x1e: {  	s17 =	sadd.s32 $0x10, s17;
	s26 =	smov.u32 s25;
	s18 =	sadd.s32 $0x1, s18  }
0x1f: {  	s23 =	sadd.s32 $0x10, s23;
	s20 =	sadd.s32 $0x1, s20;
	s25 =	smov.u32 s0  }
.LBB2_1:
0x20: {  	s28 =	smulhi.u32 $0xAAAAAAAB, s24;
	_ =	sdelay $0x1  }
0x21: {  	s28 =	sshrl.u32 s28, $0x1  }
0x22: {  	s28 =	smul.u32 $0xFFFFFF40, s28  }
0x23: {  	p0 =	sge.u32 s24, s9  }
0x24: {  	s31 =	sadd.s32 $0xFFFFFFFF, s24;
	s29 =	sshrl.u32 @!p0 s25, $0x3;
	s28 =	sshra.s32 @!p0 s28, $0x2  }
0x25: {  	s30 =	sand.u32 @!p0 $0x7, s25;
	s29 =	sadd.s32 @!p0 s4, s29;
	s28 =	sadd.s32 @!p0 s28, s17  }
0x26: {  	[tilespmem:s28], [sflag:$0x7] =	stream.linear.gather @!p0 [hbm4b:s29+s30], $0x10, $0x38;
	[tilespmem:$0x1B0] =	vst v63  }
0x27: {  	p0 =	sge.u32 s31, s9  }
.Ltmp2:
0x28: {  	_ = 	snop;
	(pc) =	sbr.rel @p0 .LBB2_3-.Ltmp2, $1  }
0x29: {  	_ =	sdelay $0x3  }
0x2a: {  	s28 =	smulhi.u32 $0xAAAAAAAB, s20;
	_ =	sdelay $0x1  }
0x2b: {  	s28 =	sshrl.u32 s28, $0x1  }
0x2c: {  	s28 =	smul.u32 $0xFFFFFF40, s28;
	_ =	sdelay $0x1  }
0x2d: {  	_ =	swait.ge [sflag:s7], $0x10;
	s28 =	sshra.s32 s28, $0x2  }
0x2e: {  	[sflag:s7] =	ssyncset.done $0x0;
	s28 =	sadd.s32 s28, s17  }
0x2f: {  	[sflag:s7] =	ssyncadd.s32 $0xFFFFFFF0;
	(ifvalue) =	ssetifvalue $0xFFFFFFFF;
	v3 =	vld.msk [tilespmem:s28+$0xFFFFFFF0 ss:$0x1], $0xffff;
	_ =	sdelay $0x4  }
0x30: {  	vm3 =	veq.s32 v3, $0x80000000;
	v4 =	vand.u32 $0x1F, v3;
	v3 =	vshrl.u32 v3, $0x5  }
0x31: {  	v4 =	vsel vm3, $0xFFFFFFFF, v4;
	v3 =	vand.u32 $0x3FFFF, v3  }
0x32: {  	v3 =	vsel vm3, $0xFFFFFFFF, v3;
	v5 =	vshrl.u32 v4, $0x3  }
0x33: {  	v4 =	vshll.u32 v4, $0x7;
	v5 =	vmul.u32 $0x190000, v5;
	v6 =	vshll.u32 v3, $0x3  }
0x34: {  	v3 =	vand.u32 $0x7F, v3;
	v4 =	vand.u32 $0x380, v4;
	v6 =	vand.u32 $0xFFFFFC00, v6  }
0x35: {  	p0 =	sne.s32 s24, $0x1;
	v3 =	vor.u32 v3, v4;
	v5 =	vadd.s32 v5, v6  }
0x36: {  	v4 =	vimm.s32 @!p0 $0x0;
	v3 =	vor.u32 v5, v3  }
0x37: {  	v4 =	vperm.xlane @!p0 v3, v4  }
0x38: {  	vm3 =	vlt.u32 v5, $0x640000  }
0x39: {  	s29 =	sand.u32 $0x10, s23;
	v3 =	vnsel vm3, $0xFFFFFFFE, v3;
	vm3 =	vlt.u32 @!p0 v4, $0x640000  }
0x3a: {  	[tilespmem:s29+$0x60] =	vst v3;
	v3 =	vnsel @!p0 vm3, $0xFFFFFFFE, v4  }
0x3b: {  	s2 =	sadd.s32 $0xFFFFFFF0, s28;
	[tilespmem:$0x80] =	vst @!p0 v3  }
0x3c: {  	v3 =	vld.msk [tilespmem:s2+$0x0 ss:$0x1], $0xffff;
	_ =	sdelay $0x4  }
0x3d: {  	vm3 =	veq.s32 v3, $0x80000000;
	v60 =	vand.u32 $0x1F, v3;
	v3 =	vshrl.u32 v3, $0x5  }
0x3e: {  	v4 =	vsel vm3, $0xFFFFFFFF, v60;
	v3 =	vand.u32 $0x3FFFF, v3  }
0x3f: {  	v3 =	vsel vm3, $0xFFFFFFFF, v3;
	v61 =	vshrl.u32 v4, $0x3  }
0x40: {  	v4 =	vshll.u32 v4, $0x7;
	v5 =	vmul.u32 $0x190000, v61;
	v62 =	vshll.u32 v3, $0x3  }
0x41: {  	v3 =	vand.u32 $0x7F, v3;
	v4 =	vand.u32 $0x380, v4;
	v6 =	vand.u32 $0xFFFFFC00, v62  }
0x42: {  	v3 =	vor.u32 v3, v4;
	v5 =	vadd.s32 v5, v6  }
0x43: {  	v3 =	vor.u32 v5, v3  }
0x44: {  	(xrf1) =	vunique.msk.u32 $0xffff, v3;
	_ =	sdelay $0xd  }
0x45: {  	v63, _, _ =	vpop (xrf1)  }
0x46: {  	vm4 =	vne.s32 v3, $0xFFFFFFFF;
	vm3 =	veq.s32 v63, v2  }
0x47: {  	vm5 =	vlt.u32 v5, $0x640000;
	vm3 =	vmand vm4, vm3  }
0x48: {  	vm3 =	vmand vm5, vm3  }
0x49: {  	v3 =	vnsel vm3, $0xFFFFFFFF, v3;
	_ =	sdelay $0x1  }
0x4a: {  	s30 =	sadd.s32 $0xFFFFFFF0, s23  }
0x4b: {  	s29 =	sand.u32 $0x10, s30  }
0x4c: {  	s26 =	sshrl.u32 s26, $0x3;
	s30 =	sadd.s32 $0x130, s29;
	(ifvalue) =	ssetifvalue $0xFFFFFFFF  }
0x4d: {  	[tilespmem:s30], [sflag:$0x8] =	stream.indirect_vreg.gather [hbm4b:s1+s19], $0x1, v3, vm0, $0x4038;
	v3 =	vnsel vm5, $0xFFFFFFFE, v3;
	[tilespmem:$0x1B0] =	vst v63  }
0x4e: {  	s26 =	sadd.s32 s5, s26;
	s31 =	sadd.s32 $0x150, s29;
	[tilespmem:s28+$0xFFFFFFF0] =	vst v3  }
0x4f: {  	[tilespmem:s31], [sflag:$0x8] =	stream.linear.gather [hbm:s26], $0x10, $0x38;
	[tilespmem:$0x1B0] =	vst v63  }
.LBB2_3:
0x50: {  	p0 =	slt.u32 s24, $0x2  }
0x51: {  	p1 =	sge.u32 @!p0 s24, s11  }
0x52: {  	p0 =	por p0, p1  }
.Ltmp3:
0x53: {  	_ = 	snop;
	(pc) =	sbr.rel @p0 .LBB2_5-.Ltmp3, $1  }
0x54: {  	_ =	sdelay $0x3  }
0x55: {  	s26 =	smulhi.u32 $0xAAAAAAAB, s18;
	_ =	sdelay $0x1  }
0x56: {  	s26 =	sshrl.u32 s26, $0x1  }
0x57: {  	s26 =	smul.u32 $0xC0, s26;
	_ =	sdelay $0x1  }
0x58: {  	p0 =	sne.s32 s16, s24;
	s30 =	ssub.s32 $0xFFFFFF80, s26  }
0x59: {  	_ =	swait.ge [sflag:s8], $0x20;
	s26 =	sshra.s32 @!p0 s30, $0x2  }
0x5a: {  	[sflag:s8] =	ssyncset.done $0x0;
	s26 =	sadd.s32 @!p0 s26, s17  }
0x5b: {  	s28 =	simm.s32 @!p0 $0x1;
	[sflag:s8] =	ssyncadd.s32 $0xFFFFFFE0;
	s26 =	sadd.s32 @!p0 $0xF, s26  }
0x5c: {  	[spmem:s12] =	stream.linear.scatter @!p0 [tilespmem:s26], [sflag:$0x1], $0x1, $0x38;
	[tilespmem:$0x1B0] =	vst v63  }
0x5d: {  	_ =	swait.ge @!p0 [sflag:s28], $0x1  }
0x5e: {  	[sflag:s28] =	ssyncset.done @!p0 $0x0  }
0x5f: {  	s26 =	sand.u32 $0x10, s23;
	[sflag:s28] =	ssyncadd.s32 @!p0 $0xFFFFFFFF  }
0x60: {  	s31 =	sxor.u32 $0x10, s26;
	v3 =	vld [tilespmem:s26+$0x10]  }
0x61: {  	v4 =	vld [tilespmem:s31+$0x60]  }
0x62: {  	v5 =	vld [tilespmem:$0x80];
	_ =	sdelay $0x2  }
0x63: {  	(v2sf) =	vpush v3, $0x0  }
0x64: {  	(v2sf) =	vpush v4, $0x0  }
0x65: {  	(v2sf) =	vpush v5, $0x0;
	_ =	sdelay $0xc  }
0x66: {  	s0 =	spop (v2sf)  }
0x67: {  	s2 =	spop (v2sf)  }
0x68: {  	s29 =	spop (v2sf)  }
0x69: {  	p1 =	seq.s32 s0, s2;
	p2 =	seq.s32 s29, s0  }
0x6a: {  	p2 =	por p1, p2  }
0x6b: {  	v3 =	vpsel p2, $0xFFFFFFFF, v3  }
0x6c: {  	v56 =	vld [tilespmem:s26+$0x150];
	[tilespmem:s26+$0x10] =	vst.msk $0x1, v3  }
0x6d: {  	v3 =	vld [tilespmem:$0x30]  }
0x6e: {  	v6 =	vld [tilespmem:s26+$0x40];
	_ =	sdelay $0x3  }
0x6f: {  	vm3 =	vmmov vm1;
	v4 =	vadd.f32 v56, v3  }
0x70: {  	vm4 =	vmmov vm2;
	vm3 =	vmmov @p1 vm2;
	v3 =	vadd.f32 v6, v3  }
0x71: {  	vm4 =	vmmov @p2 vm1;
	[tilespmem:s26+$0x150] =	vst.msk vm3, v4  }
0x72: {  	[tilespmem:s26+$0x190] =	vst.msk vm4, v3  }
0x73: {  	v3 =	vld [tilespmem:s26+$0x130];
	_ =	sdelay $0x4  }
0x74: {  	v3 =	vshift.insert v3, v0, s21  }
0x75: {  	s2 =	sor.u32 $0x40, s31  }
0x76: {  	[tilespmem:s2+$0x0] =	vst.msk $0x1, v3;
	s2 =	sshra.s32 s30, $0x2  }
0x77: {  	[tilespmem:s26+$0x13F] =	vst.msk $0x1, v0;
	s0 =	sadd.s32 s2, s17  }
0x78: {  	v3 =	vld [tilespmem:s0+$0x0];
	_ =	sdelay $0x4  }
0x79: {  	v3 =	vshift.insert v3, v1, s21;
	_ =	sdelay $0x1  }
0x7a: {  	[tilespmem:s31+$0x10] =	vst.msk $0x1, v3  }
0x7b: {  	v4 =	vld [tilespmem:s26+$0x150]  }
0x7c: {  	v57 =	vld [tilespmem:s0+$0x0];
	_ =	sdelay $0x3  }
0x7d: {  	v4 =	vadd.f32 $0.0e+00, v4  }
0x7e: {  	vm3 =	vne.s32 v57, $0xFFFFFFFF  }
0x7f: {  	(xrf2) =	vadd.seg.scan.f32 vm3, v4;
	_ =	sdelay $0x3  }
0x80: {  	v58 =	vperm.xlane v3, v1  }
0x81: {  	v7 =	vld [tilespmem:s26+$0x130]  }
0x82: {  	vm14 =	veq.s32 v57, v58;
	vm3 =	veq.s32 v57, v5  }
0x83: {  	vm5 =	vgt.u32 v57, $0xFFFFFFFD;
	vm4 =	vmor vm14, vm3  }
0x84: {  	vm4 =	vmor vm4, vm5  }
0x85: {  	v59 =	vsel vm4, $0xFFFFFFFF, v57  }
0x86: {  	v61 =	vsel vm3, $0x0, v7;
	v60, _, _ =	vpop (xrf2)  }
0x87: {  	v6 =	vadd.f32 v60, v61  }
0x88: {  	v62 =	vld [tilespmem:$0xA0]  }
0x89: {  	s30 =	sadd.s32 $0x170, s26;
	v8 =	vld [tilespmem:$0x90];
	[tilespmem:s26+$0x170] =	vst v6;
	(ifvalue) =	ssetifvalue $0xFFFFFFFF  }
0x8a: {  	[hbm4b:s1+s19] =	stream.indirect_vreg.scatter [tilespmem:s30], [sflag:$0x2], $0x1, v59, vm0, $0x4038;
	[tilespmem:$0x1B0] =	vst v63  }
0x8b: {  	v4 =	vld [tilespmem:s26+$0x170];
	_ =	sdelay $0x4  }
0x8c: {  	v4 =	vshift.insert v4, v0, s21  }
0x8d: {  	vm15 =	veq.s32 v62, $0x1  }
0x8e: {  	vm4 =	vmor vm15, vm3;
	v5 =	vsel vm3, v60, v8;
	[tilespmem:s22+$0x0] =	vst.msk $0x1, v4  }
0x8f: {  	v63 =	vsel vm4, $0x1, v1;
	[tilespmem:$0x90] =	vst v5  }
0x90: {  	s0 =	sadd.s32 @!p0 $0x17F, s26;
	[tilespmem:$0xA0] =	vst v63  }
0x91: {  	[spmem:s13] =	stream.linear.scatter @!p0 [tilespmem:s0], [sflag:$0x1], $0x1, $0x38;
	[tilespmem:$0x1B0] =	vst v63  }
0x92: {  	v4 =	vmctz.xlane @!p0 vm4;
	_ =	swait.ge @!p0 [sflag:s28], $0x1  }
0x93: {  	(v2sf) =	vpush @!p0 v3, $0x0  }
0x94: {  	(v2sf) =	vpush @!p0 v4, $0x0;
	_ =	sdelay $0xd  }
0x95: {  	s0 =	spop @!p0 (v2sf)  }
0x96: {  	s2 =	spop @!p0 (v2sf)  }
0x97: {  	p1 =	sne.s32 @!p0 s29, s0;
	p2 =	slt.s32 @!p0 s2, $0xF  }
0x98: {  	[sflag:s28] =	ssyncset.done @!p0 $0x0;
	p1 =	por p1, p0;
	p2 =	por !p2, p0  }
0x99: {  	[sflag:s28] =	ssyncadd.s32 @!p0 $0xFFFFFFFF;
	v3 =	vimm.s32 @!p1 $0xFFFFFFFF;
	s2 =	simm.s32 @p2 $0xF  }
0x9a: {  	[tilespmem:$0x80] =	vst @!p1 v3;
	s0 =	sadd.s32 @!p0 $0x90, s2  }
0x9b: {  	[spmem:s10] =	stream.linear.scatter @!p0 [tilespmem:s0], [sflag:$0x1], $0x1, $0x38;
	[tilespmem:$0x1B0] =	vst v63  }
0x9c: {  	_ =	swait.ge @!p0 [sflag:s28], $0x1  }
0x9d: {  	[sflag:s28] =	ssyncset.done @!p0 $0x0  }
0x9e: {  	s0 =	simm.s32 @!p0 $0x80;
	[sflag:s28] =	ssyncadd.s32 @!p0 $0xFFFFFFFF  }
0x9f: {  	[spmem:s14] =	stream.linear.scatter @!p0 [tilespmem:s0], [sflag:$0x1], $0x1, $0x38;
	[tilespmem:$0x1B0] =	vst v63  }
0xa0: {  	_ =	swait.ge @!p0 [sflag:s28], $0x1  }
0xa1: {  	[sflag:s28] =	ssyncset.done @!p0 $0x0  }
0xa2: {  	[sflag:s28] =	ssyncadd.s32 @!p0 $0xFFFFFFFF;
	(ifvalue) =	ssetifvalue $0xFFFFFFFF;
	v3 =	vld [tilespmem:s26+$0x10];
	_ =	sdelay $0x3  }
.Ltmp4:
0xa3: {  	_ = 	snop;
	(pc) =	sbr.rel .LBB2_5-.Ltmp4, $3  }
0xa4: {  	_ =	sdelay $0x1  }
0xa5: {  	s31 =	sadd.s32 $0x190, s26;
	(ifvalue) =	ssetifvalue $0xFFFFFFFF  }
0xa6: {  	[hbm4b:s1+s19] =	stream.indirect_vreg.scatter [tilespmem:s31], [sflag:$0x9], $0x1, v3, vm0, $0x4038;
	[tilespmem:$0x1B0] =	vst v63  }
.LBB2_6:
0xa7: {  	_ =	sfence.sel $0x180000  }
0xa8: {  	s0 =	simm.s32 $0x7;
	[bflag:$0x0] =	sbarrier.arrive $0xFFFF  }
0xa9: {  	s26 =	simm.s32 $0x8;
	[sflag:s0] =	ssyncpa.u1 $0x1  }
0xaa: {  	s28 =	simm.s32 $0x9;
	[sflag:s26] =	ssyncpa.u1 $0x1  }
0xab: {  	[sflag:s28] =	ssyncpa.u1 $0x1  }
0xac: {  	_ =	sfence.stream.spmem  }
0xad: {  	s29 =	simm.s32 $0x3;
	[bflag:$0x0] =	sbarrier.arrive $0xFFFF  }
0xae: {  	s30 =	simm.s32 $0x4;
	[sflag:s29] =	ssyncpa.u1 $0x1  }
0xaf: {  	s31 =	simm.s32 $0x3C;
	s2 =	stileid.u32;
	[sflag:s30] =	ssyncpa.u1 $0x1  }
0xb0: {  	p0 =	sne.s32 s2, $0x0;
	[sflag:s31] =	ssyncpa.u1 $0x1  }
0xb1: {  	s0 =	simm.s32 @p0 $0x1;
	_ =	sfence @p0  }
0xb2: {  	[sflag:s0] =	ssyncpa.u1 @p0 $0x1;
	s0 =	simm.s32 @p0 $0x2  }
0xb3: {  	[sflag:s0] =	ssyncpa.u1 @p0 $0x1  }
0xb4: {  	_ =	strace @p0 $0x9000004A  }
0xb5: {  	[bflag:$0x2] =	sbarrier.arrive @p0 $0xFFFF  }
0xb6: {  	_ =	shalt @p0  }
.LBB2_7:
0xb7: {  	_ =	sfence.stream.spmem;
	s0 =	simm.s32 $0x5  }
0xb8: {  	s2 =	simm.s32 $0x80;
	s3 =	simm.s32 $0xC0;
	[sflag:s0] =	ssyncpa.u1 $0x0  }
0xb9: {  	[tilespmem:s3], [sflag:$0x5] =	stream.linear.gather [spmem:s2], $0x4, $0x38;
	[tilespmem:$0x1B0] =	vst v63  }
0xba: {  	s2 =	simm.s32 $0x0;
	s3 =	simm.s32 $0xE0  }
0xbb: {  	[tilespmem:s3], [sflag:$0x5] =	stream.linear.gather [spmem:s2], $0x4, $0x38;
	[tilespmem:$0x1B0] =	vst v63  }
.Ltmp5:
0xbc: {  	_ = 	snop;
	(pc) =	sbr.rel .LBB2_8-.Ltmp5, $4  }
0xbd: {  	_ =	swait.ge [sflag:s0], $0x8  }
0xbe: {  	[sflag:s0] =	ssyncset.done $0x0  }
0xbf: {  	s31 =	simm.s32 $0x6;
	[sflag:s0] =	ssyncadd.s32 $0xFFFFFFF8  }
0xc0: {  	s4 =	simm.s32 $0x0;
	[sflag:s31] =	ssyncpa.u1 $0x0  }
.LBB2_13:
0xc1: {  	p0 =	sgt.u32 s5, $0x63FFFF  }
0xc2: {  	s0 =	sshrl.u32 @!p0 s5, $0x3  }
0xc3: {  	s5 =	sand.u32 @!p0 $0x7, s5;
	s6 =	simm.s32 @!p0 $0xB0;
	s0 =	sadd.s32 @!p0 s1, s0  }
0xc4: {  	[tilespmem:s6], [sflag:$0x6] =	stream.linear.gather @!p0 [hbm4b:s0+s5], $0x1, $0x38;
	[tilespmem:$0x1B0] =	vst v63  }
0xc5: {  	s0 =	simm.s32 @!p0 $0x6  }
0xc6: {  	_ =	swait.ge @!p0 [sflag:s0], $0x1  }
0xc7: {  	[sflag:s0] =	ssyncset.done @!p0 $0x0  }
0xc8: {  	[sflag:s0] =	ssyncadd.s32 @!p0 $0xFFFFFFFF  }
0xc9: {  	v2 =	vmov @!p0 s4;
	v1 =	vld.msk @!p0 [tilespmem:$0xB0], $0x1;
	_ =	sdelay $0x3  }
0xca: {  	s0 =	simm.s32 @!p0 $0xE0  }
0xcb: {  	[tilespmem:v2+s0+$0x0], v1 =	vst.idx.ret.add.f32.msk @!p0 $0x1, v1  }
0xcc: {  	[tilespmem:s2+$0xC0] =	vst.msk $0x1, v0  }
0xcd: {  	v0 =	vld.msk [tilespmem:s4+$0xE0], $0x1;
	_ =	sdelay $0x4  }
0xce: {  	[tilespmem:s2+$0xE0] =	vst.msk $0x1, v0;
	s2 =	sadd.s32 $0x1, s2  }
.LBB2_15:
0xcf: {  	s4 =	sadd.s32 $0x1, s4  }
0xd0: {  	p0 =	sne.s32 s4, $0x4  }
.Ltmp6:
0xd1: {  	_ = 	snop;
	(pc) =	sbr.rel @!p0 .LBB2_16-.Ltmp6, $1  }
0xd2: {  	_ =	sdelay $0x3  }
.LBB2_8:
0xd3: {  	v0 =	vld.msk [tilespmem:s4+$0xC0], $0x1;
	_ =	sdelay $0x4  }
0xd4: {  	(v2sf) =	vpush v0, $0x0;
	_ =	sdelay $0xe  }
0xd5: {  	s5 =	spop (v2sf)  }
0xd6: {  	p0 =	seq.s32 s5, $0xFFFFFFFF  }
.Ltmp7:
0xd7: {  	_ = 	snop;
	(pc) =	sbr.rel @p0 .LBB2_15-.Ltmp7, $1  }
0xd8: {  	_ =	sdelay $0x3  }
0xd9: {  	p0 =	slt.s32 s2, $0x1  }
.Ltmp8:
0xda: {  	_ = 	snop;
	(pc) =	sbr.rel @p0 .LBB2_13-.Ltmp8, $1  }
0xdb: {  	_ =	sdelay $0x3  }
0xdc: {  	s6 =	simm.s32 $0xC0;
	p0 =	por $0x0, $0x0  }
0xdd: {  	v1 =	vld.msk @!p0 [tilespmem:s6+$0x0], $0x1;
	_ =	sdelay $0x4  }
0xde: {  	(v2sf) =	vpush @!p0 v1, $0x0;
	_ =	sdelay $0xd  }
0xdf: {  	p2 =	sne.s32 s2, $0x1  }
.Ltmp9:
0xe0: {  	s0 =	spop @!p0 (v2sf);
	(pc) =	sbr.rel @!p2 .LBB2_12-.Ltmp9, $4  }
0xe1: {  	p1 =	seq.s32 @!p0 s5, s0  }
0xe2: {  	s7 =	simm.s32 $0x0;
	p1 =	por !p1, p0  }
0xe3: {  	s0 =	simm.s32 $0xFFFFFFFF;
	s7 =	simm.s32 @p1 $0xFFFFFFFF  }
0xe4: {  	s8 =	simm.s32 $0x1;
	s7 =	smov.u32 @p0 s0  }
.LBB2_11:
0xe5: {  	s0 =	smov.u32 s7;
	p0 =	sne.s32 s7, $0xFFFFFFFF  }
0xe6: {  	s6 =	sadd.s32 $0x1, s6;
	s7 =	smov.u32 s8;
	s8 =	sadd.s32 $0x1, s8  }
0xe7: {  	p1 =	sne.s32 s2, s8;
	v1 =	vld.msk @!p0 [tilespmem:s6+$0x0], $0x1;
	_ =	sdelay $0x4  }
0xe8: {  	(v2sf) =	vpush @!p0 v1, $0x0;
	_ =	sdelay $0xe  }
.Ltmp10:
0xe9: {  	s9 =	spop @!p0 (v2sf);
	(pc) =	sbr.rel @p1 .LBB2_11-.Ltmp10, $4  }
0xea: {  	p2 =	seq.s32 @!p0 s5, s9  }
0xeb: {  	p2 =	por !p2, p0  }
0xec: {  	s7 =	simm.s32 @p2 $0xFFFFFFFF  }
0xed: {  	s7 =	smov.u32 @p0 s0  }
.LBB2_12:
0xee: {  	p0 =	sne.s32 s7, $0xFFFFFFFF  }
.Ltmp11:
0xef: {  	_ = 	snop;
	(pc) =	sbr.rel @!p0 .LBB2_13-.Ltmp11, $1  }
0xf0: {  	_ =	sdelay $0x3  }
0xf1: {  	v0 =	vld.msk [tilespmem:s4+$0xE0], $0x1;
	v1 =	vmov s7  }
.Ltmp12:
0xf2: {  	_ = 	snop;
	(pc) =	sbr.rel .LBB2_15-.Ltmp12, $2  }
0xf3: {  	_ =	sdelay $0x2  }
0xf4: {  	[tilespmem:v1+s3+$0x0], v0 =	vst.idx.ret.add.f32.msk $0x1, v0  }
.LBB2_16:
0xf5: {  	p0 =	slt.s32 s2, $0x1  }
.Ltmp13:
0xf6: {  	_ = 	snop;
	(pc) =	sbr.rel @p0 .LBB2_20-.Ltmp13, $3  }
0xf7: {  	_ =	sdelay $0x1  }
0xf8: {  	s0 =	simm.s32 $0x6  }
0xf9: {  	s3 =	simm.s32 $0x0;
	[sflag:s0] =	ssyncpa.u1 $0x1  }
0xfa: {  	s0 =	simm.s32 $0xC0  }
0xfb: {  	v0 =	vld.msk [tilespmem:s0+$0x0], $0x1;
	_ =	sdelay $0x4  }
0xfc: {  	(v2sf) =	vpush v0, $0x0;
	_ =	sdelay $0xd  }
0xfd: {  	s2 =	sadd.s32 $0xFFFFFFFF, s2  }
0xfe: {  	p1 =	sne.s32 s2, $0x0;
	s0 =	spop (v2sf)  }
.Ltmp14:
0xff: {  	p0 =	sgt.u32 s0, $0x63FFFF;
	(pc) =	sbr.rel @!p1 .LBB2_19-.Ltmp14, $4  }
0x100: {  	s4 =	simm.s32 $0xE0;
	s5 =	sshrl.u32 @!p0 s0, $0x3  }
0x101: {  	s6 =	simm.s32 $0x0;
	s0 =	sand.u32 @!p0 $0x7, s0;
	s5 =	sadd.s32 @!p0 s1, s5  }
0x102: {  	[hbm4b:s5+s0] =	stream.linear.scatter @!p0 [tilespmem:s4], [sflag:$0x5], $0x1, $0x38;
	[tilespmem:$0x1B0] =	vst v63  }
0x103: {  	s6 =	simm.s32 @!p0 $0x4;
	s5 =	simm.s32 $0xC1  }
.LBB2_18:
0x104: {  	v0 =	vld.msk [tilespmem:s5+$0x0], $0x1;
	s2 =	sadd.s32 $0xFFFFFFFF, s2;
	s3 =	sadd.s32 s3, s6  }
0x105: {  	p0 =	sne.s32 s2, $0x0;
	_ =	sdelay $0x3  }
0x106: {  	(v2sf) =	vpush v0, $0x0;
	_ =	sdelay $0xe  }
.Ltmp15:
0x107: {  	s0 =	spop (v2sf);
	(pc) =	sbr.rel @p0 .LBB2_18-.Ltmp15, $4  }
0x108: {  	s6 =	simm.s32 $0x0;
	p1 =	sgt.u32 s0, $0x63FFFF  }
0x109: {  	s4 =	sadd.s32 $0x1, s4;
	s6 =	simm.s32 @!p1 $0x4;
	s7 =	sshrl.u32 @!p1 s0, $0x3  }
0x10a: {  	s5 =	sadd.s32 $0x1, s5;
	s0 =	sand.u32 @!p1 $0x7, s0;
	s7 =	sadd.s32 @!p1 s1, s7  }
0x10b: {  	[hbm4b:s7+s0] =	stream.linear.scatter @!p1 [tilespmem:s4], [sflag:$0x5], $0x1, $0x38;
	[tilespmem:$0x1B0] =	vst v63  }
.LBB2_19:
0x10c: {  	s0 =	sadd.s32 s3, s6  }
0x10d: {  	s3 =	sshrl.u32 s0, $0x2  }
.LBB2_20:
0x10e: {  	s0 =	simm.s32 $0x5  }
0x10f: {  	_ =	swait.ge [sflag:s0], s3  }
0x110: {  	s1 =	ssub.s32 $0x0, s3;
	[sflag:s0] =	ssyncset.done $0x0  }
0x111: {  	[sflag:s0] =	ssyncadd.s32 s1  }
0x112: {  	[sflag:s0] =	ssyncpa.u1 $0x1  }
0x113: {  	s29 =	simm.s32 $0x1;
	_ =	sfence  }
0x114: {  	s30 =	simm.s32 $0x2;
	[sflag:s29] =	ssyncpa.u1 $0x1  }
0x115: {  	[sflag:s30] =	ssyncpa.u1 $0x1  }
0x116: {  	_ =	strace $0x9000004A  }
0x117: {  	[bflag:$0x2] =	sbarrier.arrive $0xFFFF  }
0x118: {  	s31 =	rddreg [dreg:$0x1]  }
0x119: {  	s0 =	sadd.s32 $0x100000, s31  }
0x11a: {  	[sflag:s0] =	ssyncadd.tile.s32 $0x1;
	_ =	shalt  }
.Lfunc_end2:
_tile_overlayer_lowered:
.L_overlay_start_2:
0x11b: {  	(tag) =	ssettag $0x2  }
0x11c: {  	s0 =	rddreg [dreg:$0x0];
	s2 =	stileid.u32  }
0x11d: {  	s1 =	rddreg [dreg:$0x1];
	p0 =	sne.s32 s2, $0x0  }
0x11e: {  	s3 =	rddreg [dreg:$0x2];
	[bflag:$0x3] =	sbarrier.arrive $0xFFFF;
	s2 =	simm.s32 @!p0 $0x1C01  }
0x11f: {  	[timem:s3], [sflag:s2] =	dma.local @!p0 [hbm:s0], s1  }
0x120: {  	s0 =	simm.s32 @!p0 $0x1  }
0x121: {  	_ =	swait.ge @!p0 [sflag:s0], s1  }
0x122: {  	s1 =	ssub.s32 @!p0 $0x0, s1;
	[sflag:s0] =	ssyncset.done @!p0 $0x0  }
0x123: {  	[sflag:s0] =	ssyncadd.s32 @!p0 s1  }
0x124: {  	[bflag:$0x3] =	sbarrier.arrive $0xFFFF  }
0x125: {  	_ =	shalt  }

</sc_bundles>
